<compile_context>
chip_gen: v7x
topology: tpu7x:2x2x1
jax: 0.10.2.dev20260603
libtpu: 0.0.44.dev20260713+nightly
codegen_flags: <defaults>
</compile_context>

<pallas_src>
import functools

import jax
import jax.numpy as jnp
from jax import lax
from jax.experimental import pallas as pl
from jax.experimental.pallas import tpu as pltpu
from jax.experimental.pallas import tpu_sc as plsc

BS = 1024
TSTPS = 50
N_NODES = 26
OUT_DIM = 64
TYPE_DIM = 3
TPAD = 8


def _sc_node_gather(node4, gid):
    info = plsc.get_sparse_core_info()
    nw = info.num_cores * info.num_subcores
    b_per_w = BS // nw

    mesh = plsc.VectorSubcoreMesh(core_axis_name="c", subcore_axis_name="s")

    @functools.partial(
        pl.kernel,
        mesh=mesh,
        out_type=jax.ShapeDtypeStruct((BS, TSTPS, OUT_DIM), jnp.float32),
        scratch_types=[
            pltpu.VMEM((b_per_w,), jnp.int32),
            pltpu.VMEM((8, TSTPS, OUT_DIM), jnp.float32),
            pltpu.VMEM((8, TSTPS, OUT_DIM), jnp.float32),
            pltpu.SemaphoreType.DMA,
            pltpu.SemaphoreType.DMA,
        ],
    )
    def k(node_hbm, gid_hbm, ng_out, gidx_v, buf0, buf1, sem, wsem):
        wid = lax.axis_index("s") * info.num_cores + lax.axis_index("c")
        base = wid * b_per_w
        pltpu.sync_copy(gid_hbm.at[wid], gidx_v)
        gv0 = gidx_v[pl.ds(0, 16)]
        gv1 = gidx_v[pl.ds(16, 16)]
        bufs = (buf0, buf1)
        wb = [None, None]
        for r in range(b_per_w // 8):
            bi = r % 2
            if wb[bi] is not None:
                wb[bi].wait()
            gs = []
            for i in range(8):
                idx = r * 8 + i
                g = (gv0 if idx < 16 else gv1)[idx % 16]
                gs.append(pltpu.async_copy(
                    node_hbm.at[base + idx, :, g, :], bufs[bi].at[i], sem))
            for c in gs:
                c.wait()
            wb[bi] = pltpu.async_copy(
                bufs[bi], ng_out.at[pl.ds(base + r * 8, 8)], wsem)
        wb[0].wait()
        wb[1].wait()

    return k(node4, gid)


def _sc_type_gather(table, gid):
    info = plsc.get_sparse_core_info()
    nw = info.num_cores * info.num_subcores
    g_per_w = BS // nw

    mesh = plsc.VectorSubcoreMesh(core_axis_name="c", subcore_axis_name="s")

    @functools.partial(
        pl.kernel,
        mesh=mesh,
        compiler_params=pltpu.CompilerParams(use_tc_tiling_on_sc=False),
        out_type=jax.ShapeDtypeStruct((nw, g_per_w, TPAD), jnp.float32),
        scratch_types=[
            pltpu.VMEM((g_per_w,), jnp.int32),
            pltpu.VMEM((g_per_w, TPAD), jnp.float32),
            pltpu.SemaphoreType.DMA,
        ],
    )
    def k(tbl_hbm, gid_hbm, gt_out, gidx_v, gt_v, sem):
        wid = lax.axis_index("s") * info.num_cores + lax.axis_index("c")
        pltpu.sync_copy(gid_hbm.at[wid], gidx_v)
        pltpu.async_copy(tbl_hbm.at[gidx_v], gt_v, sem).wait()
        pltpu.sync_copy(gt_v, gt_out.at[wid])

    return k(table, gid)


_BB = 32


def _tc_body(ng_ref, gt_ref, w1t_ref, w2t_ref, b_ref, out_ref):
    ng = ng_ref[...]
    gt = gt_ref[...][:, 0, :]
    acc = lax.dot_general(ng, w2t_ref[...], (((2,), (0,)), ((), ())),
                          preferred_element_type=jnp.float32)
    gtr = jnp.dot(gt, w1t_ref[...], preferred_element_type=jnp.float32)
    out_ref[...] = acc + gtr[:, None, :] + b_ref[...][None, :, :]


def _tc_fuse(ng3, gt, w1t, w2t, bvec):
    grid = (BS // _BB,)
    return pl.pallas_call(
        _tc_body,
        grid=grid,
        in_specs=[
            pl.BlockSpec((_BB, TSTPS, OUT_DIM), lambda i: (i, 0, 0)),
            pl.BlockSpec((_BB, 1, TPAD), lambda i: (i, 0, 0)),
            pl.BlockSpec((TPAD, OUT_DIM), lambda i: (0, 0)),
            pl.BlockSpec((OUT_DIM, OUT_DIM), lambda i: (0, 0)),
            pl.BlockSpec((1, OUT_DIM), lambda i: (0, 0)),
        ],
        out_specs=pl.BlockSpec((_BB, TSTPS, OUT_DIM), lambda i: (i, 0, 0)),
        out_shape=jax.ShapeDtypeStruct((BS, TSTPS, OUT_DIM), jnp.float32),
    )(ng3, gt, w1t, w2t, bvec)


def kernel(goal_id, goal_classnode_id, goal_node_id, node_repr, goal_type_table, W, b):
    del goal_classnode_id
    info = plsc.get_sparse_core_info()
    nw = info.num_cores * info.num_subcores

    gnid = goal_node_id.astype(jnp.int32).reshape(nw, BS // nw)
    ng3 = _sc_node_gather(node_repr, gnid)

    table_pad = jnp.pad(goal_type_table, ((0, 0), (0, TPAD - TYPE_DIM)))
    gt = _sc_type_gather(
        table_pad, goal_id.astype(jnp.int32).reshape(nw, BS // nw)
    ).reshape(BS, 1, TPAD)

    w1t = jnp.pad(W[:, :TYPE_DIM].T, ((0, TPAD - TYPE_DIM), (0, 0)))
    w2t = W[:, TYPE_DIM:].T
    return _tc_fuse(ng3, gt, w1t, w2t, b.reshape(1, OUT_DIM))

# --- scband reference (transcript-rebuilt; emitter-appended) ---
"""Pipeline reference for scband-goal-embed-34608846471308 (READ-ONLY COPY).

The authoritative reference and input builder live on the scoring server;
editing this copy changes nothing except your own understanding.
"""

import jax, jax.numpy as jnp
import numpy as np

NUM_GOALS = 100000
OUT_DIM = 64
TYPE_DIM = 3
BS = 1024
TSTPS = 50
N_NODES = 26


def setup_inputs(seed: int = 0) -> dict:
    key = jax.random.key(seed)
    k1, k2, k3, k4, k5, k6, k7 = jax.random.split(key, 7)
    goal_id = jax.random.randint(k1, (BS,), 0, NUM_GOALS, dtype=jnp.int64 if jax.config.jax_enable_x64 else jnp.int32)
    goal_classnode_id = jax.random.randint(k2, (BS,), 0, N_NODES)
    goal_node_id = jax.random.randint(k3, (BS,), 0, N_NODES)
    node_repr = jax.random.normal(k4, (BS, TSTPS, N_NODES, OUT_DIM), dtype=jnp.float32)
    # learned parameters
    goal_type_table = jax.random.normal(k5, (NUM_GOALS, TYPE_DIM), dtype=jnp.float32)
    lim = 1.0 / np.sqrt(OUT_DIM + TYPE_DIM)
    W = jax.random.uniform(k6, (OUT_DIM, OUT_DIM + TYPE_DIM), minval=-lim, maxval=lim, dtype=jnp.float32)
    b = jax.random.uniform(k7, (OUT_DIM,), minval=-lim, maxval=lim, dtype=jnp.float32)
    return {
        "goal_id": goal_id,
        "goal_classnode_id": goal_classnode_id,
        "goal_node_id": goal_node_id,
        "node_repr": node_repr,
        "goal_type_table": goal_type_table,
        "W": W,
        "b": b,
    }


def reference(goal_id, goal_classnode_id, goal_node_id, node_repr, goal_type_table, W, b):
    # goal_type = self.goal_type_embed(goal_id)
    goal_type = jnp.take(goal_type_table, goal_id, axis=0)  # [bs, type_dim]
    bs, tstps = node_repr.shape[:2]
    # unsqueeze(-2).repeat(1, tstps, 1)
    goal_type = jnp.broadcast_to(goal_type[:, None, :], (bs, tstps, goal_type.shape[-1]))
    # node_repr[arange(bs), :, goal_node_id, :] -> advanced indices first: [bs, tstps, out_dim]
    node_goal = node_repr[jnp.arange(bs), :, goal_node_id, :]
    goal_and_node = jnp.concatenate([goal_type, node_goal], axis=2)  # [bs, tstps, out_dim+type_dim]
    out = jnp.dot(goal_and_node, W.T) + b  # [bs, tstps, out_dim]
    return out

if __name__ == "__main__":
    import jax
    _d = setup_inputs()
    print(jax.jit(kernel)(*tuple(_d.values())))

</pallas_src>

<mosaic_0001>
#map = affine_map<(d0, d1) -> (0, 0)>
#map1 = affine_map<(d0, d1) -> (0, 0, 0)>
module attributes {stable_mosaic.version = 14 : i64} {
  func.func @k(%arg0: i32, %arg1: i32, %arg2: memref<100000x8xf32, #tpu.memory_space<hbm>>, %arg3: memref<32x32xi32, #tpu.memory_space<hbm>>, %arg4: memref<32x32x8xf32, #tpu.memory_space<hbm>>, %arg5: memref<32xi32, #tpu.memory_space<vmem>>, %arg6: memref<32x8xf32, #tpu.memory_space<vmem>>, %arg7: memref<!tpu.dma_semaphore, #tpu.memory_space<semaphore_mem>>) attributes {dimension_semantics = [#tpu.dimension_semantics<core_parallel>, #tpu.dimension_semantics<subcore_parallel>], iteration_bounds = array<i64: 2, 16>, scalar_prefetch = 0 : i64, scratch_operands = 3 : i64, tpu.core_type = #tpu.core_type<sc_vector_subcore>, window_params = [{transform_indices = #map}, {transform_indices = #map}, {transform_indices = #map1}]} {
    %mul3A = arith.constant 2 : i32
    %mul3A_0 = arith.muli %arg1, %mul3A : i32
    %add3A = arith.addi %mul3A_0, %arg0 : i32
    "tpu.region"() ({
      %run_scoped3A = tpu.sem_alloc : memref<!tpu.dma_semaphore, #tpu.memory_space<semaphore_mem>>
      %dma_start3A_5 = arith.constant 0 : i32
      %dma_start3A_6 = tpu.memref_slice %arg3[%add3A, %dma_start3A_5] : memref<32x32xi32, #tpu.memory_space<hbm>> -> memref<1x32xi32, #tpu.memory_space<hbm>>
      %dma_start3A_7 = tpu.memref_squeeze %dma_start3A_6 : memref<1x32xi32, #tpu.memory_space<hbm>> -> memref<32xi32, #tpu.memory_space<hbm>>
      %dma_start3A_8 = arith.constant 0 : i32
      %dma_start3A_9 = tpu.memref_slice %arg3[%add3A, %dma_start3A_8] : memref<32x32xi32, #tpu.memory_space<hbm>> -> memref<1x32xi32, #tpu.memory_space<hbm>>
      %dma_start3A_10 = tpu.memref_squeeze %dma_start3A_9 : memref<1x32xi32, #tpu.memory_space<hbm>> -> memref<32xi32, #tpu.memory_space<hbm>>
      tpu.enqueue_dma source(%dma_start3A_10 : memref<32xi32, #tpu.memory_space<hbm>>) target(%arg5 : memref<32xi32, #tpu.memory_space<vmem>>) target_semaphore(%run_scoped3A : memref<!tpu.dma_semaphore, #tpu.memory_space<semaphore_mem>>)
      %dma_wait3A_11 = arith.constant 0 : i32
      %dma_wait3A_12 = tpu.memref_slice %arg3[%add3A, %dma_wait3A_11] : memref<32x32xi32, #tpu.memory_space<hbm>> -> memref<1x32xi32, #tpu.memory_space<hbm>>
      %dma_wait3A_13 = tpu.memref_squeeze %dma_wait3A_12 : memref<1x32xi32, #tpu.memory_space<hbm>> -> memref<32xi32, #tpu.memory_space<hbm>>
      %dma_wait3A_14 = arith.constant 0 : i32
      %dma_wait3A_15 = tpu.memref_slice %arg3[%add3A, %dma_wait3A_14] : memref<32x32xi32, #tpu.memory_space<hbm>> -> memref<1x32xi32, #tpu.memory_space<hbm>>
      %dma_wait3A_16 = tpu.memref_squeeze %dma_wait3A_15 : memref<1x32xi32, #tpu.memory_space<hbm>> -> memref<32xi32, #tpu.memory_space<hbm>>
      tpu.wait_dma2 semaphore(%run_scoped3A : memref<!tpu.dma_semaphore, #tpu.memory_space<semaphore_mem>>) src(%dma_wait3A_16 : memref<32xi32, #tpu.memory_space<hbm>>) dst(%arg5 : memref<32xi32, #tpu.memory_space<vmem>>)
      tpu.yield
    }) : () -> ()
    %dma_start3A = arith.constant 0 : i32
    %dma_start3A_1 = arith.constant 0 : i32
    %dma_start3A_2 = tpu.memref_slice %arg2[%dma_start3A, %dma_start3A_1] : memref<100000x8xf32, #tpu.memory_space<hbm>> -> memref<100000x8xf32, #tpu.memory_space<hbm>>
    tpu.enqueue_indirect_dma source(%dma_start3A_2 : memref<100000x8xf32, #tpu.memory_space<hbm>>) target(%arg6 : memref<32x8xf32, #tpu.memory_space<vmem>>) offsets(%arg5 : memref<32xi32, #tpu.memory_space<vmem>>) semaphore(%arg7 : memref<!tpu.dma_semaphore, #tpu.memory_space<semaphore_mem>>)
    %dma_wait3A = arith.constant 0 : i32
    %dma_wait3A_3 = arith.constant 0 : i32
    %dma_wait3A_4 = tpu.memref_slice %arg2[%dma_wait3A, %dma_wait3A_3] : memref<100000x8xf32, #tpu.memory_space<hbm>> -> memref<100000x8xf32, #tpu.memory_space<hbm>>
    tpu.wait_indirect_dma semaphore(%arg7 : memref<!tpu.dma_semaphore, #tpu.memory_space<semaphore_mem>>) src(%dma_wait3A_4 : memref<100000x8xf32, #tpu.memory_space<hbm>>) dst(%arg6 : memref<32x8xf32, #tpu.memory_space<vmem>>)
    "tpu.region"() ({
      %run_scoped3A = tpu.sem_alloc : memref<!tpu.dma_semaphore, #tpu.memory_space<semaphore_mem>>
      %dma_start3A_5 = arith.constant 0 : i32
      %dma_start3A_6 = arith.constant 0 : i32
      %dma_start3A_7 = tpu.memref_slice %arg4[%add3A, %dma_start3A_5, %dma_start3A_6] : memref<32x32x8xf32, #tpu.memory_space<hbm>> -> memref<1x32x8xf32, #tpu.memory_space<hbm>>
      %dma_start3A_8 = tpu.memref_squeeze %dma_start3A_7 : memref<1x32x8xf32, #tpu.memory_space<hbm>> -> memref<32x8xf32, #tpu.memory_space<hbm>>
      %dma_start3A_9 = arith.constant 0 : i32
      %dma_start3A_10 = arith.constant 0 : i32
      %dma_start3A_11 = tpu.memref_slice %arg4[%add3A, %dma_start3A_9, %dma_start3A_10] : memref<32x32x8xf32, #tpu.memory_space<hbm>> -> memref<1x32x8xf32, #tpu.memory_space<hbm>>
      %dma_start3A_12 = tpu.memref_squeeze %dma_start3A_11 : memref<1x32x8xf32, #tpu.memory_space<hbm>> -> memref<32x8xf32, #tpu.memory_space<hbm>>
      tpu.enqueue_dma source(%arg6 : memref<32x8xf32, #tpu.memory_space<vmem>>) target(%dma_start3A_12 : memref<32x8xf32, #tpu.memory_space<hbm>>) target_semaphore(%run_scoped3A : memref<!tpu.dma_semaphore, #tpu.memory_space<semaphore_mem>>)
      %dma_wait3A_13 = arith.constant 0 : i32
      %dma_wait3A_14 = arith.constant 0 : i32
      %dma_wait3A_15 = tpu.memref_slice %arg4[%add3A, %dma_wait3A_13, %dma_wait3A_14] : memref<32x32x8xf32, #tpu.memory_space<hbm>> -> memref<1x32x8xf32, #tpu.memory_space<hbm>>
      %dma_wait3A_16 = tpu.memref_squeeze %dma_wait3A_15 : memref<1x32x8xf32, #tpu.memory_space<hbm>> -> memref<32x8xf32, #tpu.memory_space<hbm>>
      %dma_wait3A_17 = arith.constant 0 : i32
      %dma_wait3A_18 = arith.constant 0 : i32
      %dma_wait3A_19 = tpu.memref_slice %arg4[%add3A, %dma_wait3A_17, %dma_wait3A_18] : memref<32x32x8xf32, #tpu.memory_space<hbm>> -> memref<1x32x8xf32, #tpu.memory_space<hbm>>
      %dma_wait3A_20 = tpu.memref_squeeze %dma_wait3A_19 : memref<1x32x8xf32, #tpu.memory_space<hbm>> -> memref<32x8xf32, #tpu.memory_space<hbm>>
      tpu.wait_dma2 semaphore(%run_scoped3A : memref<!tpu.dma_semaphore, #tpu.memory_space<semaphore_mem>>) src(%arg6 : memref<32x8xf32, #tpu.memory_space<vmem>>) dst(%dma_wait3A_20 : memref<32x8xf32, #tpu.memory_space<hbm>>)
      tpu.yield
    }) : () -> ()
    return
  }
}

#map = affine_map<(d0, d1) -> (0, 0, 0, 0)>
#map1 = affine_map<(d0, d1) -> (0, 0)>
#map2 = affine_map<(d0, d1) -> (0, 0, 0)>
module attributes {stable_mosaic.version = 14 : i64} {
  func.func @k(%arg0: i32, %arg1: i32, %arg2: memref<1024x50x26x64xf32, #tpu.memory_space<hbm>>, %arg3: memref<32x32xi32, #tpu.memory_space<hbm>>, %arg4: memref<1024x50x64xf32, #tpu.memory_space<hbm>>, %arg5: memref<32xi32, #tpu.memory_space<vmem>>, %arg6: memref<8x50x64xf32, #tpu.memory_space<vmem>>, %arg7: memref<8x50x64xf32, #tpu.memory_space<vmem>>, %arg8: memref<!tpu.dma_semaphore, #tpu.memory_space<semaphore_mem>>, %arg9: memref<!tpu.dma_semaphore, #tpu.memory_space<semaphore_mem>>) attributes {dimension_semantics = [#tpu.dimension_semantics<core_parallel>, #tpu.dimension_semantics<subcore_parallel>], iteration_bounds = array<i64: 2, 16>, scalar_prefetch = 0 : i64, scratch_operands = 5 : i64, tpu.core_type = #tpu.core_type<sc_vector_subcore>, window_params = [{transform_indices = #map}, {transform_indices = #map1}, {transform_indices = #map2}]} {
    %mul3A = arith.constant 2 : i32
    %mul3A_0 = arith.muli %arg1, %mul3A : i32
    %add3A = arith.addi %mul3A_0, %arg0 : i32
    %mul3A_1 = arith.constant 32 : i32
    %mul3A_2 = arith.muli %add3A, %mul3A_1 : i32
    "tpu.region"() ({
      %run_scoped3A = tpu.sem_alloc : memref<!tpu.dma_semaphore, #tpu.memory_space<semaphore_mem>>
      %dma_start3A_1276 = arith.constant 0 : i32
      %dma_start3A_1277 = tpu.memref_slice %arg3[%add3A, %dma_start3A_1276] : memref<32x32xi32, #tpu.memory_space<hbm>> -> memref<1x32xi32, #tpu.memory_space<hbm>>
      %dma_start3A_1278 = tpu.memref_squeeze %dma_start3A_1277 : memref<1x32xi32, #tpu.memory_space<hbm>> -> memref<32xi32, #tpu.memory_space<hbm>>
      %dma_start3A_1279 = arith.constant 0 : i32
      %dma_start3A_1280 = tpu.memref_slice %arg3[%add3A, %dma_start3A_1279] : memref<32x32xi32, #tpu.memory_space<hbm>> -> memref<1x32xi32, #tpu.memory_space<hbm>>
      %dma_start3A_1281 = tpu.memref_squeeze %dma_start3A_1280 : memref<1x32xi32, #tpu.memory_space<hbm>> -> memref<32xi32, #tpu.memory_space<hbm>>
      tpu.enqueue_dma source(%dma_start3A_1281 : memref<32xi32, #tpu.memory_space<hbm>>) target(%arg5 : memref<32xi32, #tpu.memory_space<vmem>>) target_semaphore(%run_scoped3A : memref<!tpu.dma_semaphore, #tpu.memory_space<semaphore_mem>>)
      %dma_wait3A_1282 = arith.constant 0 : i32
      %dma_wait3A_1283 = tpu.memref_slice %arg3[%add3A, %dma_wait3A_1282] : memref<32x32xi32, #tpu.memory_space<hbm>> -> memref<1x32xi32, #tpu.memory_space<hbm>>
      %dma_wait3A_1284 = tpu.memref_squeeze %dma_wait3A_1283 : memref<1x32xi32, #tpu.memory_space<hbm>> -> memref<32xi32, #tpu.memory_space<hbm>>
      %dma_wait3A_1285 = arith.constant 0 : i32
      %dma_wait3A_1286 = tpu.memref_slice %arg3[%add3A, %dma_wait3A_1285] : memref<32x32xi32, #tpu.memory_space<hbm>> -> memref<1x32xi32, #tpu.memory_space<hbm>>
      %dma_wait3A_1287 = tpu.memref_squeeze %dma_wait3A_1286 : memref<1x32xi32, #tpu.memory_space<hbm>> -> memref<32xi32, #tpu.memory_space<hbm>>
      tpu.wait_dma2 semaphore(%run_scoped3A : memref<!tpu.dma_semaphore, #tpu.memory_space<semaphore_mem>>) src(%dma_wait3A_1287 : memref<32xi32, #tpu.memory_space<hbm>>) dst(%arg5 : memref<32xi32, #tpu.memory_space<vmem>>)
      tpu.yield
    }) : () -> ()
    %get3A = arith.constant 0 : index
    %get3A_3 = tpu.vector_load %arg5[%get3A] {strides = array<i32>} : memref<32xi32, #tpu.memory_space<vmem>>, vector<16xi32>,
    %get3A_4 = vector.shape_cast %get3A_3 : vector<16xi32> to vector<16xi32>
    %get3A_5 = arith.constant 16 : index
    %get3A_6 = tpu.vector_load %arg5[%get3A_5] {strides = array<i32>} : memref<32xi32, #tpu.memory_space<vmem>>, vector<16xi32>,
    %get3A_7 = vector.shape_cast %get3A_6 : vector<16xi32> to vector<16xi32>
    %slice3A = vector.extract_strided_slice %get3A_4 {offsets = [0], sizes = [1], strides = [1]} : vector<16xi32> to vector<1xi32>
    %squeeze3A = vector.extract %slice3A[0] : i32 from vector<1xi32>
    %add3A_8 = arith.constant 0 : i32
    %add3A_9 = arith.addi %mul3A_2, %add3A_8 : i32
    %dma_start3A = arith.constant 0 : i32
    %dma_start3A_10 = arith.constant 0 : i32
    %dma_start3A_11 = arith.constant 0 : i32
    %dma_start3A_12 = tpu.memref_slice %arg6[%dma_start3A, %dma_start3A_10, %dma_start3A_11] : memref<8x50x64xf32, #tpu.memory_space<vmem>> -> memref<1x50x64xf32, #tpu.memory_space<vmem>>
    %dma_start3A_13 = tpu.memref_squeeze %dma_start3A_12 : memref<1x50x64xf32, #tpu.memory_space<vmem>> -> memref<50x64xf32, #tpu.memory_space<vmem>>
    %dma_start3A_14 = arith.constant 0 : i32
    %dma_start3A_15 = arith.constant 0 : i32
    %dma_start3A_16 = tpu.memref_slice %arg2[%add3A_9, %dma_start3A_14, %squeeze3A, %dma_start3A_15] : memref<1024x50x26x64xf32, #tpu.memory_space<hbm>> -> memref<1x50x1x64xf32, #tpu.memory_space<hbm>>
    %dma_start3A_17 = tpu.memref_squeeze %dma_start3A_16 : memref<1x50x1x64xf32, #tpu.memory_space<hbm>> -> memref<50x64xf32, #tpu.memory_space<hbm>>
    %dma_start3A_18 = arith.constant 0 : i32
    %dma_start3A_19 = arith.constant 0 : i32
    %dma_start3A_20 = tpu.memref_slice %arg6[%dma_start3A, %dma_start3A_18, %dma_start3A_19] : memref<8x50x64xf32, #tpu.memory_space<vmem>> -> memref<1x50x64xf32, #tpu.memory_space<vmem>>
    %dma_start3A_21 = tpu.memref_squeeze %dma_start3A_20 : memref<1x50x64xf32, #tpu.memory_space<vmem>> -> memref<50x64xf32, #tpu.memory_space<vmem>>
    %dma_start3A_22 = arith.constant 0 : i32
    %dma_start3A_23 = arith.constant 0 : i32
    %dma_start3A_24 = tpu.memref_slice %arg2[%add3A_9, %dma_start3A_22, %squeeze3A, %dma_start3A_23] : memref<1024x50x26x64xf32, #tpu.memory_space<hbm>> -> memref<1x50x1x64xf32, #tpu.memory_space<hbm>>
    %dma_start3A_25 = tpu.memref_squeeze %dma_start3A_24 : memref<1x50x1x64xf32, #tpu.memory_space<hbm>> -> memref<50x64xf32, #tpu.memory_space<hbm>>
    tpu.enqueue_dma source(%dma_start3A_25 : memref<50x64xf32, #tpu.memory_space<hbm>>) target(%dma_start3A_21 : memref<50x64xf32, #tpu.memory_space<vmem>>) target_semaphore(%arg8 : memref<!tpu.dma_semaphore, #tpu.memory_space<semaphore_mem>>)
    %slice3A_26 = vector.extract_strided_slice %get3A_4 {offsets = [1], sizes = [1], strides = [1]} : vector<16xi32> to vector<1xi32>
    %squeeze3A_27 = vector.extract %slice3A_26[0] : i32 from vector<1xi32>
    %add3A_28 = arith.constant 1 : i32
    %add3A_29 = arith.addi %mul3A_2, %add3A_28 : i32
    %dma_start3A_30 = arith.constant 1 : i32
    %dma_start3A_31 = arith.constant 0 : i32
    %dma_start3A_32 = arith.constant 0 : i32
    %dma_start3A_33 = tpu.memref_slice %arg6[%dma_start3A_30, %dma_start3A_31, %dma_start3A_32] : memref<8x50x64xf32, #tpu.memory_space<vmem>> -> memref<1x50x64xf32, #tpu.memory_space<vmem>>
    %dma_start3A_34 = tpu.memref_squeeze %dma_start3A_33 : memref<1x50x64xf32, #tpu.memory_space<vmem>> -> memref<50x64xf32, #tpu.memory_space<vmem>>
    %dma_start3A_35 = arith.constant 0 : i32
    %dma_start3A_36 = arith.constant 0 : i32
    %dma_start3A_37 = tpu.memref_slice %arg2[%add3A_29, %dma_start3A_35, %squeeze3A_27, %dma_start3A_36] : memref<1024x50x26x64xf32, #tpu.memory_space<hbm>> -> memref<1x50x1x64xf32, #tpu.memory_space<hbm>>
    %dma_start3A_38 = tpu.memref_squeeze %dma_start3A_37 : memref<1x50x1x64xf32, #tpu.memory_space<hbm>> -> memref<50x64xf32, #tpu.memory_space<hbm>>
    %dma_start3A_39 = arith.constant 0 : i32
    %dma_start3A_40 = arith.constant 0 : i32
    %dma_start3A_41 = tpu.memref_slice %arg6[%dma_start3A_30, %dma_start3A_39, %dma_start3A_40] : memref<8x50x64xf32, #tpu.memory_space<vmem>> -> memref<1x50x64xf32, #tpu.memory_space<vmem>>
    %dma_start3A_42 = tpu.memref_squeeze %dma_start3A_41 : memref<1x50x64xf32, #tpu.memory_space<vmem>> -> memref<50x64xf32, #tpu.memory_space<vmem>>
    %dma_start3A_43 = arith.constant 0 : i32
    %dma_start3A_44 = arith.constant 0 : i32
    %dma_start3A_45 = tpu.memref_slice %arg2[%add3A_29, %dma_start3A_43, %squeeze3A_27, %dma_start3A_44] : memref<1024x50x26x64xf32, #tpu.memory_space<hbm>> -> memref<1x50x1x64xf32, #tpu.memory_space<hbm>>
    %dma_start3A_46 = tpu.memref_squeeze %dma_start3A_45 : memref<1x50x1x64xf32, #tpu.memory_space<hbm>> -> memref<50x64xf32, #tpu.memory_space<hbm>>
    tpu.enqueue_dma source(%dma_start3A_46 : memref<50x64xf32, #tpu.memory_space<hbm>>) target(%dma_start3A_42 : memref<50x64xf32, #tpu.memory_space<vmem>>) target_semaphore(%arg8 : memref<!tpu.dma_semaphore, #tpu.memory_space<semaphore_mem>>)
    %slice3A_47 = vector.extract_strided_slice %get3A_4 {offsets = [2], sizes = [1], strides = [1]} : vector<16xi32> to vector<1xi32>
    %squeeze3A_48 = vector.extract %slice3A_47[0] : i32 from vector<1xi32>
    %add3A_49 = arith.constant 2 : i32
    %add3A_50 = arith.addi %mul3A_2, %add3A_49 : i32
    %dma_start3A_51 = arith.constant 2 : i32
    %dma_start3A_52 = arith.constant 0 : i32
    %dma_start3A_53 = arith.constant 0 : i32
    %dma_start3A_54 = tpu.memref_slice %arg6[%dma_start3A_51, %dma_start3A_52, %dma_start3A_53] : memref<8x50x64xf32, #tpu.memory_space<vmem>> -> memref<1x50x64xf32, #tpu.memory_space<vmem>>
    %dma_start3A_55 = tpu.memref_squeeze %dma_start3A_54 : memref<1x50x64xf32, #tpu.memory_space<vmem>> -> memref<50x64xf32, #tpu.memory_space<vmem>>
    %dma_start3A_56 = arith.constant 0 : i32
    %dma_start3A_57 = arith.constant 0 : i32
    %dma_start3A_58 = tpu.memref_slice %arg2[%add3A_50, %dma_start3A_56, %squeeze3A_48, %dma_start3A_57] : memref<1024x50x26x64xf32, #tpu.memory_space<hbm>> -> memref<1x50x1x64xf32, #tpu.memory_space<hbm>>
    %dma_start3A_59 = tpu.memref_squeeze %dma_start3A_58 : memref<1x50x1x64xf32, #tpu.memory_space<hbm>> -> memref<50x64xf32, #tpu.memory_space<hbm>>
    %dma_start3A_60 = arith.constant 0 : i32
    %dma_start3A_61 = arith.constant 0 : i32
    %dma_start3A_62 = tpu.memref_slice %arg6[%dma_start3A_51, %dma_start3A_60, %dma_start3A_61] : memref<8x50x64xf32, #tpu.memory_space<vmem>> -> memref<1x50x64xf32, #tpu.memory_space<vmem>>
    %dma_start3A_63 = tpu.memref_squeeze %dma_start3A_62 : memref<1x50x64xf32, #tpu.memory_space<vmem>> -> memref<50x64xf32, #tpu.memory_space<vmem>>
    %dma_start3A_64 = arith.constant 0 : i32
    %dma_start3A_65 = arith.constant 0 : i32
    %dma_start3A_66 = tpu.memref_slice %arg2[%add3A_50, %dma_start3A_64, %squeeze3A_48, %dma_start3A_65] : memref<1024x50x26x64xf32, #tpu.memory_space<hbm>> -> memref<1x50x1x64xf32, #tpu.memory_space<hbm>>
    %dma_start3A_67 = tpu.memref_squeeze %dma_start3A_66 : memref<1x50x1x64xf32, #tpu.memory_space<hbm>> -> memref<50x64xf32, #tpu.memory_space<hbm>>
    tpu.enqueue_dma source(%dma_start3A_67 : memref<50x64xf32, #tpu.memory_space<hbm>>) target(%dma_start3A_63 : memref<50x64xf32, #tpu.memory_space<vmem>>) target_semaphore(%arg8 : memref<!tpu.dma_semaphore, #tpu.memory_space<semaphore_mem>>)
    %slice3A_68 = vector.extract_strided_slice %get3A_4 {offsets = [3], sizes = [1], strides = [1]} : vector<16xi32> to vector<1xi32>
    %squeeze3A_69 = vector.extract %slice3A_68[0] : i32 from vector<1xi32>
    %add3A_70 = arith.constant 3 : i32
    %add3A_71 = arith.addi %mul3A_2, %add3A_70 : i32
    %dma_start3A_72 = arith.constant 3 : i32
    %dma_start3A_73 = arith.constant 0 : i32
    %dma_start3A_74 = arith.constant 0 : i32
    %dma_start3A_75 = tpu.memref_slice %arg6[%dma_start3A_72, %dma_start3A_73, %dma_start3A_74] : memref<8x50x64xf32, #tpu.memory_space<vmem>> -> memref<1x50x64xf32, #tpu.memory_space<vmem>>
    %dma_start3A_76 = tpu.memref_squeeze %dma_start3A_75 : memref<1x50x64xf32, #tpu.memory_space<vmem>> -> memref<50x64xf32, #tpu.memory_space<vmem>>
    %dma_start3A_77 = arith.constant 0 : i32
    %dma_start3A_78 = arith.constant 0 : i32
    %dma_start3A_79 = tpu.memref_slice %arg2[%add3A_71, %dma_start3A_77, %squeeze3A_69, %dma_start3A_78] : memref<1024x50x26x64xf32, #tpu.memory_space<hbm>> -> memref<1x50x1x64xf32, #tpu.memory_space<hbm>>
    %dma_start3A_80 = tpu.memref_squeeze %dma_start3A_79 : memref<1x50x1x64xf32, #tpu.memory_space<hbm>> -> memref<50x64xf32, #tpu.memory_space<hbm>>
    %dma_start3A_81 = arith.constant 0 : i32
    %dma_start3A_82 = arith.constant 0 : i32
    %dma_start3A_83 = tpu.memref_slice %arg6[%dma_start3A_72, %dma_start3A_81, %dma_start3A_82] : memref<8x50x64xf32, #tpu.memory_space<vmem>> -> memref<1x50x64xf32, #tpu.memory_space<vmem>>
    %dma_start3A_84 = tpu.memref_squeeze %dma_start3A_83 : memref<1x50x64xf32, #tpu.memory_space<vmem>> -> memref<50x64xf32, #tpu.memory_space<vmem>>
    %dma_start3A_85 = arith.constant 0 : i32
    %dma_start3A_86 = arith.constant 0 : i32
    %dma_start3A_87 = tpu.memref_slice %arg2[%add3A_71, %dma_start3A_85, %squeeze3A_69, %dma_start3A_86] : memref<1024x50x26x64xf32, #tpu.memory_space<hbm>> -> memref<1x50x1x64xf32, #tpu.memory_space<hbm>>
    %dma_start3A_88 = tpu.memref_squeeze %dma_start3A_87 : memref<1x50x1x64xf32, #tpu.memory_space<hbm>> -> memref<50x64xf32, #tpu.memory_space<hbm>>
    tpu.enqueue_dma source(%dma_start3A_88 : memref<50x64xf32, #tpu.memory_space<hbm>>) target(%dma_start3A_84 : memref<50x64xf32, #tpu.memory_space<vmem>>) target_semaphore(%arg8 : memref<!tpu.dma_semaphore, #tpu.memory_space<semaphore_mem>>)
    %slice3A_89 = vector.extract_strided_slice %get3A_4 {offsets = [4], sizes = [1], strides = [1]} : vector<16xi32> to vector<1xi32>
    %squeeze3A_90 = vector.extract %slice3A_89[0] : i32 from vector<1xi32>
    %add3A_91 = arith.constant 4 : i32
    %add3A_92 = arith.addi %mul3A_2, %add3A_91 : i32
    %dma_start3A_93 = arith.constant 4 : i32
    %dma_start3A_94 = arith.constant 0 : i32
    %dma_start3A_95 = arith.constant 0 : i32
    %dma_start3A_96 = tpu.memref_slice %arg6[%dma_start3A_93, %dma_start3A_94, %dma_start3A_95] : memref<8x50x64xf32, #tpu.memory_space<vmem>> -> memref<1x50x64xf32, #tpu.memory_space<vmem>>
    %dma_start3A_97 = tpu.memref_squeeze %dma_start3A_96 : memref<1x50x64xf32, #tpu.memory_space<vmem>> -> memref<50x64xf32, #tpu.memory_space<vmem>>
    %dma_start3A_98 = arith.constant 0 : i32
    %dma_start3A_99 = arith.constant 0 : i32
    %dma_start3A_100 = tpu.memref_slice %arg2[%add3A_92, %dma_start3A_98, %squeeze3A_90, %dma_start3A_99] : memref<1024x50x26x64xf32, #tpu.memory_space<hbm>> -> memref<1x50x1x64xf32, #tpu.memory_space<hbm>>
    %dma_start3A_101 = tpu.memref_squeeze %dma_start3A_100 : memref<1x50x1x64xf32, #tpu.memory_space<hbm>> -> memref<50x64xf32, #tpu.memory_space<hbm>>
    %dma_start3A_102 = arith.constant 0 : i32
    %dma_start3A_103 = arith.constant 0 : i32
    %dma_start3A_104 = tpu.memref_slice %arg6[%dma_start3A_93, %dma_start3A_102, %dma_start3A_103] : memref<8x50x64xf32, #tpu.memory_space<vmem>> -> memref<1x50x64xf32, #tpu.memory_space<vmem>>
    %dma_start3A_105 = tpu.memref_squeeze %dma_start3A_104 : memref<1x50x64xf32, #tpu.memory_space<vmem>> -> memref<50x64xf32, #tpu.memory_space<vmem>>
    %dma_start3A_106 = arith.constant 0 : i32
    %dma_start3A_107 = arith.constant 0 : i32
    %dma_start3A_108 = tpu.memref_slice %arg2[%add3A_92, %dma_start3A_106, %squeeze3A_90, %dma_start3A_107] : memref<1024x50x26x64xf32, #tpu.memory_space<hbm>> -> memref<1x50x1x64xf32, #tpu.memory_space<hbm>>
    %dma_start3A_109 = tpu.memref_squeeze %dma_start3A_108 : memref<1x50x1x64xf32, #tpu.memory_space<hbm>> -> memref<50x64xf32, #tpu.memory_space<hbm>>
    tpu.enqueue_dma source(%dma_start3A_109 : memref<50x64xf32, #tpu.memory_space<hbm>>) target(%dma_start3A_105 : memref<50x64xf32, #tpu.memory_space<vmem>>) target_semaphore(%arg8 : memref<!tpu.dma_semaphore, #tpu.memory_space<semaphore_mem>>)
    %slice3A_110 = vector.extract_strided_slice %get3A_4 {offsets = [5], sizes = [1], strides = [1]} : vector<16xi32> to vector<1xi32>
    %squeeze3A_111 = vector.extract %slice3A_110[0] : i32 from vector<1xi32>
    %add3A_112 = arith.constant 5 : i32
    %add3A_113 = arith.addi %mul3A_2, %add3A_112 : i32
    %dma_start3A_114 = arith.constant 5 : i32
    %dma_start3A_115 = arith.constant 0 : i32
    %dma_start3A_116 = arith.constant 0 : i32
    %dma_start3A_117 = tpu.memref_slice %arg6[%dma_start3A_114, %dma_start3A_115, %dma_start3A_116] : memref<8x50x64xf32, #tpu.memory_space<vmem>> -> memref<1x50x64xf32, #tpu.memory_space<vmem>>
    %dma_start3A_118 = tpu.memref_squeeze %dma_start3A_117 : memref<1x50x64xf32, #tpu.memory_space<vmem>> -> memref<50x64xf32, #tpu.memory_space<vmem>>
    %dma_start3A_119 = arith.constant 0 : i32
    %dma_start3A_120 = arith.constant 0 : i32
    %dma_start3A_121 = tpu.memref_slice %arg2[%add3A_113, %dma_start3A_119, %squeeze3A_111, %dma_start3A_120] : memref<1024x50x26x64xf32, #tpu.memory_space<hbm>> -> memref<1x50x1x64xf32, #tpu.memory_space<hbm>>
    %dma_start3A_122 = tpu.memref_squeeze %dma_start3A_121 : memref<1x50x1x64xf32, #tpu.memory_space<hbm>> -> memref<50x64xf32, #tpu.memory_space<hbm>>
    %dma_start3A_123 = arith.constant 0 : i32
    %dma_start3A_124 = arith.constant 0 : i32
    %dma_start3A_125 = tpu.memref_slice %arg6[%dma_start3A_114, %dma_start3A_123, %dma_start3A_124] : memref<8x50x64xf32, #tpu.memory_space<vmem>> -> memref<1x50x64xf32, #tpu.memory_space<vmem>>
    %dma_start3A_126 = tpu.memref_squeeze %dma_start3A_125 : memref<1x50x64xf32, #tpu.memory_space<vmem>> -> memref<50x64xf32, #tpu.memory_space<vmem>>
    %dma_start3A_127 = arith.constant 0 : i32
    %dma_start3A_128 = arith.constant 0 : i32
    %dma_start3A_129 = tpu.memref_slice %arg2[%add3A_113, %dma_start3A_127, %squeeze3A_111, %dma_start3A_128] : memref<1024x50x26x64xf32, #tpu.memory_space<hbm>> -> memref<1x50x1x64xf32, #tpu.memory_space<hbm>>
    %dma_start3A_130 = tpu.memref_squeeze %dma_start3A_129 : memref<1x50x1x64xf32, #tpu.memory_space<hbm>> -> memref<50x64xf32, #tpu.memory_space<hbm>>
    tpu.enqueue_dma source(%dma_start3A_130 : memref<50x64xf32, #tpu.memory_space<hbm>>) target(%dma_start3A_126 : memref<50x64xf32, #tpu.memory_space<vmem>>) target_semaphore(%arg8 : memref<!tpu.dma_semaphore, #tpu.memory_space<semaphore_mem>>)
    %slice3A_131 = vector.extract_strided_slice %get3A_4 {offsets = [6], sizes = [1], strides = [1]} : vector<16xi32> to vector<1xi32>
    %squeeze3A_132 = vector.extract %slice3A_131[0] : i32 from vector<1xi32>
    %add3A_133 = arith.constant 6 : i32
    %add3A_134 = arith.addi %mul3A_2, %add3A_133 : i32
    %dma_start3A_135 = arith.constant 6 : i32
    %dma_start3A_136 = arith.constant 0 : i32
    %dma_start3A_137 = arith.constant 0 : i32
    %dma_start3A_138 = tpu.memref_slice %arg6[%dma_start3A_135, %dma_start3A_136, %dma_start3A_137] : memref<8x50x64xf32, #tpu.memory_space<vmem>> -> memref<1x50x64xf32, #tpu.memory_space<vmem>>
    %dma_start3A_139 = tpu.memref_squeeze %dma_start3A_138 : memref<1x50x64xf32, #tpu.memory_space<vmem>> -> memref<50x64xf32, #tpu.memory_space<vmem>>
    %dma_start3A_140 = arith.constant 0 : i32
    %dma_start3A_141 = arith.constant 0 : i32
    %dma_start3A_142 = tpu.memref_slice %arg2[%add3A_134, %dma_start3A_140, %squeeze3A_132, %dma_start3A_141] : memref<1024x50x26x64xf32, #tpu.memory_space<hbm>> -> memref<1x50x1x64xf32, #tpu.memory_space<hbm>>
    %dma_start3A_143 = tpu.memref_squeeze %dma_start3A_142 : memref<1x50x1x64xf32, #tpu.memory_space<hbm>> -> memref<50x64xf32, #tpu.memory_space<hbm>>
    %dma_start3A_144 = arith.constant 0 : i32
    %dma_start3A_145 = arith.constant 0 : i32
    %dma_start3A_146 = tpu.memref_slice %arg6[%dma_start3A_135, %dma_start3A_144, %dma_start3A_145] : memref<8x50x64xf32, #tpu.memory_space<vmem>> -> memref<1x50x64xf32, #tpu.memory_space<vmem>>
    %dma_start3A_147 = tpu.memref_squeeze %dma_start3A_146 : memref<1x50x64xf32, #tpu.memory_space<vmem>> -> memref<50x64xf32, #tpu.memory_space<vmem>>
    %dma_start3A_148 = arith.constant 0 : i32
    %dma_start3A_149 = arith.constant 0 : i32
    %dma_start3A_150 = tpu.memref_slice %arg2[%add3A_134, %dma_start3A_148, %squeeze3A_132, %dma_start3A_149] : memref<1024x50x26x64xf32, #tpu.memory_space<hbm>> -> memref<1x50x1x64xf32, #tpu.memory_space<hbm>>
    %dma_start3A_151 = tpu.memref_squeeze %dma_start3A_150 : memref<1x50x1x64xf32, #tpu.memory_space<hbm>> -> memref<50x64xf32, #tpu.memory_space<hbm>>
    tpu.enqueue_dma source(%dma_start3A_151 : memref<50x64xf32, #tpu.memory_space<hbm>>) target(%dma_start3A_147 : memref<50x64xf32, #tpu.memory_space<vmem>>) target_semaphore(%arg8 : memref<!tpu.dma_semaphore, #tpu.memory_space<semaphore_mem>>)
    %slice3A_152 = vector.extract_strided_slice %get3A_4 {offsets = [7], sizes = [1], strides = [1]} : vector<16xi32> to vector<1xi32>
    %squeeze3A_153 = vector.extract %slice3A_152[0] : i32 from vector<1xi32>
    %add3A_154 = arith.constant 7 : i32
    %add3A_155 = arith.addi %mul3A_2, %add3A_154 : i32
    %dma_start3A_156 = arith.constant 7 : i32
    %dma_start3A_157 = arith.constant 0 : i32
    %dma_start3A_158 = arith.constant 0 : i32
    %dma_start3A_159 = tpu.memref_slice %arg6[%dma_start3A_156, %dma_start3A_157, %dma_start3A_158] : memref<8x50x64xf32, #tpu.memory_space<vmem>> -> memref<1x50x64xf32, #tpu.memory_space<vmem>>
    %dma_start3A_160 = tpu.memref_squeeze %dma_start3A_159 : memref<1x50x64xf32, #tpu.memory_space<vmem>> -> memref<50x64xf32, #tpu.memory_space<vmem>>
    %dma_start3A_161 = arith.constant 0 : i32
    %dma_start3A_162 = arith.constant 0 : i32
    %dma_start3A_163 = tpu.memref_slice %arg2[%add3A_155, %dma_start3A_161, %squeeze3A_153, %dma_start3A_162] : memref<1024x50x26x64xf32, #tpu.memory_space<hbm>> -> memref<1x50x1x64xf32, #tpu.memory_space<hbm>>
    %dma_start3A_164 = tpu.memref_squeeze %dma_start3A_163 : memref<1x50x1x64xf32, #tpu.memory_space<hbm>> -> memref<50x64xf32, #tpu.memory_space<hbm>>
    %dma_start3A_165 = arith.constant 0 : i32
    %dma_start3A_166 = arith.constant 0 : i32
    %dma_start3A_167 = tpu.memref_slice %arg6[%dma_start3A_156, %dma_start3A_165, %dma_start3A_166] : memref<8x50x64xf32, #tpu.memory_space<vmem>> -> memref<1x50x64xf32, #tpu.memory_space<vmem>>
    %dma_start3A_168 = tpu.memref_squeeze %dma_start3A_167 : memref<1x50x64xf32, #tpu.memory_space<vmem>> -> memref<50x64xf32, #tpu.memory_space<vmem>>
    %dma_start3A_169 = arith.constant 0 : i32
    %dma_start3A_170 = arith.constant 0 : i32
    %dma_start3A_171 = tpu.memref_slice %arg2[%add3A_155, %dma_start3A_169, %squeeze3A_153, %dma_start3A_170] : memref<1024x50x26x64xf32, #tpu.memory_space<hbm>> -> memref<1x50x1x64xf32, #tpu.memory_space<hbm>>
    %dma_start3A_172 = tpu.memref_squeeze %dma_start3A_171 : memref<1x50x1x64xf32, #tpu.memory_space<hbm>> -> memref<50x64xf32, #tpu.memory_space<hbm>>
    tpu.enqueue_dma source(%dma_start3A_172 : memref<50x64xf32, #tpu.memory_space<hbm>>) target(%dma_start3A_168 : memref<50x64xf32, #tpu.memory_space<vmem>>) target_semaphore(%arg8 : memref<!tpu.dma_semaphore, #tpu.memory_space<semaphore_mem>>)
    %dma_wait3A = arith.constant 0 : i32
    %dma_wait3A_173 = arith.constant 0 : i32
    %dma_wait3A_174 = arith.constant 0 : i32
    %dma_wait3A_175 = tpu.memref_slice %arg6[%dma_wait3A, %dma_wait3A_173, %dma_wait3A_174] : memref<8x50x64xf32, #tpu.memory_space<vmem>> -> memref<1x50x64xf32, #tpu.memory_space<vmem>>
    %dma_wait3A_176 = tpu.memref_squeeze %dma_wait3A_175 : memref<1x50x64xf32, #tpu.memory_space<vmem>> -> memref<50x64xf32, #tpu.memory_space<vmem>>
    %dma_wait3A_177 = arith.constant 0 : i32
    %dma_wait3A_178 = arith.constant 0 : i32
    %dma_wait3A_179 = tpu.memref_slice %arg2[%add3A_9, %dma_wait3A_177, %squeeze3A, %dma_wait3A_178] : memref<1024x50x26x64xf32, #tpu.memory_space<hbm>> -> memref<1x50x1x64xf32, #tpu.memory_space<hbm>>
    %dma_wait3A_180 = tpu.memref_squeeze %dma_wait3A_179 : memref<1x50x1x64xf32, #tpu.memory_space<hbm>> -> memref<50x64xf32, #tpu.memory_space<hbm>>
    %dma_wait3A_181 = arith.constant 0 : i32
    %dma_wait3A_182 = arith.constant 0 : i32
    %dma_wait3A_183 = tpu.memref_slice %arg6[%dma_wait3A, %dma_wait3A_181, %dma_wait3A_182] : memref<8x50x64xf32, #tpu.memory_space<vmem>> -> memref<1x50x64xf32, #tpu.memory_space<vmem>>
    %dma_wait3A_184 = tpu.memref_squeeze %dma_wait3A_183 : memref<1x50x64xf32, #tpu.memory_space<vmem>> -> memref<50x64xf32, #tpu.memory_space<vmem>>
    %dma_wait3A_185 = arith.constant 0 : i32
    %dma_wait3A_186 = arith.constant 0 : i32
    %dma_wait3A_187 = tpu.memref_slice %arg2[%add3A_9, %dma_wait3A_185, %squeeze3A, %dma_wait3A_186] : memref<1024x50x26x64xf32, #tpu.memory_space<hbm>> -> memref<1x50x1x64xf32, #tpu.memory_space<hbm>>
    %dma_wait3A_188 = tpu.memref_squeeze %dma_wait3A_187 : memref<1x50x1x64xf32, #tpu.memory_space<hbm>> -> memref<50x64xf32, #tpu.memory_space<hbm>>
    tpu.wait_dma2 semaphore(%arg8 : memref<!tpu.dma_semaphore, #tpu.memory_space<semaphore_mem>>) src(%dma_wait3A_188 : memref<50x64xf32, #tpu.memory_space<hbm>>) dst(%dma_wait3A_184 : memref<50x64xf32, #tpu.memory_space<vmem>>)
    %dma_wait3A_189 = arith.constant 1 : i32
    %dma_wait3A_190 = arith.constant 0 : i32
    %dma_wait3A_191 = arith.constant 0 : i32
    %dma_wait3A_192 = tpu.memref_slice %arg6[%dma_wait3A_189, %dma_wait3A_190, %dma_wait3A_191] : memref<8x50x64xf32, #tpu.memory_space<vmem>> -> memref<1x50x64xf32, #tpu.memory_space<vmem>>
    %dma_wait3A_193 = tpu.memref_squeeze %dma_wait3A_192 : memref<1x50x64xf32, #tpu.memory_space<vmem>> -> memref<50x64xf32, #tpu.memory_space<vmem>>
    %dma_wait3A_194 = arith.constant 0 : i32
    %dma_wait3A_195 = arith.constant 0 : i32
    %dma_wait3A_196 = tpu.memref_slice %arg2[%add3A_29, %dma_wait3A_194, %squeeze3A_27, %dma_wait3A_195] : memref<1024x50x26x64xf32, #tpu.memory_space<hbm>> -> memref<1x50x1x64xf32, #tpu.memory_space<hbm>>
    %dma_wait3A_197 = tpu.memref_squeeze %dma_wait3A_196 : memref<1x50x1x64xf32, #tpu.memory_space<hbm>> -> memref<50x64xf32, #tpu.memory_space<hbm>>
    %dma_wait3A_198 = arith.constant 0 : i32
    %dma_wait3A_199 = arith.constant 0 : i32
    %dma_wait3A_200 = tpu.memref_slice %arg6[%dma_wait3A_189, %dma_wait3A_198, %dma_wait3A_199] : memref<8x50x64xf32, #tpu.memory_space<vmem>> -> memref<1x50x64xf32, #tpu.memory_space<vmem>>
    %dma_wait3A_201 = tpu.memref_squeeze %dma_wait3A_200 : memref<1x50x64xf32, #tpu.memory_space<vmem>> -> memref<50x64xf32, #tpu.memory_space<vmem>>
    %dma_wait3A_202 = arith.constant 0 : i32
    %dma_wait3A_203 = arith.constant 0 : i32
    %dma_wait3A_204 = tpu.memref_slice %arg2[%add3A_29, %dma_wait3A_202, %squeeze3A_27, %dma_wait3A_203] : memref<1024x50x26x64xf32, #tpu.memory_space<hbm>> -> memref<1x50x1x64xf32, #tpu.memory_space<hbm>>
    %dma_wait3A_205 = tpu.memref_squeeze %dma_wait3A_204 : memref<1x50x1x64xf32, #tpu.memory_space<hbm>> -> memref<50x64xf32, #tpu.memory_space<hbm>>
    tpu.wait_dma2 semaphore(%arg8 : memref<!tpu.dma_semaphore, #tpu.memory_space<semaphore_mem>>) src(%dma_wait3A_205 : memref<50x64xf32, #tpu.memory_space<hbm>>) dst(%dma_wait3A_201 : memref<50x64xf32, #tpu.memory_space<vmem>>)
    %dma_wait3A_206 = arith.constant 2 : i32
    %dma_wait3A_207 = arith.constant 0 : i32
    %dma_wait3A_208 = arith.constant 0 : i32
    %dma_wait3A_209 = tpu.memref_slice %arg6[%dma_wait3A_206, %dma_wait3A_207, %dma_wait3A_208] : memref<8x50x64xf32, #tpu.memory_space<vmem>> -> memref<1x50x64xf32, #tpu.memory_space<vmem>>
    %dma_wait3A_210 = tpu.memref_squeeze %dma_wait3A_209 : memref<1x50x64xf32, #tpu.memory_space<vmem>> -> memref<50x64xf32, #tpu.memory_space<vmem>>
    %dma_wait3A_211 = arith.constant 0 : i32
    %dma_wait3A_212 = arith.constant 0 : i32
    %dma_wait3A_213 = tpu.memref_slice %arg2[%add3A_50, %dma_wait3A_211, %squeeze3A_48, %dma_wait3A_212] : memref<1024x50x26x64xf32, #tpu.memory_space<hbm>> -> memref<1x50x1x64xf32, #tpu.memory_space<hbm>>
    %dma_wait3A_214 = tpu.memref_squeeze %dma_wait3A_213 : memref<1x50x1x64xf32, #tpu.memory_space<hbm>> -> memref<50x64xf32, #tpu.memory_space<hbm>>
    %dma_wait3A_215 = arith.constant 0 : i32
    %dma_wait3A_216 = arith.constant 0 : i32
    %dma_wait3A_217 = tpu.memref_slice %arg6[%dma_wait3A_206, %dma_wait3A_215, %dma_wait3A_216] : memref<8x50x64xf32, #tpu.memory_space<vmem>> -> memref<1x50x64xf32, #tpu.memory_space<vmem>>
    %dma_wait3A_218 = tpu.memref_squeeze %dma_wait3A_217 : memref<1x50x64xf32, #tpu.memory_space<vmem>> -> memref<50x64xf32, #tpu.memory_space<vmem>>
    %dma_wait3A_219 = arith.constant 0 : i32
    %dma_wait3A_220 = arith.constant 0 : i32
    %dma_wait3A_221 = tpu.memref_slice %arg2[%add3A_50, %dma_wait3A_219, %squeeze3A_48, %dma_wait3A_220] : memref<1024x50x26x64xf32, #tpu.memory_space<hbm>> -> memref<1x50x1x64xf32, #tpu.memory_space<hbm>>
    %dma_wait3A_222 = tpu.memref_squeeze %dma_wait3A_221 : memref<1x50x1x64xf32, #tpu.memory_space<hbm>> -> memref<50x64xf32, #tpu.memory_space<hbm>>
    tpu.wait_dma2 semaphore(%arg8 : memref<!tpu.dma_semaphore, #tpu.memory_space<semaphore_mem>>) src(%dma_wait3A_222 : memref<50x64xf32, #tpu.memory_space<hbm>>) dst(%dma_wait3A_218 : memref<50x64xf32, #tpu.memory_space<vmem>>)
    %dma_wait3A_223 = arith.constant 3 : i32
    %dma_wait3A_224 = arith.constant 0 : i32
    %dma_wait3A_225 = arith.constant 0 : i32
    %dma_wait3A_226 = tpu.memref_slice %arg6[%dma_wait3A_223, %dma_wait3A_224, %dma_wait3A_225] : memref<8x50x64xf32, #tpu.memory_space<vmem>> -> memref<1x50x64xf32, #tpu.memory_space<vmem>>
    %dma_wait3A_227 = tpu.memref_squeeze %dma_wait3A_226 : memref<1x50x64xf32, #tpu.memory_space<vmem>> -> memref<50x64xf32, #tpu.memory_space<vmem>>
    %dma_wait3A_228 = arith.constant 0 : i32
    %dma_wait3A_229 = arith.constant 0 : i32
    %dma_wait3A_230 = tpu.memref_slice %arg2[%add3A_71, %dma_wait3A_228, %squeeze3A_69, %dma_wait3A_229] : memref<1024x50x26x64xf32, #tpu.memory_space<hbm>> -> memref<1x50x1x64xf32, #tpu.memory_space<hbm>>
    %dma_wait3A_231 = tpu.memref_squeeze %dma_wait3A_230 : memref<1x50x1x64xf32, #tpu.memory_space<hbm>> -> memref<50x64xf32, #tpu.memory_space<hbm>>
    %dma_wait3A_232 = arith.constant 0 : i32
    %dma_wait3A_233 = arith.constant 0 : i32
    %dma_wait3A_234 = tpu.memref_slice %arg6[%dma_wait3A_223, %dma_wait3A_232, %dma_wait3A_233] : memref<8x50x64xf32, #tpu.memory_space<vmem>> -> memref<1x50x64xf32, #tpu.memory_space<vmem>>
    %dma_wait3A_235 = tpu.memref_squeeze %dma_wait3A_234 : memref<1x50x64xf32, #tpu.memory_space<vmem>> -> memref<50x64xf32, #tpu.memory_space<vmem>>
    %dma_wait3A_236 = arith.constant 0 : i32
    %dma_wait3A_237 = arith.constant 0 : i32
    %dma_wait3A_238 = tpu.memref_slice %arg2[%add3A_71, %dma_wait3A_236, %squeeze3A_69, %dma_wait3A_237] : memref<1024x50x26x64xf32, #tpu.memory_space<hbm>> -> memref<1x50x1x64xf32, #tpu.memory_space<hbm>>
    %dma_wait3A_239 = tpu.memref_squeeze %dma_wait3A_238 : memref<1x50x1x64xf32, #tpu.memory_space<hbm>> -> memref<50x64xf32, #tpu.memory_space<hbm>>
    tpu.wait_dma2 semaphore(%arg8 : memref<!tpu.dma_semaphore, #tpu.memory_space<semaphore_mem>>) src(%dma_wait3A_239 : memref<50x64xf32, #tpu.memory_space<hbm>>) dst(%dma_wait3A_235 : memref<50x64xf32, #tpu.memory_space<vmem>>)
    %dma_wait3A_240 = arith.constant 4 : i32
    %dma_wait3A_241 = arith.constant 0 : i32
    %dma_wait3A_242 = arith.constant 0 : i32
    %dma_wait3A_243 = tpu.memref_slice %arg6[%dma_wait3A_240, %dma_wait3A_241, %dma_wait3A_242] : memref<8x50x64xf32, #tpu.memory_space<vmem>> -> memref<1x50x64xf32, #tpu.memory_space<vmem>>
    %dma_wait3A_244 = tpu.memref_squeeze %dma_wait3A_243 : memref<1x50x64xf32, #tpu.memory_space<vmem>> -> memref<50x64xf32, #tpu.memory_space<vmem>>
    %dma_wait3A_245 = arith.constant 0 : i32
    %dma_wait3A_246 = arith.constant 0 : i32
    %dma_wait3A_247 = tpu.memref_slice %arg2[%add3A_92, %dma_wait3A_245, %squeeze3A_90, %dma_wait3A_246] : memref<1024x50x26x64xf32, #tpu.memory_space<hbm>> -> memref<1x50x1x64xf32, #tpu.memory_space<hbm>>
    %dma_wait3A_248 = tpu.memref_squeeze %dma_wait3A_247 : memref<1x50x1x64xf32, #tpu.memory_space<hbm>> -> memref<50x64xf32, #tpu.memory_space<hbm>>
    %dma_wait3A_249 = arith.constant 0 : i32
    %dma_wait3A_250 = arith.constant 0 : i32
    %dma_wait3A_251 = tpu.memref_slice %arg6[%dma_wait3A_240, %dma_wait3A_249, %dma_wait3A_250] : memref<8x50x64xf32, #tpu.memory_space<vmem>> -> memref<1x50x64xf32, #tpu.memory_space<vmem>>
    %dma_wait3A_252 = tpu.memref_squeeze %dma_wait3A_251 : memref<1x50x64xf32, #tpu.memory_space<vmem>> -> memref<50x64xf32, #tpu.memory_space<vmem>>
    %dma_wait3A_253 = arith.constant 0 : i32
    %dma_wait3A_254 = arith.constant 0 : i32
    %dma_wait3A_255 = tpu.memref_slice %arg2[%add3A_92, %dma_wait3A_253, %squeeze3A_90, %dma_wait3A_254] : memref<1024x50x26x64xf32, #tpu.memory_space<hbm>> -> memref<1x50x1x64xf32, #tpu.memory_space<hbm>>
    %dma_wait3A_256 = tpu.memref_squeeze %dma_wait3A_255 : memref<1x50x1x64xf32, #tpu.memory_space<hbm>> -> memref<50x64xf32, #tpu.memory_space<hbm>>
    tpu.wait_dma2 semaphore(%arg8 : memref<!tpu.dma_semaphore, #tpu.memory_space<semaphore_mem>>) src(%dma_wait3A_256 : memref<50x64xf32, #tpu.memory_space<hbm>>) dst(%dma_wait3A_252 : memref<50x64xf32, #tpu.memory_space<vmem>>)
    %dma_wait3A_257 = arith.constant 5 : i32
    %dma_wait3A_258 = arith.constant 0 : i32
    %dma_wait3A_259 = arith.constant 0 : i32
    %dma_wait3A_260 = tpu.memref_slice %arg6[%dma_wait3A_257, %dma_wait3A_258, %dma_wait3A_259] : memref<8x50x64xf32, #tpu.memory_space<vmem>> -> memref<1x50x64xf32, #tpu.memory_space<vmem>>
    %dma_wait3A_261 = tpu.memref_squeeze %dma_wait3A_260 : memref<1x50x64xf32, #tpu.memory_space<vmem>> -> memref<50x64xf32, #tpu.memory_space<vmem>>
    %dma_wait3A_262 = arith.constant 0 : i32
    %dma_wait3A_263 = arith.constant 0 : i32
    %dma_wait3A_264 = tpu.memref_slice %arg2[%add3A_113, %dma_wait3A_262, %squeeze3A_111, %dma_wait3A_263] : memref<1024x50x26x64xf32, #tpu.memory_space<hbm>> -> memref<1x50x1x64xf32, #tpu.memory_space<hbm>>
    %dma_wait3A_265 = tpu.memref_squeeze %dma_wait3A_264 : memref<1x50x1x64xf32, #tpu.memory_space<hbm>> -> memref<50x64xf32, #tpu.memory_space<hbm>>
    %dma_wait3A_266 = arith.constant 0 : i32
    %dma_wait3A_267 = arith.constant 0 : i32
    %dma_wait3A_268 = tpu.memref_slice %arg6[%dma_wait3A_257, %dma_wait3A_266, %dma_wait3A_267] : memref<8x50x64xf32, #tpu.memory_space<vmem>> -> memref<1x50x64xf32, #tpu.memory_space<vmem>>
    %dma_wait3A_269 = tpu.memref_squeeze %dma_wait3A_268 : memref<1x50x64xf32, #tpu.memory_space<vmem>> -> memref<50x64xf32, #tpu.memory_space<vmem>>
    %dma_wait3A_270 = arith.constant 0 : i32
    %dma_wait3A_271 = arith.constant 0 : i32
    %dma_wait3A_272 = tpu.memref_slice %arg2[%add3A_113, %dma_wait3A_270, %squeeze3A_111, %dma_wait3A_271] : memref<1024x50x26x64xf32, #tpu.memory_space<hbm>> -> memref<1x50x1x64xf32, #tpu.memory_space<hbm>>
    %dma_wait3A_273 = tpu.memref_squeeze %dma_wait3A_272 : memref<1x50x1x64xf32, #tpu.memory_space<hbm>> -> memref<50x64xf32, #tpu.memory_space<hbm>>
    tpu.wait_dma2 semaphore(%arg8 : memref<!tpu.dma_semaphore, #tpu.memory_space<semaphore_mem>>) src(%dma_wait3A_273 : memref<50x64xf32, #tpu.memory_space<hbm>>) dst(%dma_wait3A_269 : memref<50x64xf32, #tpu.memory_space<vmem>>)
    %dma_wait3A_274 = arith.constant 6 : i32
    %dma_wait3A_275 = arith.constant 0 : i32
    %dma_wait3A_276 = arith.constant 0 : i32
    %dma_wait3A_277 = tpu.memref_slice %arg6[%dma_wait3A_274, %dma_wait3A_275, %dma_wait3A_276] : memref<8x50x64xf32, #tpu.memory_space<vmem>> -> memref<1x50x64xf32, #tpu.memory_space<vmem>>
    %dma_wait3A_278 = tpu.memref_squeeze %dma_wait3A_277 : memref<1x50x64xf32, #tpu.memory_space<vmem>> -> memref<50x64xf32, #tpu.memory_space<vmem>>
    %dma_wait3A_279 = arith.constant 0 : i32
    %dma_wait3A_280 = arith.constant 0 : i32
    %dma_wait3A_281 = tpu.memref_slice %arg2[%add3A_134, %dma_wait3A_279, %squeeze3A_132, %dma_wait3A_280] : memref<1024x50x26x64xf32, #tpu.memory_space<hbm>> -> memref<1x50x1x64xf32, #tpu.memory_space<hbm>>
    %dma_wait3A_282 = tpu.memref_squeeze %dma_wait3A_281 : memref<1x50x1x64xf32, #tpu.memory_space<hbm>> -> memref<50x64xf32, #tpu.memory_space<hbm>>
    %dma_wait3A_283 = arith.constant 0 : i32
    %dma_wait3A_284 = arith.constant 0 : i32
    %dma_wait3A_285 = tpu.memref_slice %arg6[%dma_wait3A_274, %dma_wait3A_283, %dma_wait3A_284] : memref<8x50x64xf32, #tpu.memory_space<vmem>> -> memref<1x50x64xf32, #tpu.memory_space<vmem>>
    %dma_wait3A_286 = tpu.memref_squeeze %dma_wait3A_285 : memref<1x50x64xf32, #tpu.memory_space<vmem>> -> memref<50x64xf32, #tpu.memory_space<vmem>>
    %dma_wait3A_287 = arith.constant 0 : i32
    %dma_wait3A_288 = arith.constant 0 : i32
    %dma_wait3A_289 = tpu.memref_slice %arg2[%add3A_134, %dma_wait3A_287, %squeeze3A_132, %dma_wait3A_288] : memref<1024x50x26x64xf32, #tpu.memory_space<hbm>> -> memref<1x50x1x64xf32, #tpu.memory_space<hbm>>
    %dma_wait3A_290 = tpu.memref_squeeze %dma_wait3A_289 : memref<1x50x1x64xf32, #tpu.memory_space<hbm>> -> memref<50x64xf32, #tpu.memory_space<hbm>>
    tpu.wait_dma2 semaphore(%arg8 : memref<!tpu.dma_semaphore, #tpu.memory_space<semaphore_mem>>) src(%dma_wait3A_290 : memref<50x64xf32, #tpu.memory_space<hbm>>) dst(%dma_wait3A_286 : memref<50x64xf32, #tpu.memory_space<vmem>>)
    %dma_wait3A_291 = arith.constant 7 : i32
    %dma_wait3A_292 = arith.constant 0 : i32
    %dma_wait3A_293 = arith.constant 0 : i32
    %dma_wait3A_294 = tpu.memref_slice %arg6[%dma_wait3A_291, %dma_wait3A_292, %dma_wait3A_293] : memref<8x50x64xf32, #tpu.memory_space<vmem>> -> memref<1x50x64xf32, #tpu.memory_space<vmem>>
    %dma_wait3A_295 = tpu.memref_squeeze %dma_wait3A_294 : memref<1x50x64xf32, #tpu.memory_space<vmem>> -> memref<50x64xf32, #tpu.memory_space<vmem>>
    %dma_wait3A_296 = arith.constant 0 : i32
    %dma_wait3A_297 = arith.constant 0 : i32
    %dma_wait3A_298 = tpu.memref_slice %arg2[%add3A_155, %dma_wait3A_296, %squeeze3A_153, %dma_wait3A_297] : memref<1024x50x26x64xf32, #tpu.memory_space<hbm>> -> memref<1x50x1x64xf32, #tpu.memory_space<hbm>>
    %dma_wait3A_299 = tpu.memref_squeeze %dma_wait3A_298 : memref<1x50x1x64xf32, #tpu.memory_space<hbm>> -> memref<50x64xf32, #tpu.memory_space<hbm>>
    %dma_wait3A_300 = arith.constant 0 : i32
    %dma_wait3A_301 = arith.constant 0 : i32
    %dma_wait3A_302 = tpu.memref_slice %arg6[%dma_wait3A_291, %dma_wait3A_300, %dma_wait3A_301] : memref<8x50x64xf32, #tpu.memory_space<vmem>> -> memref<1x50x64xf32, #tpu.memory_space<vmem>>
    %dma_wait3A_303 = tpu.memref_squeeze %dma_wait3A_302 : memref<1x50x64xf32, #tpu.memory_space<vmem>> -> memref<50x64xf32, #tpu.memory_space<vmem>>
    %dma_wait3A_304 = arith.constant 0 : i32
    %dma_wait3A_305 = arith.constant 0 : i32
    %dma_wait3A_306 = tpu.memref_slice %arg2[%add3A_155, %dma_wait3A_304, %squeeze3A_153, %dma_wait3A_305] : memref<1024x50x26x64xf32, #tpu.memory_space<hbm>> -> memref<1x50x1x64xf32, #tpu.memory_space<hbm>>
    %dma_wait3A_307 = tpu.memref_squeeze %dma_wait3A_306 : memref<1x50x1x64xf32, #tpu.memory_space<hbm>> -> memref<50x64xf32, #tpu.memory_space<hbm>>
    tpu.wait_dma2 semaphore(%arg8 : memref<!tpu.dma_semaphore, #tpu.memory_space<semaphore_mem>>) src(%dma_wait3A_307 : memref<50x64xf32, #tpu.memory_space<hbm>>) dst(%dma_wait3A_303 : memref<50x64xf32, #tpu.memory_space<vmem>>)
    %add3A_308 = arith.constant 0 : i32
    %add3A_309 = arith.addi %mul3A_2, %add3A_308 : i32
    %dma_start3A_310 = arith.constant 0 : i32
    %dma_start3A_311 = arith.constant 0 : i32
    %dma_start3A_312 = tpu.memref_slice %arg4[%add3A_309, %dma_start3A_310, %dma_start3A_311] : memref<1024x50x64xf32, #tpu.memory_space<hbm>> -> memref<8x50x64xf32, #tpu.memory_space<hbm>>
    %dma_start3A_313 = arith.constant 0 : i32
    %dma_start3A_314 = arith.constant 0 : i32
    %dma_start3A_315 = tpu.memref_slice %arg4[%add3A_309, %dma_start3A_313, %dma_start3A_314] : memref<1024x50x64xf32, #tpu.memory_space<hbm>> -> memref<8x50x64xf32, #tpu.memory_space<hbm>>
    tpu.enqueue_dma source(%arg6 : memref<8x50x64xf32, #tpu.memory_space<vmem>>) target(%dma_start3A_315 : memref<8x50x64xf32, #tpu.memory_space<hbm>>) target_semaphore(%arg9 : memref<!tpu.dma_semaphore, #tpu.memory_space<semaphore_mem>>)
    %slice3A_316 = vector.extract_strided_slice %get3A_4 {offsets = [8], sizes = [1], strides = [1]} : vector<16xi32> to vector<1xi32>
    %squeeze3A_317 = vector.extract %slice3A_316[0] : i32 from vector<1xi32>
    %add3A_318 = arith.constant 8 : i32
    %add3A_319 = arith.addi %mul3A_2, %add3A_318 : i32
    %dma_start3A_320 = arith.constant 0 : i32
    %dma_start3A_321 = arith.constant 0 : i32
    %dma_start3A_322 = arith.constant 0 : i32
    %dma_start3A_323 = tpu.memref_slice %arg7[%dma_start3A_320, %dma_start3A_321, %dma_start3A_322] : memref<8x50x64xf32, #tpu.memory_space<vmem>> -> memref<1x50x64xf32, #tpu.memory_space<vmem>>
    %dma_start3A_324 = tpu.memref_squeeze %dma_start3A_323 : memref<1x50x64xf32, #tpu.memory_space<vmem>> -> memref<50x64xf32, #tpu.memory_space<vmem>>
    %dma_start3A_325 = arith.constant 0 : i32
    %dma_start3A_326 = arith.constant 0 : i32
    %dma_start3A_327 = tpu.memref_slice %arg2[%add3A_319, %dma_start3A_325, %squeeze3A_317, %dma_start3A_326] : memref<1024x50x26x64xf32, #tpu.memory_space<hbm>> -> memref<1x50x1x64xf32, #tpu.memory_space<hbm>>
    %dma_start3A_328 = tpu.memref_squeeze %dma_start3A_327 : memref<1x50x1x64xf32, #tpu.memory_space<hbm>> -> memref<50x64xf32, #tpu.memory_space<hbm>>
    %dma_start3A_329 = arith.constant 0 : i32
    %dma_start3A_330 = arith.constant 0 : i32
    %dma_start3A_331 = tpu.memref_slice %arg7[%dma_start3A_320, %dma_start3A_329, %dma_start3A_330] : memref<8x50x64xf32, #tpu.memory_space<vmem>> -> memref<1x50x64xf32, #tpu.memory_space<vmem>>
    %dma_start3A_332 = tpu.memref_squeeze %dma_start3A_331 : memref<1x50x64xf32, #tpu.memory_space<vmem>> -> memref<50x64xf32, #tpu.memory_space<vmem>>
    %dma_start3A_333 = arith.constant 0 : i32
    %dma_start3A_334 = arith.constant 0 : i32
    %dma_start3A_335 = tpu.memref_slice %arg2[%add3A_319, %dma_start3A_333, %squeeze3A_317, %dma_start3A_334] : memref<1024x50x26x64xf32, #tpu.memory_space<hbm>> -> memref<1x50x1x64xf32, #tpu.memory_space<hbm>>
    %dma_start3A_336 = tpu.memref_squeeze %dma_start3A_335 : memref<1x50x1x64xf32, #tpu.memory_space<hbm>> -> memref<50x64xf32, #tpu.memory_space<hbm>>
    tpu.enqueue_dma source(%dma_start3A_336 : memref<50x64xf32, #tpu.memory_space<hbm>>) target(%dma_start3A_332 : memref<50x64xf32, #tpu.memory_space<vmem>>) target_semaphore(%arg8 : memref<!tpu.dma_semaphore, #tpu.memory_space<semaphore_mem>>)
    %slice3A_337 = vector.extract_strided_slice %get3A_4 {offsets = [9], sizes = [1], strides = [1]} : vector<16xi32> to vector<1xi32>
    %squeeze3A_338 = vector.extract %slice3A_337[0] : i32 from vector<1xi32>
    %add3A_339 = arith.constant 9 : i32
    %add3A_340 = arith.addi %mul3A_2, %add3A_339 : i32
    %dma_start3A_341 = arith.constant 1 : i32
    %dma_start3A_342 = arith.constant 0 : i32
    %dma_start3A_343 = arith.constant 0 : i32
    %dma_start3A_344 = tpu.memref_slice %arg7[%dma_start3A_341, %dma_start3A_342, %dma_start3A_343] : memref<8x50x64xf32, #tpu.memory_space<vmem>> -> memref<1x50x64xf32, #tpu.memory_space<vmem>>
    %dma_start3A_345 = tpu.memref_squeeze %dma_start3A_344 : memref<1x50x64xf32, #tpu.memory_space<vmem>> -> memref<50x64xf32, #tpu.memory_space<vmem>>
    %dma_start3A_346 = arith.constant 0 : i32
    %dma_start3A_347 = arith.constant 0 : i32
    %dma_start3A_348 = tpu.memref_slice %arg2[%add3A_340, %dma_start3A_346, %squeeze3A_338, %dma_start3A_347] : memref<1024x50x26x64xf32, #tpu.memory_space<hbm>> -> memref<1x50x1x64xf32, #tpu.memory_space<hbm>>
    %dma_start3A_349 = tpu.memref_squeeze %dma_start3A_348 : memref<1x50x1x64xf32, #tpu.memory_space<hbm>> -> memref<50x64xf32, #tpu.memory_space<hbm>>
    %dma_start3A_350 = arith.constant 0 : i32
    %dma_start3A_351 = arith.constant 0 : i32
    %dma_start3A_352 = tpu.memref_slice %arg7[%dma_start3A_341, %dma_start3A_350, %dma_start3A_351] : memref<8x50x64xf32, #tpu.memory_space<vmem>> -> memref<1x50x64xf32, #tpu.memory_space<vmem>>
    %dma_start3A_353 = tpu.memref_squeeze %dma_start3A_352 : memref<1x50x64xf32, #tpu.memory_space<vmem>> -> memref<50x64xf32, #tpu.memory_space<vmem>>
    %dma_start3A_354 = arith.constant 0 : i32
    %dma_start3A_355 = arith.constant 0 : i32
    %dma_start3A_356 = tpu.memref_slice %arg2[%add3A_340, %dma_start3A_354, %squeeze3A_338, %dma_start3A_355] : memref<1024x50x26x64xf32, #tpu.memory_space<hbm>> -> memref<1x50x1x64xf32, #tpu.memory_space<hbm>>
    %dma_start3A_357 = tpu.memref_squeeze %dma_start3A_356 : memref<1x50x1x64xf32, #tpu.memory_space<hbm>> -> memref<50x64xf32, #tpu.memory_space<hbm>>
    tpu.enqueue_dma source(%dma_start3A_357 : memref<50x64xf32, #tpu.memory_space<hbm>>) target(%dma_start3A_353 : memref<50x64xf32, #tpu.memory_space<vmem>>) target_semaphore(%arg8 : memref<!tpu.dma_semaphore, #tpu.memory_space<semaphore_mem>>)
    %slice3A_358 = vector.extract_strided_slice %get3A_4 {offsets = [10], sizes = [1], strides = [1]} : vector<16xi32> to vector<1xi32>
    %squeeze3A_359 = vector.extract %slice3A_358[0] : i32 from vector<1xi32>
    %add3A_360 = arith.constant 10 : i32
    %add3A_361 = arith.addi %mul3A_2, %add3A_360 : i32
    %dma_start3A_362 = arith.constant 2 : i32
    %dma_start3A_363 = arith.constant 0 : i32
    %dma_start3A_364 = arith.constant 0 : i32
    %dma_start3A_365 = tpu.memref_slice %arg7[%dma_start3A_362, %dma_start3A_363, %dma_start3A_364] : memref<8x50x64xf32, #tpu.memory_space<vmem>> -> memref<1x50x64xf32, #tpu.memory_space<vmem>>
    %dma_start3A_366 = tpu.memref_squeeze %dma_start3A_365 : memref<1x50x64xf32, #tpu.memory_space<vmem>> -> memref<50x64xf32, #tpu.memory_space<vmem>>
    %dma_start3A_367 = arith.constant 0 : i32
    %dma_start3A_368 = arith.constant 0 : i32
    %dma_start3A_369 = tpu.memref_slice %arg2[%add3A_361, %dma_start3A_367, %squeeze3A_359, %dma_start3A_368] : memref<1024x50x26x64xf32, #tpu.memory_space<hbm>> -> memref<1x50x1x64xf32, #tpu.memory_space<hbm>>
    %dma_start3A_370 = tpu.memref_squeeze %dma_start3A_369 : memref<1x50x1x64xf32, #tpu.memory_space<hbm>> -> memref<50x64xf32, #tpu.memory_space<hbm>>
    %dma_start3A_371 = arith.constant 0 : i32
    %dma_start3A_372 = arith.constant 0 : i32
    %dma_start3A_373 = tpu.memref_slice %arg7[%dma_start3A_362, %dma_start3A_371, %dma_start3A_372] : memref<8x50x64xf32, #tpu.memory_space<vmem>> -> memref<1x50x64xf32, #tpu.memory_space<vmem>>
    %dma_start3A_374 = tpu.memref_squeeze %dma_start3A_373 : memref<1x50x64xf32, #tpu.memory_space<vmem>> -> memref<50x64xf32, #tpu.memory_space<vmem>>
    %dma_start3A_375 = arith.constant 0 : i32
    %dma_start3A_376 = arith.constant 0 : i32
    %dma_start3A_377 = tpu.memref_slice %arg2[%add3A_361, %dma_start3A_375, %squeeze3A_359, %dma_start3A_376] : memref<1024x50x26x64xf32, #tpu.memory_space<hbm>> -> memref<1x50x1x64xf32, #tpu.memory_space<hbm>>
    %dma_start3A_378 = tpu.memref_squeeze %dma_start3A_377 : memref<1x50x1x64xf32, #tpu.memory_space<hbm>> -> memref<50x64xf32, #tpu.memory_space<hbm>>
    tpu.enqueue_dma source(%dma_start3A_378 : memref<50x64xf32, #tpu.memory_space<hbm>>) target(%dma_start3A_374 : memref<50x64xf32, #tpu.memory_space<vmem>>) target_semaphore(%arg8 : memref<!tpu.dma_semaphore, #tpu.memory_space<semaphore_mem>>)
    %slice3A_379 = vector.extract_strided_slice %get3A_4 {offsets = [11], sizes = [1], strides = [1]} : vector<16xi32> to vector<1xi32>
    %squeeze3A_380 = vector.extract %slice3A_379[0] : i32 from vector<1xi32>
    %add3A_381 = arith.constant 11 : i32
    %add3A_382 = arith.addi %mul3A_2, %add3A_381 : i32
    %dma_start3A_383 = arith.constant 3 : i32
    %dma_start3A_384 = arith.constant 0 : i32
    %dma_start3A_385 = arith.constant 0 : i32
    %dma_start3A_386 = tpu.memref_slice %arg7[%dma_start3A_383, %dma_start3A_384, %dma_start3A_385] : memref<8x50x64xf32, #tpu.memory_space<vmem>> -> memref<1x50x64xf32, #tpu.memory_space<vmem>>
    %dma_start3A_387 = tpu.memref_squeeze %dma_start3A_386 : memref<1x50x64xf32, #tpu.memory_space<vmem>> -> memref<50x64xf32, #tpu.memory_space<vmem>>
    %dma_start3A_388 = arith.constant 0 : i32
    %dma_start3A_389 = arith.constant 0 : i32
    %dma_start3A_390 = tpu.memref_slice %arg2[%add3A_382, %dma_start3A_388, %squeeze3A_380, %dma_start3A_389] : memref<1024x50x26x64xf32, #tpu.memory_space<hbm>> -> memref<1x50x1x64xf32, #tpu.memory_space<hbm>>
    %dma_start3A_391 = tpu.memref_squeeze %dma_start3A_390 : memref<1x50x1x64xf32, #tpu.memory_space<hbm>> -> memref<50x64xf32, #tpu.memory_space<hbm>>
    %dma_start3A_392 = arith.constant 0 : i32
    %dma_start3A_393 = arith.constant 0 : i32
    %dma_start3A_394 = tpu.memref_slice %arg7[%dma_start3A_383, %dma_start3A_392, %dma_start3A_393] : memref<8x50x64xf32, #tpu.memory_space<vmem>> -> memref<1x50x64xf32, #tpu.memory_space<vmem>>
    %dma_start3A_395 = tpu.memref_squeeze %dma_start3A_394 : memref<1x50x64xf32, #tpu.memory_space<vmem>> -> memref<50x64xf32, #tpu.memory_space<vmem>>
    %dma_start3A_396 = arith.constant 0 : i32
    %dma_start3A_397 = arith.constant 0 : i32
    %dma_start3A_398 = tpu.memref_slice %arg2[%add3A_382, %dma_start3A_396, %squeeze3A_380, %dma_start3A_397] : memref<1024x50x26x64xf32, #tpu.memory_space<hbm>> -> memref<1x50x1x64xf32, #tpu.memory_space<hbm>>
    %dma_start3A_399 = tpu.memref_squeeze %dma_start3A_398 : memref<1x50x1x64xf32, #tpu.memory_space<hbm>> -> memref<50x64xf32, #tpu.memory_space<hbm>>
    tpu.enqueue_dma source(%dma_start3A_399 : memref<50x64xf32, #tpu.memory_space<hbm>>) target(%dma_start3A_395 : memref<50x64xf32, #tpu.memory_space<vmem>>) target_semaphore(%arg8 : memref<!tpu.dma_semaphore, #tpu.memory_space<semaphore_mem>>)
    %slice3A_400 = vector.extract_strided_slice %get3A_4 {offsets = [12], sizes = [1], strides = [1]} : vector<16xi32> to vector<1xi32>
    %squeeze3A_401 = vector.extract %slice3A_400[0] : i32 from vector<1xi32>
    %add3A_402 = arith.constant 12 : i32
    %add3A_403 = arith.addi %mul3A_2, %add3A_402 : i32
    %dma_start3A_404 = arith.constant 4 : i32
    %dma_start3A_405 = arith.constant 0 : i32
    %dma_start3A_406 = arith.constant 0 : i32
    %dma_start3A_407 = tpu.memref_slice %arg7[%dma_start3A_404, %dma_start3A_405, %dma_start3A_406] : memref<8x50x64xf32, #tpu.memory_space<vmem>> -> memref<1x50x64xf32, #tpu.memory_space<vmem>>
    %dma_start3A_408 = tpu.memref_squeeze %dma_start3A_407 : memref<1x50x64xf32, #tpu.memory_space<vmem>> -> memref<50x64xf32, #tpu.memory_space<vmem>>
    %dma_start3A_409 = arith.constant 0 : i32
    %dma_start3A_410 = arith.constant 0 : i32
    %dma_start3A_411 = tpu.memref_slice %arg2[%add3A_403, %dma_start3A_409, %squeeze3A_401, %dma_start3A_410] : memref<1024x50x26x64xf32, #tpu.memory_space<hbm>> -> memref<1x50x1x64xf32, #tpu.memory_space<hbm>>
    %dma_start3A_412 = tpu.memref_squeeze %dma_start3A_411 : memref<1x50x1x64xf32, #tpu.memory_space<hbm>> -> memref<50x64xf32, #tpu.memory_space<hbm>>
    %dma_start3A_413 = arith.constant 0 : i32
    %dma_start3A_414 = arith.constant 0 : i32
    %dma_start3A_415 = tpu.memref_slice %arg7[%dma_start3A_404, %dma_start3A_413, %dma_start3A_414] : memref<8x50x64xf32, #tpu.memory_space<vmem>> -> memref<1x50x64xf32, #tpu.memory_space<vmem>>
    %dma_start3A_416 = tpu.memref_squeeze %dma_start3A_415 : memref<1x50x64xf32, #tpu.memory_space<vmem>> -> memref<50x64xf32, #tpu.memory_space<vmem>>
    %dma_start3A_417 = arith.constant 0 : i32
    %dma_start3A_418 = arith.constant 0 : i32
    %dma_start3A_419 = tpu.memref_slice %arg2[%add3A_403, %dma_start3A_417, %squeeze3A_401, %dma_start3A_418] : memref<1024x50x26x64xf32, #tpu.memory_space<hbm>> -> memref<1x50x1x64xf32, #tpu.memory_space<hbm>>
    %dma_start3A_420 = tpu.memref_squeeze %dma_start3A_419 : memref<1x50x1x64xf32, #tpu.memory_space<hbm>> -> memref<50x64xf32, #tpu.memory_space<hbm>>
    tpu.enqueue_dma source(%dma_start3A_420 : memref<50x64xf32, #tpu.memory_space<hbm>>) target(%dma_start3A_416 : memref<50x64xf32, #tpu.memory_space<vmem>>) target_semaphore(%arg8 : memref<!tpu.dma_semaphore, #tpu.memory_space<semaphore_mem>>)
    %slice3A_421 = vector.extract_strided_slice %get3A_4 {offsets = [13], sizes = [1], strides = [1]} : vector<16xi32> to vector<1xi32>
    %squeeze3A_422 = vector.extract %slice3A_421[0] : i32 from vector<1xi32>
    %add3A_423 = arith.constant 13 : i32
    %add3A_424 = arith.addi %mul3A_2, %add3A_423 : i32
    %dma_start3A_425 = arith.constant 5 : i32
    %dma_start3A_426 = arith.constant 0 : i32
    %dma_start3A_427 = arith.constant 0 : i32
    %dma_start3A_428 = tpu.memref_slice %arg7[%dma_start3A_425, %dma_start3A_426, %dma_start3A_427] : memref<8x50x64xf32, #tpu.memory_space<vmem>> -> memref<1x50x64xf32, #tpu.memory_space<vmem>>
    %dma_start3A_429 = tpu.memref_squeeze %dma_start3A_428 : memref<1x50x64xf32, #tpu.memory_space<vmem>> -> memref<50x64xf32, #tpu.memory_space<vmem>>
    %dma_start3A_430 = arith.constant 0 : i32
    %dma_start3A_431 = arith.constant 0 : i32
    %dma_start3A_432 = tpu.memref_slice %arg2[%add3A_424, %dma_start3A_430, %squeeze3A_422, %dma_start3A_431] : memref<1024x50x26x64xf32, #tpu.memory_space<hbm>> -> memref<1x50x1x64xf32, #tpu.memory_space<hbm>>
    %dma_start3A_433 = tpu.memref_squeeze %dma_start3A_432 : memref<1x50x1x64xf32, #tpu.memory_space<hbm>> -> memref<50x64xf32, #tpu.memory_space<hbm>>
    %dma_start3A_434 = arith.constant 0 : i32
    %dma_start3A_435 = arith.constant 0 : i32
    %dma_start3A_436 = tpu.memref_slice %arg7[%dma_start3A_425, %dma_start3A_434, %dma_start3A_435] : memref<8x50x64xf32, #tpu.memory_space<vmem>> -> memref<1x50x64xf32, #tpu.memory_space<vmem>>
    %dma_start3A_437 = tpu.memref_squeeze %dma_start3A_436 : memref<1x50x64xf32, #tpu.memory_space<vmem>> -> memref<50x64xf32, #tpu.memory_space<vmem>>
    %dma_start3A_438 = arith.constant 0 : i32
    %dma_start3A_439 = arith.constant 0 : i32
    %dma_start3A_440 = tpu.memref_slice %arg2[%add3A_424, %dma_start3A_438, %squeeze3A_422, %dma_start3A_439] : memref<1024x50x26x64xf32, #tpu.memory_space<hbm>> -> memref<1x50x1x64xf32, #tpu.memory_space<hbm>>
    %dma_start3A_441 = tpu.memref_squeeze %dma_start3A_440 : memref<1x50x1x64xf32, #tpu.memory_space<hbm>> -> memref<50x64xf32, #tpu.memory_space<hbm>>
    tpu.enqueue_dma source(%dma_start3A_441 : memref<50x64xf32, #tpu.memory_space<hbm>>) target(%dma_start3A_437 : memref<50x64xf32, #tpu.memory_space<vmem>>) target_semaphore(%arg8 : memref<!tpu.dma_semaphore, #tpu.memory_space<semaphore_mem>>)
    %slice3A_442 = vector.extract_strided_slice %get3A_4 {offsets = [14], sizes = [1], strides = [1]} : vector<16xi32> to vector<1xi32>
    %squeeze3A_443 = vector.extract %slice3A_442[0] : i32 from vector<1xi32>
    %add3A_444 = arith.constant 14 : i32
    %add3A_445 = arith.addi %mul3A_2, %add3A_444 : i32
    %dma_start3A_446 = arith.constant 6 : i32
    %dma_start3A_447 = arith.constant 0 : i32
    %dma_start3A_448 = arith.constant 0 : i32
    %dma_start3A_449 = tpu.memref_slice %arg7[%dma_start3A_446, %dma_start3A_447, %dma_start3A_448] : memref<8x50x64xf32, #tpu.memory_space<vmem>> -> memref<1x50x64xf32, #tpu.memory_space<vmem>>
    %dma_start3A_450 = tpu.memref_squeeze %dma_start3A_449 : memref<1x50x64xf32, #tpu.memory_space<vmem>> -> memref<50x64xf32, #tpu.memory_space<vmem>>
    %dma_start3A_451 = arith.constant 0 : i32
    %dma_start3A_452 = arith.constant 0 : i32
    %dma_start3A_453 = tpu.memref_slice %arg2[%add3A_445, %dma_start3A_451, %squeeze3A_443, %dma_start3A_452] : memref<1024x50x26x64xf32, #tpu.memory_space<hbm>> -> memref<1x50x1x64xf32, #tpu.memory_space<hbm>>
    %dma_start3A_454 = tpu.memref_squeeze %dma_start3A_453 : memref<1x50x1x64xf32, #tpu.memory_space<hbm>> -> memref<50x64xf32, #tpu.memory_space<hbm>>
    %dma_start3A_455 = arith.constant 0 : i32
    %dma_start3A_456 = arith.constant 0 : i32
    %dma_start3A_457 = tpu.memref_slice %arg7[%dma_start3A_446, %dma_start3A_455, %dma_start3A_456] : memref<8x50x64xf32, #tpu.memory_space<vmem>> -> memref<1x50x64xf32, #tpu.memory_space<vmem>>
    %dma_start3A_458 = tpu.memref_squeeze %dma_start3A_457 : memref<1x50x64xf32, #tpu.memory_space<vmem>> -> memref<50x64xf32, #tpu.memory_space<vmem>>
    %dma_start3A_459 = arith.constant 0 : i32
    %dma_start3A_460 = arith.constant 0 : i32
    %dma_start3A_461 = tpu.memref_slice %arg2[%add3A_445, %dma_start3A_459, %squeeze3A_443, %dma_start3A_460] : memref<1024x50x26x64xf32, #tpu.memory_space<hbm>> -> memref<1x50x1x64xf32, #tpu.memory_space<hbm>>
    %dma_start3A_462 = tpu.memref_squeeze %dma_start3A_461 : memref<1x50x1x64xf32, #tpu.memory_space<hbm>> -> memref<50x64xf32, #tpu.memory_space<hbm>>
    tpu.enqueue_dma source(%dma_start3A_462 : memref<50x64xf32, #tpu.memory_space<hbm>>) target(%dma_start3A_458 : memref<50x64xf32, #tpu.memory_space<vmem>>) target_semaphore(%arg8 : memref<!tpu.dma_semaphore, #tpu.memory_space<semaphore_mem>>)
    %slice3A_463 = vector.extract_strided_slice %get3A_4 {offsets = [15], sizes = [1], strides = [1]} : vector<16xi32> to vector<1xi32>
    %squeeze3A_464 = vector.extract %slice3A_463[0] : i32 from vector<1xi32>
    %add3A_465 = arith.constant 15 : i32
    %add3A_466 = arith.addi %mul3A_2, %add3A_465 : i32
    %dma_start3A_467 = arith.constant 7 : i32
    %dma_start3A_468 = arith.constant 0 : i32
    %dma_start3A_469 = arith.constant 0 : i32
    %dma_start3A_470 = tpu.memref_slice %arg7[%dma_start3A_467, %dma_start3A_468, %dma_start3A_469] : memref<8x50x64xf32, #tpu.memory_space<vmem>> -> memref<1x50x64xf32, #tpu.memory_space<vmem>>
    %dma_start3A_471 = tpu.memref_squeeze %dma_start3A_470 : memref<1x50x64xf32, #tpu.memory_space<vmem>> -> memref<50x64xf32, #tpu.memory_space<vmem>>
    %dma_start3A_472 = arith.constant 0 : i32
    %dma_start3A_473 = arith.constant 0 : i32
    %dma_start3A_474 = tpu.memref_slice %arg2[%add3A_466, %dma_start3A_472, %squeeze3A_464, %dma_start3A_473] : memref<1024x50x26x64xf32, #tpu.memory_space<hbm>> -> memref<1x50x1x64xf32, #tpu.memory_space<hbm>>
    %dma_start3A_475 = tpu.memref_squeeze %dma_start3A_474 : memref<1x50x1x64xf32, #tpu.memory_space<hbm>> -> memref<50x64xf32, #tpu.memory_space<hbm>>
    %dma_start3A_476 = arith.constant 0 : i32
    %dma_start3A_477 = arith.constant 0 : i32
    %dma_start3A_478 = tpu.memref_slice %arg7[%dma_start3A_467, %dma_start3A_476, %dma_start3A_477] : memref<8x50x64xf32, #tpu.memory_space<vmem>> -> memref<1x50x64xf32, #tpu.memory_space<vmem>>
    %dma_start3A_479 = tpu.memref_squeeze %dma_start3A_478 : memref<1x50x64xf32, #tpu.memory_space<vmem>> -> memref<50x64xf32, #tpu.memory_space<vmem>>
    %dma_start3A_480 = arith.constant 0 : i32
    %dma_start3A_481 = arith.constant 0 : i32
    %dma_start3A_482 = tpu.memref_slice %arg2[%add3A_466, %dma_start3A_480, %squeeze3A_464, %dma_start3A_481] : memref<1024x50x26x64xf32, #tpu.memory_space<hbm>> -> memref<1x50x1x64xf32, #tpu.memory_space<hbm>>
    %dma_start3A_483 = tpu.memref_squeeze %dma_start3A_482 : memref<1x50x1x64xf32, #tpu.memory_space<hbm>> -> memref<50x64xf32, #tpu.memory_space<hbm>>
    tpu.enqueue_dma source(%dma_start3A_483 : memref<50x64xf32, #tpu.memory_space<hbm>>) target(%dma_start3A_479 : memref<50x64xf32, #tpu.memory_space<vmem>>) target_semaphore(%arg8 : memref<!tpu.dma_semaphore, #tpu.memory_space<semaphore_mem>>)
    %dma_wait3A_484 = arith.constant 0 : i32
    %dma_wait3A_485 = arith.constant 0 : i32
    %dma_wait3A_486 = arith.constant 0 : i32
    %dma_wait3A_487 = tpu.memref_slice %arg7[%dma_wait3A_484, %dma_wait3A_485, %dma_wait3A_486] : memref<8x50x64xf32, #tpu.memory_space<vmem>> -> memref<1x50x64xf32, #tpu.memory_space<vmem>>
    %dma_wait3A_488 = tpu.memref_squeeze %dma_wait3A_487 : memref<1x50x64xf32, #tpu.memory_space<vmem>> -> memref<50x64xf32, #tpu.memory_space<vmem>>
    %dma_wait3A_489 = arith.constant 0 : i32
    %dma_wait3A_490 = arith.constant 0 : i32
    %dma_wait3A_491 = tpu.memref_slice %arg2[%add3A_319, %dma_wait3A_489, %squeeze3A_317, %dma_wait3A_490] : memref<1024x50x26x64xf32, #tpu.memory_space<hbm>> -> memref<1x50x1x64xf32, #tpu.memory_space<hbm>>
    %dma_wait3A_492 = tpu.memref_squeeze %dma_wait3A_491 : memref<1x50x1x64xf32, #tpu.memory_space<hbm>> -> memref<50x64xf32, #tpu.memory_space<hbm>>
    %dma_wait3A_493 = arith.constant 0 : i32
    %dma_wait3A_494 = arith.constant 0 : i32
    %dma_wait3A_495 = tpu.memref_slice %arg7[%dma_wait3A_484, %dma_wait3A_493, %dma_wait3A_494] : memref<8x50x64xf32, #tpu.memory_space<vmem>> -> memref<1x50x64xf32, #tpu.memory_space<vmem>>
    %dma_wait3A_496 = tpu.memref_squeeze %dma_wait3A_495 : memref<1x50x64xf32, #tpu.memory_space<vmem>> -> memref<50x64xf32, #tpu.memory_space<vmem>>
    %dma_wait3A_497 = arith.constant 0 : i32
    %dma_wait3A_498 = arith.constant 0 : i32
    %dma_wait3A_499 = tpu.memref_slice %arg2[%add3A_319, %dma_wait3A_497, %squeeze3A_317, %dma_wait3A_498] : memref<1024x50x26x64xf32, #tpu.memory_space<hbm>> -> memref<1x50x1x64xf32, #tpu.memory_space<hbm>>
    %dma_wait3A_500 = tpu.memref_squeeze %dma_wait3A_499 : memref<1x50x1x64xf32, #tpu.memory_space<hbm>> -> memref<50x64xf32, #tpu.memory_space<hbm>>
    tpu.wait_dma2 semaphore(%arg8 : memref<!tpu.dma_semaphore, #tpu.memory_space<semaphore_mem>>) src(%dma_wait3A_500 : memref<50x64xf32, #tpu.memory_space<hbm>>) dst(%dma_wait3A_496 : memref<50x64xf32, #tpu.memory_space<vmem>>)
    %dma_wait3A_501 = arith.constant 1 : i32
    %dma_wait3A_502 = arith.constant 0 : i32
    %dma_wait3A_503 = arith.constant 0 : i32
    %dma_wait3A_504 = tpu.memref_slice %arg7[%dma_wait3A_501, %dma_wait3A_502, %dma_wait3A_503] : memref<8x50x64xf32, #tpu.memory_space<vmem>> -> memref<1x50x64xf32, #tpu.memory_space<vmem>>
    %dma_wait3A_505 = tpu.memref_squeeze %dma_wait3A_504 : memref<1x50x64xf32, #tpu.memory_space<vmem>> -> memref<50x64xf32, #tpu.memory_space<vmem>>
    %dma_wait3A_506 = arith.constant 0 : i32
    %dma_wait3A_507 = arith.constant 0 : i32
    %dma_wait3A_508 = tpu.memref_slice %arg2[%add3A_340, %dma_wait3A_506, %squeeze3A_338, %dma_wait3A_507] : memref<1024x50x26x64xf32, #tpu.memory_space<hbm>> -> memref<1x50x1x64xf32, #tpu.memory_space<hbm>>
    %dma_wait3A_509 = tpu.memref_squeeze %dma_wait3A_508 : memref<1x50x1x64xf32, #tpu.memory_space<hbm>> -> memref<50x64xf32, #tpu.memory_space<hbm>>
    %dma_wait3A_510 = arith.constant 0 : i32
    %dma_wait3A_511 = arith.constant 0 : i32
    %dma_wait3A_512 = tpu.memref_slice %arg7[%dma_wait3A_501, %dma_wait3A_510, %dma_wait3A_511] : memref<8x50x64xf32, #tpu.memory_space<vmem>> -> memref<1x50x64xf32, #tpu.memory_space<vmem>>
    %dma_wait3A_513 = tpu.memref_squeeze %dma_wait3A_512 : memref<1x50x64xf32, #tpu.memory_space<vmem>> -> memref<50x64xf32, #tpu.memory_space<vmem>>
    %dma_wait3A_514 = arith.constant 0 : i32
    %dma_wait3A_515 = arith.constant 0 : i32
    %dma_wait3A_516 = tpu.memref_slice %arg2[%add3A_340, %dma_wait3A_514, %squeeze3A_338, %dma_wait3A_515] : memref<1024x50x26x64xf32, #tpu.memory_space<hbm>> -> memref<1x50x1x64xf32, #tpu.memory_space<hbm>>
    %dma_wait3A_517 = tpu.memref_squeeze %dma_wait3A_516 : memref<1x50x1x64xf32, #tpu.memory_space<hbm>> -> memref<50x64xf32, #tpu.memory_space<hbm>>
    tpu.wait_dma2 semaphore(%arg8 : memref<!tpu.dma_semaphore, #tpu.memory_space<semaphore_mem>>) src(%dma_wait3A_517 : memref<50x64xf32, #tpu.memory_space<hbm>>) dst(%dma_wait3A_513 : memref<50x64xf32, #tpu.memory_space<vmem>>)
    %dma_wait3A_518 = arith.constant 2 : i32
    %dma_wait3A_519 = arith.constant 0 : i32
    %dma_wait3A_520 = arith.constant 0 : i32
    %dma_wait3A_521 = tpu.memref_slice %arg7[%dma_wait3A_518, %dma_wait3A_519, %dma_wait3A_520] : memref<8x50x64xf32, #tpu.memory_space<vmem>> -> memref<1x50x64xf32, #tpu.memory_space<vmem>>
    %dma_wait3A_522 = tpu.memref_squeeze %dma_wait3A_521 : memref<1x50x64xf32, #tpu.memory_space<vmem>> -> memref<50x64xf32, #tpu.memory_space<vmem>>
    %dma_wait3A_523 = arith.constant 0 : i32
    %dma_wait3A_524 = arith.constant 0 : i32
    %dma_wait3A_525 = tpu.memref_slice %arg2[%add3A_361, %dma_wait3A_523, %squeeze3A_359, %dma_wait3A_524] : memref<1024x50x26x64xf32, #tpu.memory_space<hbm>> -> memref<1x50x1x64xf32, #tpu.memory_space<hbm>>
    %dma_wait3A_526 = tpu.memref_squeeze %dma_wait3A_525 : memref<1x50x1x64xf32, #tpu.memory_space<hbm>> -> memref<50x64xf32, #tpu.memory_space<hbm>>
    %dma_wait3A_527 = arith.constant 0 : i32
    %dma_wait3A_528 = arith.constant 0 : i32
    %dma_wait3A_529 = tpu.memref_slice %arg7[%dma_wait3A_518, %dma_wait3A_527, %dma_wait3A_528] : memref<8x50x64xf32, #tpu.memory_space<vmem>> -> memref<1x50x64xf32, #tpu.memory_space<vmem>>
    %dma_wait3A_530 = tpu.memref_squeeze %dma_wait3A_529 : memref<1x50x64xf32, #tpu.memory_space<vmem>> -> memref<50x64xf32, #tpu.memory_space<vmem>>
    %dma_wait3A_531 = arith.constant 0 : i32
    %dma_wait3A_532 = arith.constant 0 : i32
    %dma_wait3A_533 = tpu.memref_slice %arg2[%add3A_361, %dma_wait3A_531, %squeeze3A_359, %dma_wait3A_532] : memref<1024x50x26x64xf32, #tpu.memory_space<hbm>> -> memref<1x50x1x64xf32, #tpu.memory_space<hbm>>
    %dma_wait3A_534 = tpu.memref_squeeze %dma_wait3A_533 : memref<1x50x1x64xf32, #tpu.memory_space<hbm>> -> memref<50x64xf32, #tpu.memory_space<hbm>>
    tpu.wait_dma2 semaphore(%arg8 : memref<!tpu.dma_semaphore, #tpu.memory_space<semaphore_mem>>) src(%dma_wait3A_534 : memref<50x64xf32, #tpu.memory_space<hbm>>) dst(%dma_wait3A_530 : memref<50x64xf32, #tpu.memory_space<vmem>>)
    %dma_wait3A_535 = arith.constant 3 : i32
    %dma_wait3A_536 = arith.constant 0 : i32
    %dma_wait3A_537 = arith.constant 0 : i32
    %dma_wait3A_538 = tpu.memref_slice %arg7[%dma_wait3A_535, %dma_wait3A_536, %dma_wait3A_537] : memref<8x50x64xf32, #tpu.memory_space<vmem>> -> memref<1x50x64xf32, #tpu.memory_space<vmem>>
    %dma_wait3A_539 = tpu.memref_squeeze %dma_wait3A_538 : memref<1x50x64xf32, #tpu.memory_space<vmem>> -> memref<50x64xf32, #tpu.memory_space<vmem>>
    %dma_wait3A_540 = arith.constant 0 : i32
    %dma_wait3A_541 = arith.constant 0 : i32
    %dma_wait3A_542 = tpu.memref_slice %arg2[%add3A_382, %dma_wait3A_540, %squeeze3A_380, %dma_wait3A_541] : memref<1024x50x26x64xf32, #tpu.memory_space<hbm>> -> memref<1x50x1x64xf32, #tpu.memory_space<hbm>>
    %dma_wait3A_543 = tpu.memref_squeeze %dma_wait3A_542 : memref<1x50x1x64xf32, #tpu.memory_space<hbm>> -> memref<50x64xf32, #tpu.memory_space<hbm>>
    %dma_wait3A_544 = arith.constant 0 : i32
    %dma_wait3A_545 = arith.constant 0 : i32
    %dma_wait3A_546 = tpu.memref_slice %arg7[%dma_wait3A_535, %dma_wait3A_544, %dma_wait3A_545] : memref<8x50x64xf32, #tpu.memory_space<vmem>> -> memref<1x50x64xf32, #tpu.memory_space<vmem>>
    %dma_wait3A_547 = tpu.memref_squeeze %dma_wait3A_546 : memref<1x50x64xf32, #tpu.memory_space<vmem>> -> memref<50x64xf32, #tpu.memory_space<vmem>>
    %dma_wait3A_548 = arith.constant 0 : i32
    %dma_wait3A_549 = arith.constant 0 : i32
    %dma_wait3A_550 = tpu.memref_slice %arg2[%add3A_382, %dma_wait3A_548, %squeeze3A_380, %dma_wait3A_549] : memref<1024x50x26x64xf32, #tpu.memory_space<hbm>> -> memref<1x50x1x64xf32, #tpu.memory_space<hbm>>
    %dma_wait3A_551 = tpu.memref_squeeze %dma_wait3A_550 : memref<1x50x1x64xf32, #tpu.memory_space<hbm>> -> memref<50x64xf32, #tpu.memory_space<hbm>>
    tpu.wait_dma2 semaphore(%arg8 : memref<!tpu.dma_semaphore, #tpu.memory_space<semaphore_mem>>) src(%dma_wait3A_551 : memref<50x64xf32, #tpu.memory_space<hbm>>) dst(%dma_wait3A_547 : memref<50x64xf32, #tpu.memory_space<vmem>>)
    %dma_wait3A_552 = arith.constant 4 : i32
    %dma_wait3A_553 = arith.constant 0 : i32
    %dma_wait3A_554 = arith.constant 0 : i32
    %dma_wait3A_555 = tpu.memref_slice %arg7[%dma_wait3A_552, %dma_wait3A_553, %dma_wait3A_554] : memref<8x50x64xf32, #tpu.memory_space<vmem>> -> memref<1x50x64xf32, #tpu.memory_space<vmem>>
    %dma_wait3A_556 = tpu.memref_squeeze %dma_wait3A_555 : memref<1x50x64xf32, #tpu.memory_space<vmem>> -> memref<50x64xf32, #tpu.memory_space<vmem>>
    %dma_wait3A_557 = arith.constant 0 : i32
    %dma_wait3A_558 = arith.constant 0 : i32
    %dma_wait3A_559 = tpu.memref_slice %arg2[%add3A_403, %dma_wait3A_557, %squeeze3A_401, %dma_wait3A_558] : memref<1024x50x26x64xf32, #tpu.memory_space<hbm>> -> memref<1x50x1x64xf32, #tpu.memory_space<hbm>>
    %dma_wait3A_560 = tpu.memref_squeeze %dma_wait3A_559 : memref<1x50x1x64xf32, #tpu.memory_space<hbm>> -> memref<50x64xf32, #tpu.memory_space<hbm>>
    %dma_wait3A_561 = arith.constant 0 : i32
    %dma_wait3A_562 = arith.constant 0 : i32
    %dma_wait3A_563 = tpu.memref_slice %arg7[%dma_wait3A_552, %dma_wait3A_561, %dma_wait3A_562] : memref<8x50x64xf32, #tpu.memory_space<vmem>> -> memref<1x50x64xf32, #tpu.memory_space<vmem>>
    %dma_wait3A_564 = tpu.memref_squeeze %dma_wait3A_563 : memref<1x50x64xf32, #tpu.memory_space<vmem>> -> memref<50x64xf32, #tpu.memory_space<vmem>>
    %dma_wait3A_565 = arith.constant 0 : i32
    %dma_wait3A_566 = arith.constant 0 : i32
    %dma_wait3A_567 = tpu.memref_slice %arg2[%add3A_403, %dma_wait3A_565, %squeeze3A_401, %dma_wait3A_566] : memref<1024x50x26x64xf32, #tpu.memory_space<hbm>> -> memref<1x50x1x64xf32, #tpu.memory_space<hbm>>
    %dma_wait3A_568 = tpu.memref_squeeze %dma_wait3A_567 : memref<1x50x1x64xf32, #tpu.memory_space<hbm>> -> memref<50x64xf32, #tpu.memory_space<hbm>>
    tpu.wait_dma2 semaphore(%arg8 : memref<!tpu.dma_semaphore, #tpu.memory_space<semaphore_mem>>) src(%dma_wait3A_568 : memref<50x64xf32, #tpu.memory_space<hbm>>) dst(%dma_wait3A_564 : memref<50x64xf32, #tpu.memory_space<vmem>>)
    %dma_wait3A_569 = arith.constant 5 : i32
    %dma_wait3A_570 = arith.constant 0 : i32
    %dma_wait3A_571 = arith.constant 0 : i32
    %dma_wait3A_572 = tpu.memref_slice %arg7[%dma_wait3A_569, %dma_wait3A_570, %dma_wait3A_571] : memref<8x50x64xf32, #tpu.memory_space<vmem>> -> memref<1x50x64xf32, #tpu.memory_space<vmem>>
    %dma_wait3A_573 = tpu.memref_squeeze %dma_wait3A_572 : memref<1x50x64xf32, #tpu.memory_space<vmem>> -> memref<50x64xf32, #tpu.memory_space<vmem>>
    %dma_wait3A_574 = arith.constant 0 : i32
    %dma_wait3A_575 = arith.constant 0 : i32
    %dma_wait3A_576 = tpu.memref_slice %arg2[%add3A_424, %dma_wait3A_574, %squeeze3A_422, %dma_wait3A_575] : memref<1024x50x26x64xf32, #tpu.memory_space<hbm>> -> memref<1x50x1x64xf32, #tpu.memory_space<hbm>>
    %dma_wait3A_577 = tpu.memref_squeeze %dma_wait3A_576 : memref<1x50x1x64xf32, #tpu.memory_space<hbm>> -> memref<50x64xf32, #tpu.memory_space<hbm>>
    %dma_wait3A_578 = arith.constant 0 : i32
    %dma_wait3A_579 = arith.constant 0 : i32
    %dma_wait3A_580 = tpu.memref_slice %arg7[%dma_wait3A_569, %dma_wait3A_578, %dma_wait3A_579] : memref<8x50x64xf32, #tpu.memory_space<vmem>> -> memref<1x50x64xf32, #tpu.memory_space<vmem>>
    %dma_wait3A_581 = tpu.memref_squeeze %dma_wait3A_580 : memref<1x50x64xf32, #tpu.memory_space<vmem>> -> memref<50x64xf32, #tpu.memory_space<vmem>>
    %dma_wait3A_582 = arith.constant 0 : i32
    %dma_wait3A_583 = arith.constant 0 : i32
    %dma_wait3A_584 = tpu.memref_slice %arg2[%add3A_424, %dma_wait3A_582, %squeeze3A_422, %dma_wait3A_583] : memref<1024x50x26x64xf32, #tpu.memory_space<hbm>> -> memref<1x50x1x64xf32, #tpu.memory_space<hbm>>
    %dma_wait3A_585 = tpu.memref_squeeze %dma_wait3A_584 : memref<1x50x1x64xf32, #tpu.memory_space<hbm>> -> memref<50x64xf32, #tpu.memory_space<hbm>>
    tpu.wait_dma2 semaphore(%arg8 : memref<!tpu.dma_semaphore, #tpu.memory_space<semaphore_mem>>) src(%dma_wait3A_585 : memref<50x64xf32, #tpu.memory_space<hbm>>) dst(%dma_wait3A_581 : memref<50x64xf32, #tpu.memory_space<vmem>>)
    %dma_wait3A_586 = arith.constant 6 : i32
    %dma_wait3A_587 = arith.constant 0 : i32
    %dma_wait3A_588 = arith.constant 0 : i32
    %dma_wait3A_589 = tpu.memref_slice %arg7[%dma_wait3A_586, %dma_wait3A_587, %dma_wait3A_588] : memref<8x50x64xf32, #tpu.memory_space<vmem>> -> memref<1x50x64xf32, #tpu.memory_space<vmem>>
    %dma_wait3A_590 = tpu.memref_squeeze %dma_wait3A_589 : memref<1x50x64xf32, #tpu.memory_space<vmem>> -> memref<50x64xf32, #tpu.memory_space<vmem>>
    %dma_wait3A_591 = arith.constant 0 : i32
    %dma_wait3A_592 = arith.constant 0 : i32
    %dma_wait3A_593 = tpu.memref_slice %arg2[%add3A_445, %dma_wait3A_591, %squeeze3A_443, %dma_wait3A_592] : memref<1024x50x26x64xf32, #tpu.memory_space<hbm>> -> memref<1x50x1x64xf32, #tpu.memory_space<hbm>>
    %dma_wait3A_594 = tpu.memref_squeeze %dma_wait3A_593 : memref<1x50x1x64xf32, #tpu.memory_space<hbm>> -> memref<50x64xf32, #tpu.memory_space<hbm>>
    %dma_wait3A_595 = arith.constant 0 : i32
    %dma_wait3A_596 = arith.constant 0 : i32
    %dma_wait3A_597 = tpu.memref_slice %arg7[%dma_wait3A_586, %dma_wait3A_595, %dma_wait3A_596] : memref<8x50x64xf32, #tpu.memory_space<vmem>> -> memref<1x50x64xf32, #tpu.memory_space<vmem>>
    %dma_wait3A_598 = tpu.memref_squeeze %dma_wait3A_597 : memref<1x50x64xf32, #tpu.memory_space<vmem>> -> memref<50x64xf32, #tpu.memory_space<vmem>>
    %dma_wait3A_599 = arith.constant 0 : i32
    %dma_wait3A_600 = arith.constant 0 : i32
    %dma_wait3A_601 = tpu.memref_slice %arg2[%add3A_445, %dma_wait3A_599, %squeeze3A_443, %dma_wait3A_600] : memref<1024x50x26x64xf32, #tpu.memory_space<hbm>> -> memref<1x50x1x64xf32, #tpu.memory_space<hbm>>
    %dma_wait3A_602 = tpu.memref_squeeze %dma_wait3A_601 : memref<1x50x1x64xf32, #tpu.memory_space<hbm>> -> memref<50x64xf32, #tpu.memory_space<hbm>>
    tpu.wait_dma2 semaphore(%arg8 : memref<!tpu.dma_semaphore, #tpu.memory_space<semaphore_mem>>) src(%dma_wait3A_602 : memref<50x64xf32, #tpu.memory_space<hbm>>) dst(%dma_wait3A_598 : memref<50x64xf32, #tpu.memory_space<vmem>>)
    %dma_wait3A_603 = arith.constant 7 : i32
    %dma_wait3A_604 = arith.constant 0 : i32
    %dma_wait3A_605 = arith.constant 0 : i32
    %dma_wait3A_606 = tpu.memref_slice %arg7[%dma_wait3A_603, %dma_wait3A_604, %dma_wait3A_605] : memref<8x50x64xf32, #tpu.memory_space<vmem>> -> memref<1x50x64xf32, #tpu.memory_space<vmem>>
    %dma_wait3A_607 = tpu.memref_squeeze %dma_wait3A_606 : memref<1x50x64xf32, #tpu.memory_space<vmem>> -> memref<50x64xf32, #tpu.memory_space<vmem>>
    %dma_wait3A_608 = arith.constant 0 : i32
    %dma_wait3A_609 = arith.constant 0 : i32
    %dma_wait3A_610 = tpu.memref_slice %arg2[%add3A_466, %dma_wait3A_608, %squeeze3A_464, %dma_wait3A_609] : memref<1024x50x26x64xf32, #tpu.memory_space<hbm>> -> memref<1x50x1x64xf32, #tpu.memory_space<hbm>>
    %dma_wait3A_611 = tpu.memref_squeeze %dma_wait3A_610 : memref<1x50x1x64xf32, #tpu.memory_space<hbm>> -> memref<50x64xf32, #tpu.memory_space<hbm>>
    %dma_wait3A_612 = arith.constant 0 : i32
    %dma_wait3A_613 = arith.constant 0 : i32
    %dma_wait3A_614 = tpu.memref_slice %arg7[%dma_wait3A_603, %dma_wait3A_612, %dma_wait3A_613] : memref<8x50x64xf32, #tpu.memory_space<vmem>> -> memref<1x50x64xf32, #tpu.memory_space<vmem>>
    %dma_wait3A_615 = tpu.memref_squeeze %dma_wait3A_614 : memref<1x50x64xf32, #tpu.memory_space<vmem>> -> memref<50x64xf32, #tpu.memory_space<vmem>>
    %dma_wait3A_616 = arith.constant 0 : i32
    %dma_wait3A_617 = arith.constant 0 : i32
    %dma_wait3A_618 = tpu.memref_slice %arg2[%add3A_466, %dma_wait3A_616, %squeeze3A_464, %dma_wait3A_617] : memref<1024x50x26x64xf32, #tpu.memory_space<hbm>> -> memref<1x50x1x64xf32, #tpu.memory_space<hbm>>
    %dma_wait3A_619 = tpu.memref_squeeze %dma_wait3A_618 : memref<1x50x1x64xf32, #tpu.memory_space<hbm>> -> memref<50x64xf32, #tpu.memory_space<hbm>>
    tpu.wait_dma2 semaphore(%arg8 : memref<!tpu.dma_semaphore, #tpu.memory_space<semaphore_mem>>) src(%dma_wait3A_619 : memref<50x64xf32, #tpu.memory_space<hbm>>) dst(%dma_wait3A_615 : memref<50x64xf32, #tpu.memory_space<vmem>>)
    %add3A_620 = arith.constant 8 : i32
    %add3A_621 = arith.addi %mul3A_2, %add3A_620 : i32
    %dma_start3A_622 = arith.constant 0 : i32
    %dma_start3A_623 = arith.constant 0 : i32
    %dma_start3A_624 = tpu.memref_slice %arg4[%add3A_621, %dma_start3A_622, %dma_start3A_623] : memref<1024x50x64xf32, #tpu.memory_space<hbm>> -> memref<8x50x64xf32, #tpu.memory_space<hbm>>
    %dma_start3A_625 = arith.constant 0 : i32
    %dma_start3A_626 = arith.constant 0 : i32
    %dma_start3A_627 = tpu.memref_slice %arg4[%add3A_621, %dma_start3A_625, %dma_start3A_626] : memref<1024x50x64xf32, #tpu.memory_space<hbm>> -> memref<8x50x64xf32, #tpu.memory_space<hbm>>
    tpu.enqueue_dma source(%arg7 : memref<8x50x64xf32, #tpu.memory_space<vmem>>) target(%dma_start3A_627 : memref<8x50x64xf32, #tpu.memory_space<hbm>>) target_semaphore(%arg9 : memref<!tpu.dma_semaphore, #tpu.memory_space<semaphore_mem>>)
    %dma_wait3A_628 = arith.constant 0 : i32
    %dma_wait3A_629 = arith.constant 0 : i32
    %dma_wait3A_630 = tpu.memref_slice %arg4[%add3A_309, %dma_wait3A_628, %dma_wait3A_629] : memref<1024x50x64xf32, #tpu.memory_space<hbm>> -> memref<8x50x64xf32, #tpu.memory_space<hbm>>
    %dma_wait3A_631 = arith.constant 0 : i32
    %dma_wait3A_632 = arith.constant 0 : i32
    %dma_wait3A_633 = tpu.memref_slice %arg4[%add3A_309, %dma_wait3A_631, %dma_wait3A_632] : memref<1024x50x64xf32, #tpu.memory_space<hbm>> -> memref<8x50x64xf32, #tpu.memory_space<hbm>>
    tpu.wait_dma2 semaphore(%arg9 : memref<!tpu.dma_semaphore, #tpu.memory_space<semaphore_mem>>) src(%arg6 : memref<8x50x64xf32, #tpu.memory_space<vmem>>) dst(%dma_wait3A_633 : memref<8x50x64xf32, #tpu.memory_space<hbm>>)
    %slice3A_634 = vector.extract_strided_slice %get3A_7 {offsets = [0], sizes = [1], strides = [1]} : vector<16xi32> to vector<1xi32>
    %squeeze3A_635 = vector.extract %slice3A_634[0] : i32 from vector<1xi32>
    %add3A_636 = arith.constant 16 : i32
    %add3A_637 = arith.addi %mul3A_2, %add3A_636 : i32
    %dma_start3A_638 = arith.constant 0 : i32
    %dma_start3A_639 = arith.constant 0 : i32
    %dma_start3A_640 = arith.constant 0 : i32
    %dma_start3A_641 = tpu.memref_slice %arg6[%dma_start3A_638, %dma_start3A_639, %dma_start3A_640] : memref<8x50x64xf32, #tpu.memory_space<vmem>> -> memref<1x50x64xf32, #tpu.memory_space<vmem>>
    %dma_start3A_642 = tpu.memref_squeeze %dma_start3A_641 : memref<1x50x64xf32, #tpu.memory_space<vmem>> -> memref<50x64xf32, #tpu.memory_space<vmem>>
    %dma_start3A_643 = arith.constant 0 : i32
    %dma_start3A_644 = arith.constant 0 : i32
    %dma_start3A_645 = tpu.memref_slice %arg2[%add3A_637, %dma_start3A_643, %squeeze3A_635, %dma_start3A_644] : memref<1024x50x26x64xf32, #tpu.memory_space<hbm>> -> memref<1x50x1x64xf32, #tpu.memory_space<hbm>>
    %dma_start3A_646 = tpu.memref_squeeze %dma_start3A_645 : memref<1x50x1x64xf32, #tpu.memory_space<hbm>> -> memref<50x64xf32, #tpu.memory_space<hbm>>
    %dma_start3A_647 = arith.constant 0 : i32
    %dma_start3A_648 = arith.constant 0 : i32
    %dma_start3A_649 = tpu.memref_slice %arg6[%dma_start3A_638, %dma_start3A_647, %dma_start3A_648] : memref<8x50x64xf32, #tpu.memory_space<vmem>> -> memref<1x50x64xf32, #tpu.memory_space<vmem>>
    %dma_start3A_650 = tpu.memref_squeeze %dma_start3A_649 : memref<1x50x64xf32, #tpu.memory_space<vmem>> -> memref<50x64xf32, #tpu.memory_space<vmem>>
    %dma_start3A_651 = arith.constant 0 : i32
    %dma_start3A_652 = arith.constant 0 : i32
    %dma_start3A_653 = tpu.memref_slice %arg2[%add3A_637, %dma_start3A_651, %squeeze3A_635, %dma_start3A_652] : memref<1024x50x26x64xf32, #tpu.memory_space<hbm>> -> memref<1x50x1x64xf32, #tpu.memory_space<hbm>>
    %dma_start3A_654 = tpu.memref_squeeze %dma_start3A_653 : memref<1x50x1x64xf32, #tpu.memory_space<hbm>> -> memref<50x64xf32, #tpu.memory_space<hbm>>
    tpu.enqueue_dma source(%dma_start3A_654 : memref<50x64xf32, #tpu.memory_space<hbm>>) target(%dma_start3A_650 : memref<50x64xf32, #tpu.memory_space<vmem>>) target_semaphore(%arg8 : memref<!tpu.dma_semaphore, #tpu.memory_space<semaphore_mem>>)
    %slice3A_655 = vector.extract_strided_slice %get3A_7 {offsets = [1], sizes = [1], strides = [1]} : vector<16xi32> to vector<1xi32>
    %squeeze3A_656 = vector.extract %slice3A_655[0] : i32 from vector<1xi32>
    %add3A_657 = arith.constant 17 : i32
    %add3A_658 = arith.addi %mul3A_2, %add3A_657 : i32
    %dma_start3A_659 = arith.constant 1 : i32
    %dma_start3A_660 = arith.constant 0 : i32
    %dma_start3A_661 = arith.constant 0 : i32
    %dma_start3A_662 = tpu.memref_slice %arg6[%dma_start3A_659, %dma_start3A_660, %dma_start3A_661] : memref<8x50x64xf32, #tpu.memory_space<vmem>> -> memref<1x50x64xf32, #tpu.memory_space<vmem>>
    %dma_start3A_663 = tpu.memref_squeeze %dma_start3A_662 : memref<1x50x64xf32, #tpu.memory_space<vmem>> -> memref<50x64xf32, #tpu.memory_space<vmem>>
    %dma_start3A_664 = arith.constant 0 : i32
    %dma_start3A_665 = arith.constant 0 : i32
    %dma_start3A_666 = tpu.memref_slice %arg2[%add3A_658, %dma_start3A_664, %squeeze3A_656, %dma_start3A_665] : memref<1024x50x26x64xf32, #tpu.memory_space<hbm>> -> memref<1x50x1x64xf32, #tpu.memory_space<hbm>>
    %dma_start3A_667 = tpu.memref_squeeze %dma_start3A_666 : memref<1x50x1x64xf32, #tpu.memory_space<hbm>> -> memref<50x64xf32, #tpu.memory_space<hbm>>
    %dma_start3A_668 = arith.constant 0 : i32
    %dma_start3A_669 = arith.constant 0 : i32
    %dma_start3A_670 = tpu.memref_slice %arg6[%dma_start3A_659, %dma_start3A_668, %dma_start3A_669] : memref<8x50x64xf32, #tpu.memory_space<vmem>> -> memref<1x50x64xf32, #tpu.memory_space<vmem>>
    %dma_start3A_671 = tpu.memref_squeeze %dma_start3A_670 : memref<1x50x64xf32, #tpu.memory_space<vmem>> -> memref<50x64xf32, #tpu.memory_space<vmem>>
    %dma_start3A_672 = arith.constant 0 : i32
    %dma_start3A_673 = arith.constant 0 : i32
    %dma_start3A_674 = tpu.memref_slice %arg2[%add3A_658, %dma_start3A_672, %squeeze3A_656, %dma_start3A_673] : memref<1024x50x26x64xf32, #tpu.memory_space<hbm>> -> memref<1x50x1x64xf32, #tpu.memory_space<hbm>>
    %dma_start3A_675 = tpu.memref_squeeze %dma_start3A_674 : memref<1x50x1x64xf32, #tpu.memory_space<hbm>> -> memref<50x64xf32, #tpu.memory_space<hbm>>
    tpu.enqueue_dma source(%dma_start3A_675 : memref<50x64xf32, #tpu.memory_space<hbm>>) target(%dma_start3A_671 : memref<50x64xf32, #tpu.memory_space<vmem>>) target_semaphore(%arg8 : memref<!tpu.dma_semaphore, #tpu.memory_space<semaphore_mem>>)
    %slice3A_676 = vector.extract_strided_slice %get3A_7 {offsets = [2], sizes = [1], strides = [1]} : vector<16xi32> to vector<1xi32>
    %squeeze3A_677 = vector.extract %slice3A_676[0] : i32 from vector<1xi32>
    %add3A_678 = arith.constant 18 : i32
    %add3A_679 = arith.addi %mul3A_2, %add3A_678 : i32
    %dma_start3A_680 = arith.constant 2 : i32
    %dma_start3A_681 = arith.constant 0 : i32
    %dma_start3A_682 = arith.constant 0 : i32
    %dma_start3A_683 = tpu.memref_slice %arg6[%dma_start3A_680, %dma_start3A_681, %dma_start3A_682] : memref<8x50x64xf32, #tpu.memory_space<vmem>> -> memref<1x50x64xf32, #tpu.memory_space<vmem>>
    %dma_start3A_684 = tpu.memref_squeeze %dma_start3A_683 : memref<1x50x64xf32, #tpu.memory_space<vmem>> -> memref<50x64xf32, #tpu.memory_space<vmem>>
    %dma_start3A_685 = arith.constant 0 : i32
    %dma_start3A_686 = arith.constant 0 : i32
    %dma_start3A_687 = tpu.memref_slice %arg2[%add3A_679, %dma_start3A_685, %squeeze3A_677, %dma_start3A_686] : memref<1024x50x26x64xf32, #tpu.memory_space<hbm>> -> memref<1x50x1x64xf32, #tpu.memory_space<hbm>>
    %dma_start3A_688 = tpu.memref_squeeze %dma_start3A_687 : memref<1x50x1x64xf32, #tpu.memory_space<hbm>> -> memref<50x64xf32, #tpu.memory_space<hbm>>
    %dma_start3A_689 = arith.constant 0 : i32
    %dma_start3A_690 = arith.constant 0 : i32
    %dma_start3A_691 = tpu.memref_slice %arg6[%dma_start3A_680, %dma_start3A_689, %dma_start3A_690] : memref<8x50x64xf32, #tpu.memory_space<vmem>> -> memref<1x50x64xf32, #tpu.memory_space<vmem>>
    %dma_start3A_692 = tpu.memref_squeeze %dma_start3A_691 : memref<1x50x64xf32, #tpu.memory_space<vmem>> -> memref<50x64xf32, #tpu.memory_space<vmem>>
    %dma_start3A_693 = arith.constant 0 : i32
    %dma_start3A_694 = arith.constant 0 : i32
    %dma_start3A_695 = tpu.memref_slice %arg2[%add3A_679, %dma_start3A_693, %squeeze3A_677, %dma_start3A_694] : memref<1024x50x26x64xf32, #tpu.memory_space<hbm>> -> memref<1x50x1x64xf32, #tpu.memory_space<hbm>>
    %dma_start3A_696 = tpu.memref_squeeze %dma_start3A_695 : memref<1x50x1x64xf32, #tpu.memory_space<hbm>> -> memref<50x64xf32, #tpu.memory_space<hbm>>
    tpu.enqueue_dma source(%dma_start3A_696 : memref<50x64xf32, #tpu.memory_space<hbm>>) target(%dma_start3A_692 : memref<50x64xf32, #tpu.memory_space<vmem>>) target_semaphore(%arg8 : memref<!tpu.dma_semaphore, #tpu.memory_space<semaphore_mem>>)
    %slice3A_697 = vector.extract_strided_slice %get3A_7 {offsets = [3], sizes = [1], strides = [1]} : vector<16xi32> to vector<1xi32>
    %squeeze3A_698 = vector.extract %slice3A_697[0] : i32 from vector<1xi32>
    %add3A_699 = arith.constant 19 : i32
    %add3A_700 = arith.addi %mul3A_2, %add3A_699 : i32
    %dma_start3A_701 = arith.constant 3 : i32
    %dma_start3A_702 = arith.constant 0 : i32
    %dma_start3A_703 = arith.constant 0 : i32
    %dma_start3A_704 = tpu.memref_slice %arg6[%dma_start3A_701, %dma_start3A_702, %dma_start3A_703] : memref<8x50x64xf32, #tpu.memory_space<vmem>> -> memref<1x50x64xf32, #tpu.memory_space<vmem>>
    %dma_start3A_705 = tpu.memref_squeeze %dma_start3A_704 : memref<1x50x64xf32, #tpu.memory_space<vmem>> -> memref<50x64xf32, #tpu.memory_space<vmem>>
    %dma_start3A_706 = arith.constant 0 : i32
    %dma_start3A_707 = arith.constant 0 : i32
    %dma_start3A_708 = tpu.memref_slice %arg2[%add3A_700, %dma_start3A_706, %squeeze3A_698, %dma_start3A_707] : memref<1024x50x26x64xf32, #tpu.memory_space<hbm>> -> memref<1x50x1x64xf32, #tpu.memory_space<hbm>>
    %dma_start3A_709 = tpu.memref_squeeze %dma_start3A_708 : memref<1x50x1x64xf32, #tpu.memory_space<hbm>> -> memref<50x64xf32, #tpu.memory_space<hbm>>
    %dma_start3A_710 = arith.constant 0 : i32
    %dma_start3A_711 = arith.constant 0 : i32
    %dma_start3A_712 = tpu.memref_slice %arg6[%dma_start3A_701, %dma_start3A_710, %dma_start3A_711] : memref<8x50x64xf32, #tpu.memory_space<vmem>> -> memref<1x50x64xf32, #tpu.memory_space<vmem>>
    %dma_start3A_713 = tpu.memref_squeeze %dma_start3A_712 : memref<1x50x64xf32, #tpu.memory_space<vmem>> -> memref<50x64xf32, #tpu.memory_space<vmem>>
    %dma_start3A_714 = arith.constant 0 : i32
    %dma_start3A_715 = arith.constant 0 : i32
    %dma_start3A_716 = tpu.memref_slice %arg2[%add3A_700, %dma_start3A_714, %squeeze3A_698, %dma_start3A_715] : memref<1024x50x26x64xf32, #tpu.memory_space<hbm>> -> memref<1x50x1x64xf32, #tpu.memory_space<hbm>>
    %dma_start3A_717 = tpu.memref_squeeze %dma_start3A_716 : memref<1x50x1x64xf32, #tpu.memory_space<hbm>> -> memref<50x64xf32, #tpu.memory_space<hbm>>
    tpu.enqueue_dma source(%dma_start3A_717 : memref<50x64xf32, #tpu.memory_space<hbm>>) target(%dma_start3A_713 : memref<50x64xf32, #tpu.memory_space<vmem>>) target_semaphore(%arg8 : memref<!tpu.dma_semaphore, #tpu.memory_space<semaphore_mem>>)
    %slice3A_718 = vector.extract_strided_slice %get3A_7 {offsets = [4], sizes = [1], strides = [1]} : vector<16xi32> to vector<1xi32>
    %squeeze3A_719 = vector.extract %slice3A_718[0] : i32 from vector<1xi32>
    %add3A_720 = arith.constant 20 : i32
    %add3A_721 = arith.addi %mul3A_2, %add3A_720 : i32
    %dma_start3A_722 = arith.constant 4 : i32
    %dma_start3A_723 = arith.constant 0 : i32
    %dma_start3A_724 = arith.constant 0 : i32
    %dma_start3A_725 = tpu.memref_slice %arg6[%dma_start3A_722, %dma_start3A_723, %dma_start3A_724] : memref<8x50x64xf32, #tpu.memory_space<vmem>> -> memref<1x50x64xf32, #tpu.memory_space<vmem>>
    %dma_start3A_726 = tpu.memref_squeeze %dma_start3A_725 : memref<1x50x64xf32, #tpu.memory_space<vmem>> -> memref<50x64xf32, #tpu.memory_space<vmem>>
    %dma_start3A_727 = arith.constant 0 : i32
    %dma_start3A_728 = arith.constant 0 : i32
    %dma_start3A_729 = tpu.memref_slice %arg2[%add3A_721, %dma_start3A_727, %squeeze3A_719, %dma_start3A_728] : memref<1024x50x26x64xf32, #tpu.memory_space<hbm>> -> memref<1x50x1x64xf32, #tpu.memory_space<hbm>>
    %dma_start3A_730 = tpu.memref_squeeze %dma_start3A_729 : memref<1x50x1x64xf32, #tpu.memory_space<hbm>> -> memref<50x64xf32, #tpu.memory_space<hbm>>
    %dma_start3A_731 = arith.constant 0 : i32
    %dma_start3A_732 = arith.constant 0 : i32
    %dma_start3A_733 = tpu.memref_slice %arg6[%dma_start3A_722, %dma_start3A_731, %dma_start3A_732] : memref<8x50x64xf32, #tpu.memory_space<vmem>> -> memref<1x50x64xf32, #tpu.memory_space<vmem>>
    %dma_start3A_734 = tpu.memref_squeeze %dma_start3A_733 : memref<1x50x64xf32, #tpu.memory_space<vmem>> -> memref<50x64xf32, #tpu.memory_space<vmem>>
    %dma_start3A_735 = arith.constant 0 : i32
    %dma_start3A_736 = arith.constant 0 : i32
    %dma_start3A_737 = tpu.memref_slice %arg2[%add3A_721, %dma_start3A_735, %squeeze3A_719, %dma_start3A_736] : memref<1024x50x26x64xf32, #tpu.memory_space<hbm>> -> memref<1x50x1x64xf32, #tpu.memory_space<hbm>>
    %dma_start3A_738 = tpu.memref_squeeze %dma_start3A_737 : memref<1x50x1x64xf32, #tpu.memory_space<hbm>> -> memref<50x64xf32, #tpu.memory_space<hbm>>
    tpu.enqueue_dma source(%dma_start3A_738 : memref<50x64xf32, #tpu.memory_space<hbm>>) target(%dma_start3A_734 : memref<50x64xf32, #tpu.memory_space<vmem>>) target_semaphore(%arg8 : memref<!tpu.dma_semaphore, #tpu.memory_space<semaphore_mem>>)
    %slice3A_739 = vector.extract_strided_slice %get3A_7 {offsets = [5], sizes = [1], strides = [1]} : vector<16xi32> to vector<1xi32>
    %squeeze3A_740 = vector.extract %slice3A_739[0] : i32 from vector<1xi32>
    %add3A_741 = arith.constant 21 : i32
    %add3A_742 = arith.addi %mul3A_2, %add3A_741 : i32
    %dma_start3A_743 = arith.constant 5 : i32
    %dma_start3A_744 = arith.constant 0 : i32
    %dma_start3A_745 = arith.constant 0 : i32
    %dma_start3A_746 = tpu.memref_slice %arg6[%dma_start3A_743, %dma_start3A_744, %dma_start3A_745] : memref<8x50x64xf32, #tpu.memory_space<vmem>> -> memref<1x50x64xf32, #tpu.memory_space<vmem>>
    %dma_start3A_747 = tpu.memref_squeeze %dma_start3A_746 : memref<1x50x64xf32, #tpu.memory_space<vmem>> -> memref<50x64xf32, #tpu.memory_space<vmem>>
    %dma_start3A_748 = arith.constant 0 : i32
    %dma_start3A_749 = arith.constant 0 : i32
    %dma_start3A_750 = tpu.memref_slice %arg2[%add3A_742, %dma_start3A_748, %squeeze3A_740, %dma_start3A_749] : memref<1024x50x26x64xf32, #tpu.memory_space<hbm>> -> memref<1x50x1x64xf32, #tpu.memory_space<hbm>>
    %dma_start3A_751 = tpu.memref_squeeze %dma_start3A_750 : memref<1x50x1x64xf32, #tpu.memory_space<hbm>> -> memref<50x64xf32, #tpu.memory_space<hbm>>
    %dma_start3A_752 = arith.constant 0 : i32
    %dma_start3A_753 = arith.constant 0 : i32
    %dma_start3A_754 = tpu.memref_slice %arg6[%dma_start3A_743, %dma_start3A_752, %dma_start3A_753] : memref<8x50x64xf32, #tpu.memory_space<vmem>> -> memref<1x50x64xf32, #tpu.memory_space<vmem>>
    %dma_start3A_755 = tpu.memref_squeeze %dma_start3A_754 : memref<1x50x64xf32, #tpu.memory_space<vmem>> -> memref<50x64xf32, #tpu.memory_space<vmem>>
    %dma_start3A_756 = arith.constant 0 : i32
    %dma_start3A_757 = arith.constant 0 : i32
    %dma_start3A_758 = tpu.memref_slice %arg2[%add3A_742, %dma_start3A_756, %squeeze3A_740, %dma_start3A_757] : memref<1024x50x26x64xf32, #tpu.memory_space<hbm>> -> memref<1x50x1x64xf32, #tpu.memory_space<hbm>>
    %dma_start3A_759 = tpu.memref_squeeze %dma_start3A_758 : memref<1x50x1x64xf32, #tpu.memory_space<hbm>> -> memref<50x64xf32, #tpu.memory_space<hbm>>
    tpu.enqueue_dma source(%dma_start3A_759 : memref<50x64xf32, #tpu.memory_space<hbm>>) target(%dma_start3A_755 : memref<50x64xf32, #tpu.memory_space<vmem>>) target_semaphore(%arg8 : memref<!tpu.dma_semaphore, #tpu.memory_space<semaphore_mem>>)
    %slice3A_760 = vector.extract_strided_slice %get3A_7 {offsets = [6], sizes = [1], strides = [1]} : vector<16xi32> to vector<1xi32>
    %squeeze3A_761 = vector.extract %slice3A_760[0] : i32 from vector<1xi32>
    %add3A_762 = arith.constant 22 : i32
    %add3A_763 = arith.addi %mul3A_2, %add3A_762 : i32
    %dma_start3A_764 = arith.constant 6 : i32
    %dma_start3A_765 = arith.constant 0 : i32
    %dma_start3A_766 = arith.constant 0 : i32
    %dma_start3A_767 = tpu.memref_slice %arg6[%dma_start3A_764, %dma_start3A_765, %dma_start3A_766] : memref<8x50x64xf32, #tpu.memory_space<vmem>> -> memref<1x50x64xf32, #tpu.memory_space<vmem>>
    %dma_start3A_768 = tpu.memref_squeeze %dma_start3A_767 : memref<1x50x64xf32, #tpu.memory_space<vmem>> -> memref<50x64xf32, #tpu.memory_space<vmem>>
    %dma_start3A_769 = arith.constant 0 : i32
    %dma_start3A_770 = arith.constant 0 : i32
    %dma_start3A_771 = tpu.memref_slice %arg2[%add3A_763, %dma_start3A_769, %squeeze3A_761, %dma_start3A_770] : memref<1024x50x26x64xf32, #tpu.memory_space<hbm>> -> memref<1x50x1x64xf32, #tpu.memory_space<hbm>>
    %dma_start3A_772 = tpu.memref_squeeze %dma_start3A_771 : memref<1x50x1x64xf32, #tpu.memory_space<hbm>> -> memref<50x64xf32, #tpu.memory_space<hbm>>
    %dma_start3A_773 = arith.constant 0 : i32
    %dma_start3A_774 = arith.constant 0 : i32
    %dma_start3A_775 = tpu.memref_slice %arg6[%dma_start3A_764, %dma_start3A_773, %dma_start3A_774] : memref<8x50x64xf32, #tpu.memory_space<vmem>> -> memref<1x50x64xf32, #tpu.memory_space<vmem>>
    %dma_start3A_776 = tpu.memref_squeeze %dma_start3A_775 : memref<1x50x64xf32, #tpu.memory_space<vmem>> -> memref<50x64xf32, #tpu.memory_space<vmem>>
    %dma_start3A_777 = arith.constant 0 : i32
    %dma_start3A_778 = arith.constant 0 : i32
    %dma_start3A_779 = tpu.memref_slice %arg2[%add3A_763, %dma_start3A_777, %squeeze3A_761, %dma_start3A_778] : memref<1024x50x26x64xf32, #tpu.memory_space<hbm>> -> memref<1x50x1x64xf32, #tpu.memory_space<hbm>>
    %dma_start3A_780 = tpu.memref_squeeze %dma_start3A_779 : memref<1x50x1x64xf32, #tpu.memory_space<hbm>> -> memref<50x64xf32, #tpu.memory_space<hbm>>
    tpu.enqueue_dma source(%dma_start3A_780 : memref<50x64xf32, #tpu.memory_space<hbm>>) target(%dma_start3A_776 : memref<50x64xf32, #tpu.memory_space<vmem>>) target_semaphore(%arg8 : memref<!tpu.dma_semaphore, #tpu.memory_space<semaphore_mem>>)
    %slice3A_781 = vector.extract_strided_slice %get3A_7 {offsets = [7], sizes = [1], strides = [1]} : vector<16xi32> to vector<1xi32>
    %squeeze3A_782 = vector.extract %slice3A_781[0] : i32 from vector<1xi32>
    %add3A_783 = arith.constant 23 : i32
    %add3A_784 = arith.addi %mul3A_2, %add3A_783 : i32
    %dma_start3A_785 = arith.constant 7 : i32
    %dma_start3A_786 = arith.constant 0 : i32
    %dma_start3A_787 = arith.constant 0 : i32
    %dma_start3A_788 = tpu.memref_slice %arg6[%dma_start3A_785, %dma_start3A_786, %dma_start3A_787] : memref<8x50x64xf32, #tpu.memory_space<vmem>> -> memref<1x50x64xf32, #tpu.memory_space<vmem>>
    %dma_start3A_789 = tpu.memref_squeeze %dma_start3A_788 : memref<1x50x64xf32, #tpu.memory_space<vmem>> -> memref<50x64xf32, #tpu.memory_space<vmem>>
    %dma_start3A_790 = arith.constant 0 : i32
    %dma_start3A_791 = arith.constant 0 : i32
    %dma_start3A_792 = tpu.memref_slice %arg2[%add3A_784, %dma_start3A_790, %squeeze3A_782, %dma_start3A_791] : memref<1024x50x26x64xf32, #tpu.memory_space<hbm>> -> memref<1x50x1x64xf32, #tpu.memory_space<hbm>>
    %dma_start3A_793 = tpu.memref_squeeze %dma_start3A_792 : memref<1x50x1x64xf32, #tpu.memory_space<hbm>> -> memref<50x64xf32, #tpu.memory_space<hbm>>
    %dma_start3A_794 = arith.constant 0 : i32
    %dma_start3A_795 = arith.constant 0 : i32
    %dma_start3A_796 = tpu.memref_slice %arg6[%dma_start3A_785, %dma_start3A_794, %dma_start3A_795] : memref<8x50x64xf32, #tpu.memory_space<vmem>> -> memref<1x50x64xf32, #tpu.memory_space<vmem>>
    %dma_start3A_797 = tpu.memref_squeeze %dma_start3A_796 : memref<1x50x64xf32, #tpu.memory_space<vmem>> -> memref<50x64xf32, #tpu.memory_space<vmem>>
    %dma_start3A_798 = arith.constant 0 : i32
    %dma_start3A_799 = arith.constant 0 : i32
    %dma_start3A_800 = tpu.memref_slice %arg2[%add3A_784, %dma_start3A_798, %squeeze3A_782, %dma_start3A_799] : memref<1024x50x26x64xf32, #tpu.memory_space<hbm>> -> memref<1x50x1x64xf32, #tpu.memory_space<hbm>>
    %dma_start3A_801 = tpu.memref_squeeze %dma_start3A_800 : memref<1x50x1x64xf32, #tpu.memory_space<hbm>> -> memref<50x64xf32, #tpu.memory_space<hbm>>
    tpu.enqueue_dma source(%dma_start3A_801 : memref<50x64xf32, #tpu.memory_space<hbm>>) target(%dma_start3A_797 : memref<50x64xf32, #tpu.memory_space<vmem>>) target_semaphore(%arg8 : memref<!tpu.dma_semaphore, #tpu.memory_space<semaphore_mem>>)
    %dma_wait3A_802 = arith.constant 0 : i32
    %dma_wait3A_803 = arith.constant 0 : i32
    %dma_wait3A_804 = arith.constant 0 : i32
    %dma_wait3A_805 = tpu.memref_slice %arg6[%dma_wait3A_802, %dma_wait3A_803, %dma_wait3A_804] : memref<8x50x64xf32, #tpu.memory_space<vmem>> -> memref<1x50x64xf32, #tpu.memory_space<vmem>>
    %dma_wait3A_806 = tpu.memref_squeeze %dma_wait3A_805 : memref<1x50x64xf32, #tpu.memory_space<vmem>> -> memref<50x64xf32, #tpu.memory_space<vmem>>
    %dma_wait3A_807 = arith.constant 0 : i32
    %dma_wait3A_808 = arith.constant 0 : i32
    %dma_wait3A_809 = tpu.memref_slice %arg2[%add3A_637, %dma_wait3A_807, %squeeze3A_635, %dma_wait3A_808] : memref<1024x50x26x64xf32, #tpu.memory_space<hbm>> -> memref<1x50x1x64xf32, #tpu.memory_space<hbm>>
    %dma_wait3A_810 = tpu.memref_squeeze %dma_wait3A_809 : memref<1x50x1x64xf32, #tpu.memory_space<hbm>> -> memref<50x64xf32, #tpu.memory_space<hbm>>
    %dma_wait3A_811 = arith.constant 0 : i32
    %dma_wait3A_812 = arith.constant 0 : i32
    %dma_wait3A_813 = tpu.memref_slice %arg6[%dma_wait3A_802, %dma_wait3A_811, %dma_wait3A_812] : memref<8x50x64xf32, #tpu.memory_space<vmem>> -> memref<1x50x64xf32, #tpu.memory_space<vmem>>
    %dma_wait3A_814 = tpu.memref_squeeze %dma_wait3A_813 : memref<1x50x64xf32, #tpu.memory_space<vmem>> -> memref<50x64xf32, #tpu.memory_space<vmem>>
    %dma_wait3A_815 = arith.constant 0 : i32
    %dma_wait3A_816 = arith.constant 0 : i32
    %dma_wait3A_817 = tpu.memref_slice %arg2[%add3A_637, %dma_wait3A_815, %squeeze3A_635, %dma_wait3A_816] : memref<1024x50x26x64xf32, #tpu.memory_space<hbm>> -> memref<1x50x1x64xf32, #tpu.memory_space<hbm>>
    %dma_wait3A_818 = tpu.memref_squeeze %dma_wait3A_817 : memref<1x50x1x64xf32, #tpu.memory_space<hbm>> -> memref<50x64xf32, #tpu.memory_space<hbm>>
    tpu.wait_dma2 semaphore(%arg8 : memref<!tpu.dma_semaphore, #tpu.memory_space<semaphore_mem>>) src(%dma_wait3A_818 : memref<50x64xf32, #tpu.memory_space<hbm>>) dst(%dma_wait3A_814 : memref<50x64xf32, #tpu.memory_space<vmem>>)
    %dma_wait3A_819 = arith.constant 1 : i32
    %dma_wait3A_820 = arith.constant 0 : i32
    %dma_wait3A_821 = arith.constant 0 : i32
    %dma_wait3A_822 = tpu.memref_slice %arg6[%dma_wait3A_819, %dma_wait3A_820, %dma_wait3A_821] : memref<8x50x64xf32, #tpu.memory_space<vmem>> -> memref<1x50x64xf32, #tpu.memory_space<vmem>>
    %dma_wait3A_823 = tpu.memref_squeeze %dma_wait3A_822 : memref<1x50x64xf32, #tpu.memory_space<vmem>> -> memref<50x64xf32, #tpu.memory_space<vmem>>
    %dma_wait3A_824 = arith.constant 0 : i32
    %dma_wait3A_825 = arith.constant 0 : i32
    %dma_wait3A_826 = tpu.memref_slice %arg2[%add3A_658, %dma_wait3A_824, %squeeze3A_656, %dma_wait3A_825] : memref<1024x50x26x64xf32, #tpu.memory_space<hbm>> -> memref<1x50x1x64xf32, #tpu.memory_space<hbm>>
    %dma_wait3A_827 = tpu.memref_squeeze %dma_wait3A_826 : memref<1x50x1x64xf32, #tpu.memory_space<hbm>> -> memref<50x64xf32, #tpu.memory_space<hbm>>
    %dma_wait3A_828 = arith.constant 0 : i32
    %dma_wait3A_829 = arith.constant 0 : i32
    %dma_wait3A_830 = tpu.memref_slice %arg6[%dma_wait3A_819, %dma_wait3A_828, %dma_wait3A_829] : memref<8x50x64xf32, #tpu.memory_space<vmem>> -> memref<1x50x64xf32, #tpu.memory_space<vmem>>
    %dma_wait3A_831 = tpu.memref_squeeze %dma_wait3A_830 : memref<1x50x64xf32, #tpu.memory_space<vmem>> -> memref<50x64xf32, #tpu.memory_space<vmem>>
    %dma_wait3A_832 = arith.constant 0 : i32
    %dma_wait3A_833 = arith.constant 0 : i32
    %dma_wait3A_834 = tpu.memref_slice %arg2[%add3A_658, %dma_wait3A_832, %squeeze3A_656, %dma_wait3A_833] : memref<1024x50x26x64xf32, #tpu.memory_space<hbm>> -> memref<1x50x1x64xf32, #tpu.memory_space<hbm>>
    %dma_wait3A_835 = tpu.memref_squeeze %dma_wait3A_834 : memref<1x50x1x64xf32, #tpu.memory_space<hbm>> -> memref<50x64xf32, #tpu.memory_space<hbm>>
    tpu.wait_dma2 semaphore(%arg8 : memref<!tpu.dma_semaphore, #tpu.memory_space<semaphore_mem>>) src(%dma_wait3A_835 : memref<50x64xf32, #tpu.memory_space<hbm>>) dst(%dma_wait3A_831 : memref<50x64xf32, #tpu.memory_space<vmem>>)
    %dma_wait3A_836 = arith.constant 2 : i32
    %dma_wait3A_837 = arith.constant 0 : i32
    %dma_wait3A_838 = arith.constant 0 : i32
    %dma_wait3A_839 = tpu.memref_slice %arg6[%dma_wait3A_836, %dma_wait3A_837, %dma_wait3A_838] : memref<8x50x64xf32, #tpu.memory_space<vmem>> -> memref<1x50x64xf32, #tpu.memory_space<vmem>>
    %dma_wait3A_840 = tpu.memref_squeeze %dma_wait3A_839 : memref<1x50x64xf32, #tpu.memory_space<vmem>> -> memref<50x64xf32, #tpu.memory_space<vmem>>
    %dma_wait3A_841 = arith.constant 0 : i32
    %dma_wait3A_842 = arith.constant 0 : i32
    %dma_wait3A_843 = tpu.memref_slice %arg2[%add3A_679, %dma_wait3A_841, %squeeze3A_677, %dma_wait3A_842] : memref<1024x50x26x64xf32, #tpu.memory_space<hbm>> -> memref<1x50x1x64xf32, #tpu.memory_space<hbm>>
    %dma_wait3A_844 = tpu.memref_squeeze %dma_wait3A_843 : memref<1x50x1x64xf32, #tpu.memory_space<hbm>> -> memref<50x64xf32, #tpu.memory_space<hbm>>
    %dma_wait3A_845 = arith.constant 0 : i32
    %dma_wait3A_846 = arith.constant 0 : i32
    %dma_wait3A_847 = tpu.memref_slice %arg6[%dma_wait3A_836, %dma_wait3A_845, %dma_wait3A_846] : memref<8x50x64xf32, #tpu.memory_space<vmem>> -> memref<1x50x64xf32, #tpu.memory_space<vmem>>
    %dma_wait3A_848 = tpu.memref_squeeze %dma_wait3A_847 : memref<1x50x64xf32, #tpu.memory_space<vmem>> -> memref<50x64xf32, #tpu.memory_space<vmem>>
    %dma_wait3A_849 = arith.constant 0 : i32
    %dma_wait3A_850 = arith.constant 0 : i32
    %dma_wait3A_851 = tpu.memref_slice %arg2[%add3A_679, %dma_wait3A_849, %squeeze3A_677, %dma_wait3A_850] : memref<1024x50x26x64xf32, #tpu.memory_space<hbm>> -> memref<1x50x1x64xf32, #tpu.memory_space<hbm>>
    %dma_wait3A_852 = tpu.memref_squeeze %dma_wait3A_851 : memref<1x50x1x64xf32, #tpu.memory_space<hbm>> -> memref<50x64xf32, #tpu.memory_space<hbm>>
    tpu.wait_dma2 semaphore(%arg8 : memref<!tpu.dma_semaphore, #tpu.memory_space<semaphore_mem>>) src(%dma_wait3A_852 : memref<50x64xf32, #tpu.memory_space<hbm>>) dst(%dma_wait3A_848 : memref<50x64xf32, #tpu.memory_space<vmem>>)
    %dma_wait3A_853 = arith.constant 3 : i32
    %dma_wait3A_854 = arith.constant 0 : i32
    %dma_wait3A_855 = arith.constant 0 : i32
    %dma_wait3A_856 = tpu.memref_slice %arg6[%dma_wait3A_853, %dma_wait3A_854, %dma_wait3A_855] : memref<8x50x64xf32, #tpu.memory_space<vmem>> -> memref<1x50x64xf32, #tpu.memory_space<vmem>>
    %dma_wait3A_857 = tpu.memref_squeeze %dma_wait3A_856 : memref<1x50x64xf32, #tpu.memory_space<vmem>> -> memref<50x64xf32, #tpu.memory_space<vmem>>
    %dma_wait3A_858 = arith.constant 0 : i32
    %dma_wait3A_859 = arith.constant 0 : i32
    %dma_wait3A_860 = tpu.memref_slice %arg2[%add3A_700, %dma_wait3A_858, %squeeze3A_698, %dma_wait3A_859] : memref<1024x50x26x64xf32, #tpu.memory_space<hbm>> -> memref<1x50x1x64xf32, #tpu.memory_space<hbm>>
    %dma_wait3A_861 = tpu.memref_squeeze %dma_wait3A_860 : memref<1x50x1x64xf32, #tpu.memory_space<hbm>> -> memref<50x64xf32, #tpu.memory_space<hbm>>
    %dma_wait3A_862 = arith.constant 0 : i32
    %dma_wait3A_863 = arith.constant 0 : i32
    %dma_wait3A_864 = tpu.memref_slice %arg6[%dma_wait3A_853, %dma_wait3A_862, %dma_wait3A_863] : memref<8x50x64xf32, #tpu.memory_space<vmem>> -> memref<1x50x64xf32, #tpu.memory_space<vmem>>
    %dma_wait3A_865 = tpu.memref_squeeze %dma_wait3A_864 : memref<1x50x64xf32, #tpu.memory_space<vmem>> -> memref<50x64xf32, #tpu.memory_space<vmem>>
    %dma_wait3A_866 = arith.constant 0 : i32
    %dma_wait3A_867 = arith.constant 0 : i32
    %dma_wait3A_868 = tpu.memref_slice %arg2[%add3A_700, %dma_wait3A_866, %squeeze3A_698, %dma_wait3A_867] : memref<1024x50x26x64xf32, #tpu.memory_space<hbm>> -> memref<1x50x1x64xf32, #tpu.memory_space<hbm>>
    %dma_wait3A_869 = tpu.memref_squeeze %dma_wait3A_868 : memref<1x50x1x64xf32, #tpu.memory_space<hbm>> -> memref<50x64xf32, #tpu.memory_space<hbm>>
    tpu.wait_dma2 semaphore(%arg8 : memref<!tpu.dma_semaphore, #tpu.memory_space<semaphore_mem>>) src(%dma_wait3A_869 : memref<50x64xf32, #tpu.memory_space<hbm>>) dst(%dma_wait3A_865 : memref<50x64xf32, #tpu.memory_space<vmem>>)
    %dma_wait3A_870 = arith.constant 4 : i32
    %dma_wait3A_871 = arith.constant 0 : i32
    %dma_wait3A_872 = arith.constant 0 : i32
    %dma_wait3A_873 = tpu.memref_slice %arg6[%dma_wait3A_870, %dma_wait3A_871, %dma_wait3A_872] : memref<8x50x64xf32, #tpu.memory_space<vmem>> -> memref<1x50x64xf32, #tpu.memory_space<vmem>>
    %dma_wait3A_874 = tpu.memref_squeeze %dma_wait3A_873 : memref<1x50x64xf32, #tpu.memory_space<vmem>> -> memref<50x64xf32, #tpu.memory_space<vmem>>
    %dma_wait3A_875 = arith.constant 0 : i32
    %dma_wait3A_876 = arith.constant 0 : i32
    %dma_wait3A_877 = tpu.memref_slice %arg2[%add3A_721, %dma_wait3A_875, %squeeze3A_719, %dma_wait3A_876] : memref<1024x50x26x64xf32, #tpu.memory_space<hbm>> -> memref<1x50x1x64xf32, #tpu.memory_space<hbm>>
    %dma_wait3A_878 = tpu.memref_squeeze %dma_wait3A_877 : memref<1x50x1x64xf32, #tpu.memory_space<hbm>> -> memref<50x64xf32, #tpu.memory_space<hbm>>
    %dma_wait3A_879 = arith.constant 0 : i32
    %dma_wait3A_880 = arith.constant 0 : i32
    %dma_wait3A_881 = tpu.memref_slice %arg6[%dma_wait3A_870, %dma_wait3A_879, %dma_wait3A_880] : memref<8x50x64xf32, #tpu.memory_space<vmem>> -> memref<1x50x64xf32, #tpu.memory_space<vmem>>
    %dma_wait3A_882 = tpu.memref_squeeze %dma_wait3A_881 : memref<1x50x64xf32, #tpu.memory_space<vmem>> -> memref<50x64xf32, #tpu.memory_space<vmem>>
    %dma_wait3A_883 = arith.constant 0 : i32
    %dma_wait3A_884 = arith.constant 0 : i32
    %dma_wait3A_885 = tpu.memref_slice %arg2[%add3A_721, %dma_wait3A_883, %squeeze3A_719, %dma_wait3A_884] : memref<1024x50x26x64xf32, #tpu.memory_space<hbm>> -> memref<1x50x1x64xf32, #tpu.memory_space<hbm>>
    %dma_wait3A_886 = tpu.memref_squeeze %dma_wait3A_885 : memref<1x50x1x64xf32, #tpu.memory_space<hbm>> -> memref<50x64xf32, #tpu.memory_space<hbm>>
    tpu.wait_dma2 semaphore(%arg8 : memref<!tpu.dma_semaphore, #tpu.memory_space<semaphore_mem>>) src(%dma_wait3A_886 : memref<50x64xf32, #tpu.memory_space<hbm>>) dst(%dma_wait3A_882 : memref<50x64xf32, #tpu.memory_space<vmem>>)
    %dma_wait3A_887 = arith.constant 5 : i32
    %dma_wait3A_888 = arith.constant 0 : i32
    %dma_wait3A_889 = arith.constant 0 : i32
    %dma_wait3A_890 = tpu.memref_slice %arg6[%dma_wait3A_887, %dma_wait3A_888, %dma_wait3A_889] : memref<8x50x64xf32, #tpu.memory_space<vmem>> -> memref<1x50x64xf32, #tpu.memory_space<vmem>>
    %dma_wait3A_891 = tpu.memref_squeeze %dma_wait3A_890 : memref<1x50x64xf32, #tpu.memory_space<vmem>> -> memref<50x64xf32, #tpu.memory_space<vmem>>
    %dma_wait3A_892 = arith.constant 0 : i32
    %dma_wait3A_893 = arith.constant 0 : i32
    %dma_wait3A_894 = tpu.memref_slice %arg2[%add3A_742, %dma_wait3A_892, %squeeze3A_740, %dma_wait3A_893] : memref<1024x50x26x64xf32, #tpu.memory_space<hbm>> -> memref<1x50x1x64xf32, #tpu.memory_space<hbm>>
    %dma_wait3A_895 = tpu.memref_squeeze %dma_wait3A_894 : memref<1x50x1x64xf32, #tpu.memory_space<hbm>> -> memref<50x64xf32, #tpu.memory_space<hbm>>
    %dma_wait3A_896 = arith.constant 0 : i32
    %dma_wait3A_897 = arith.constant 0 : i32
    %dma_wait3A_898 = tpu.memref_slice %arg6[%dma_wait3A_887, %dma_wait3A_896, %dma_wait3A_897] : memref<8x50x64xf32, #tpu.memory_space<vmem>> -> memref<1x50x64xf32, #tpu.memory_space<vmem>>
    %dma_wait3A_899 = tpu.memref_squeeze %dma_wait3A_898 : memref<1x50x64xf32, #tpu.memory_space<vmem>> -> memref<50x64xf32, #tpu.memory_space<vmem>>
    %dma_wait3A_900 = arith.constant 0 : i32
    %dma_wait3A_901 = arith.constant 0 : i32
    %dma_wait3A_902 = tpu.memref_slice %arg2[%add3A_742, %dma_wait3A_900, %squeeze3A_740, %dma_wait3A_901] : memref<1024x50x26x64xf32, #tpu.memory_space<hbm>> -> memref<1x50x1x64xf32, #tpu.memory_space<hbm>>
    %dma_wait3A_903 = tpu.memref_squeeze %dma_wait3A_902 : memref<1x50x1x64xf32, #tpu.memory_space<hbm>> -> memref<50x64xf32, #tpu.memory_space<hbm>>
    tpu.wait_dma2 semaphore(%arg8 : memref<!tpu.dma_semaphore, #tpu.memory_space<semaphore_mem>>) src(%dma_wait3A_903 : memref<50x64xf32, #tpu.memory_space<hbm>>) dst(%dma_wait3A_899 : memref<50x64xf32, #tpu.memory_space<vmem>>)
    %dma_wait3A_904 = arith.constant 6 : i32
    %dma_wait3A_905 = arith.constant 0 : i32
    %dma_wait3A_906 = arith.constant 0 : i32
    %dma_wait3A_907 = tpu.memref_slice %arg6[%dma_wait3A_904, %dma_wait3A_905, %dma_wait3A_906] : memref<8x50x64xf32, #tpu.memory_space<vmem>> -> memref<1x50x64xf32, #tpu.memory_space<vmem>>
    %dma_wait3A_908 = tpu.memref_squeeze %dma_wait3A_907 : memref<1x50x64xf32, #tpu.memory_space<vmem>> -> memref<50x64xf32, #tpu.memory_space<vmem>>
    %dma_wait3A_909 = arith.constant 0 : i32
    %dma_wait3A_910 = arith.constant 0 : i32
    %dma_wait3A_911 = tpu.memref_slice %arg2[%add3A_763, %dma_wait3A_909, %squeeze3A_761, %dma_wait3A_910] : memref<1024x50x26x64xf32, #tpu.memory_space<hbm>> -> memref<1x50x1x64xf32, #tpu.memory_space<hbm>>
    %dma_wait3A_912 = tpu.memref_squeeze %dma_wait3A_911 : memref<1x50x1x64xf32, #tpu.memory_space<hbm>> -> memref<50x64xf32, #tpu.memory_space<hbm>>
    %dma_wait3A_913 = arith.constant 0 : i32
    %dma_wait3A_914 = arith.constant 0 : i32
    %dma_wait3A_915 = tpu.memref_slice %arg6[%dma_wait3A_904, %dma_wait3A_913, %dma_wait3A_914] : memref<8x50x64xf32, #tpu.memory_space<vmem>> -> memref<1x50x64xf32, #tpu.memory_space<vmem>>
    %dma_wait3A_916 = tpu.memref_squeeze %dma_wait3A_915 : memref<1x50x64xf32, #tpu.memory_space<vmem>> -> memref<50x64xf32, #tpu.memory_space<vmem>>
    %dma_wait3A_917 = arith.constant 0 : i32
    %dma_wait3A_918 = arith.constant 0 : i32
    %dma_wait3A_919 = tpu.memref_slice %arg2[%add3A_763, %dma_wait3A_917, %squeeze3A_761, %dma_wait3A_918] : memref<1024x50x26x64xf32, #tpu.memory_space<hbm>> -> memref<1x50x1x64xf32, #tpu.memory_space<hbm>>
    %dma_wait3A_920 = tpu.memref_squeeze %dma_wait3A_919 : memref<1x50x1x64xf32, #tpu.memory_space<hbm>> -> memref<50x64xf32, #tpu.memory_space<hbm>>
    tpu.wait_dma2 semaphore(%arg8 : memref<!tpu.dma_semaphore, #tpu.memory_space<semaphore_mem>>) src(%dma_wait3A_920 : memref<50x64xf32, #tpu.memory_space<hbm>>) dst(%dma_wait3A_916 : memref<50x64xf32, #tpu.memory_space<vmem>>)
    %dma_wait3A_921 = arith.constant 7 : i32
    %dma_wait3A_922 = arith.constant 0 : i32
    %dma_wait3A_923 = arith.constant 0 : i32
    %dma_wait3A_924 = tpu.memref_slice %arg6[%dma_wait3A_921, %dma_wait3A_922, %dma_wait3A_923] : memref<8x50x64xf32, #tpu.memory_space<vmem>> -> memref<1x50x64xf32, #tpu.memory_space<vmem>>
    %dma_wait3A_925 = tpu.memref_squeeze %dma_wait3A_924 : memref<1x50x64xf32, #tpu.memory_space<vmem>> -> memref<50x64xf32, #tpu.memory_space<vmem>>
    %dma_wait3A_926 = arith.constant 0 : i32
    %dma_wait3A_927 = arith.constant 0 : i32
    %dma_wait3A_928 = tpu.memref_slice %arg2[%add3A_784, %dma_wait3A_926, %squeeze3A_782, %dma_wait3A_927] : memref<1024x50x26x64xf32, #tpu.memory_space<hbm>> -> memref<1x50x1x64xf32, #tpu.memory_space<hbm>>
    %dma_wait3A_929 = tpu.memref_squeeze %dma_wait3A_928 : memref<1x50x1x64xf32, #tpu.memory_space<hbm>> -> memref<50x64xf32, #tpu.memory_space<hbm>>
    %dma_wait3A_930 = arith.constant 0 : i32
    %dma_wait3A_931 = arith.constant 0 : i32
    %dma_wait3A_932 = tpu.memref_slice %arg6[%dma_wait3A_921, %dma_wait3A_930, %dma_wait3A_931] : memref<8x50x64xf32, #tpu.memory_space<vmem>> -> memref<1x50x64xf32, #tpu.memory_space<vmem>>
    %dma_wait3A_933 = tpu.memref_squeeze %dma_wait3A_932 : memref<1x50x64xf32, #tpu.memory_space<vmem>> -> memref<50x64xf32, #tpu.memory_space<vmem>>
    %dma_wait3A_934 = arith.constant 0 : i32
    %dma_wait3A_935 = arith.constant 0 : i32
    %dma_wait3A_936 = tpu.memref_slice %arg2[%add3A_784, %dma_wait3A_934, %squeeze3A_782, %dma_wait3A_935] : memref<1024x50x26x64xf32, #tpu.memory_space<hbm>> -> memref<1x50x1x64xf32, #tpu.memory_space<hbm>>
    %dma_wait3A_937 = tpu.memref_squeeze %dma_wait3A_936 : memref<1x50x1x64xf32, #tpu.memory_space<hbm>> -> memref<50x64xf32, #tpu.memory_space<hbm>>
    tpu.wait_dma2 semaphore(%arg8 : memref<!tpu.dma_semaphore, #tpu.memory_space<semaphore_mem>>) src(%dma_wait3A_937 : memref<50x64xf32, #tpu.memory_space<hbm>>) dst(%dma_wait3A_933 : memref<50x64xf32, #tpu.memory_space<vmem>>)
    %add3A_938 = arith.constant 16 : i32
    %add3A_939 = arith.addi %mul3A_2, %add3A_938 : i32
    %dma_start3A_940 = arith.constant 0 : i32
    %dma_start3A_941 = arith.constant 0 : i32
    %dma_start3A_942 = tpu.memref_slice %arg4[%add3A_939, %dma_start3A_940, %dma_start3A_941] : memref<1024x50x64xf32, #tpu.memory_space<hbm>> -> memref<8x50x64xf32, #tpu.memory_space<hbm>>
    %dma_start3A_943 = arith.constant 0 : i32
    %dma_start3A_944 = arith.constant 0 : i32
    %dma_start3A_945 = tpu.memref_slice %arg4[%add3A_939, %dma_start3A_943, %dma_start3A_944] : memref<1024x50x64xf32, #tpu.memory_space<hbm>> -> memref<8x50x64xf32, #tpu.memory_space<hbm>>
    tpu.enqueue_dma source(%arg6 : memref<8x50x64xf32, #tpu.memory_space<vmem>>) target(%dma_start3A_945 : memref<8x50x64xf32, #tpu.memory_space<hbm>>) target_semaphore(%arg9 : memref<!tpu.dma_semaphore, #tpu.memory_space<semaphore_mem>>)
    %dma_wait3A_946 = arith.constant 0 : i32
    %dma_wait3A_947 = arith.constant 0 : i32
    %dma_wait3A_948 = tpu.memref_slice %arg4[%add3A_621, %dma_wait3A_946, %dma_wait3A_947] : memref<1024x50x64xf32, #tpu.memory_space<hbm>> -> memref<8x50x64xf32, #tpu.memory_space<hbm>>
    %dma_wait3A_949 = arith.constant 0 : i32
    %dma_wait3A_950 = arith.constant 0 : i32
    %dma_wait3A_951 = tpu.memref_slice %arg4[%add3A_621, %dma_wait3A_949, %dma_wait3A_950] : memref<1024x50x64xf32, #tpu.memory_space<hbm>> -> memref<8x50x64xf32, #tpu.memory_space<hbm>>
    tpu.wait_dma2 semaphore(%arg9 : memref<!tpu.dma_semaphore, #tpu.memory_space<semaphore_mem>>) src(%arg7 : memref<8x50x64xf32, #tpu.memory_space<vmem>>) dst(%dma_wait3A_951 : memref<8x50x64xf32, #tpu.memory_space<hbm>>)
    %slice3A_952 = vector.extract_strided_slice %get3A_7 {offsets = [8], sizes = [1], strides = [1]} : vector<16xi32> to vector<1xi32>
    %squeeze3A_953 = vector.extract %slice3A_952[0] : i32 from vector<1xi32>
    %add3A_954 = arith.constant 24 : i32
    %add3A_955 = arith.addi %mul3A_2, %add3A_954 : i32
    %dma_start3A_956 = arith.constant 0 : i32
    %dma_start3A_957 = arith.constant 0 : i32
    %dma_start3A_958 = arith.constant 0 : i32
    %dma_start3A_959 = tpu.memref_slice %arg7[%dma_start3A_956, %dma_start3A_957, %dma_start3A_958] : memref<8x50x64xf32, #tpu.memory_space<vmem>> -> memref<1x50x64xf32, #tpu.memory_space<vmem>>
    %dma_start3A_960 = tpu.memref_squeeze %dma_start3A_959 : memref<1x50x64xf32, #tpu.memory_space<vmem>> -> memref<50x64xf32, #tpu.memory_space<vmem>>
    %dma_start3A_961 = arith.constant 0 : i32
    %dma_start3A_962 = arith.constant 0 : i32
    %dma_start3A_963 = tpu.memref_slice %arg2[%add3A_955, %dma_start3A_961, %squeeze3A_953, %dma_start3A_962] : memref<1024x50x26x64xf32, #tpu.memory_space<hbm>> -> memref<1x50x1x64xf32, #tpu.memory_space<hbm>>
    %dma_start3A_964 = tpu.memref_squeeze %dma_start3A_963 : memref<1x50x1x64xf32, #tpu.memory_space<hbm>> -> memref<50x64xf32, #tpu.memory_space<hbm>>
    %dma_start3A_965 = arith.constant 0 : i32
    %dma_start3A_966 = arith.constant 0 : i32
    %dma_start3A_967 = tpu.memref_slice %arg7[%dma_start3A_956, %dma_start3A_965, %dma_start3A_966] : memref<8x50x64xf32, #tpu.memory_space<vmem>> -> memref<1x50x64xf32, #tpu.memory_space<vmem>>
    %dma_start3A_968 = tpu.memref_squeeze %dma_start3A_967 : memref<1x50x64xf32, #tpu.memory_space<vmem>> -> memref<50x64xf32, #tpu.memory_space<vmem>>
    %dma_start3A_969 = arith.constant 0 : i32
    %dma_start3A_970 = arith.constant 0 : i32
    %dma_start3A_971 = tpu.memref_slice %arg2[%add3A_955, %dma_start3A_969, %squeeze3A_953, %dma_start3A_970] : memref<1024x50x26x64xf32, #tpu.memory_space<hbm>> -> memref<1x50x1x64xf32, #tpu.memory_space<hbm>>
    %dma_start3A_972 = tpu.memref_squeeze %dma_start3A_971 : memref<1x50x1x64xf32, #tpu.memory_space<hbm>> -> memref<50x64xf32, #tpu.memory_space<hbm>>
    tpu.enqueue_dma source(%dma_start3A_972 : memref<50x64xf32, #tpu.memory_space<hbm>>) target(%dma_start3A_968 : memref<50x64xf32, #tpu.memory_space<vmem>>) target_semaphore(%arg8 : memref<!tpu.dma_semaphore, #tpu.memory_space<semaphore_mem>>)
    %slice3A_973 = vector.extract_strided_slice %get3A_7 {offsets = [9], sizes = [1], strides = [1]} : vector<16xi32> to vector<1xi32>
    %squeeze3A_974 = vector.extract %slice3A_973[0] : i32 from vector<1xi32>
    %add3A_975 = arith.constant 25 : i32
    %add3A_976 = arith.addi %mul3A_2, %add3A_975 : i32
    %dma_start3A_977 = arith.constant 1 : i32
    %dma_start3A_978 = arith.constant 0 : i32
    %dma_start3A_979 = arith.constant 0 : i32
    %dma_start3A_980 = tpu.memref_slice %arg7[%dma_start3A_977, %dma_start3A_978, %dma_start3A_979] : memref<8x50x64xf32, #tpu.memory_space<vmem>> -> memref<1x50x64xf32, #tpu.memory_space<vmem>>
    %dma_start3A_981 = tpu.memref_squeeze %dma_start3A_980 : memref<1x50x64xf32, #tpu.memory_space<vmem>> -> memref<50x64xf32, #tpu.memory_space<vmem>>
    %dma_start3A_982 = arith.constant 0 : i32
    %dma_start3A_983 = arith.constant 0 : i32
    %dma_start3A_984 = tpu.memref_slice %arg2[%add3A_976, %dma_start3A_982, %squeeze3A_974, %dma_start3A_983] : memref<1024x50x26x64xf32, #tpu.memory_space<hbm>> -> memref<1x50x1x64xf32, #tpu.memory_space<hbm>>
    %dma_start3A_985 = tpu.memref_squeeze %dma_start3A_984 : memref<1x50x1x64xf32, #tpu.memory_space<hbm>> -> memref<50x64xf32, #tpu.memory_space<hbm>>
    %dma_start3A_986 = arith.constant 0 : i32
    %dma_start3A_987 = arith.constant 0 : i32
    %dma_start3A_988 = tpu.memref_slice %arg7[%dma_start3A_977, %dma_start3A_986, %dma_start3A_987] : memref<8x50x64xf32, #tpu.memory_space<vmem>> -> memref<1x50x64xf32, #tpu.memory_space<vmem>>
    %dma_start3A_989 = tpu.memref_squeeze %dma_start3A_988 : memref<1x50x64xf32, #tpu.memory_space<vmem>> -> memref<50x64xf32, #tpu.memory_space<vmem>>
    %dma_start3A_990 = arith.constant 0 : i32
    %dma_start3A_991 = arith.constant 0 : i32
    %dma_start3A_992 = tpu.memref_slice %arg2[%add3A_976, %dma_start3A_990, %squeeze3A_974, %dma_start3A_991] : memref<1024x50x26x64xf32, #tpu.memory_space<hbm>> -> memref<1x50x1x64xf32, #tpu.memory_space<hbm>>
    %dma_start3A_993 = tpu.memref_squeeze %dma_start3A_992 : memref<1x50x1x64xf32, #tpu.memory_space<hbm>> -> memref<50x64xf32, #tpu.memory_space<hbm>>
    tpu.enqueue_dma source(%dma_start3A_993 : memref<50x64xf32, #tpu.memory_space<hbm>>) target(%dma_start3A_989 : memref<50x64xf32, #tpu.memory_space<vmem>>) target_semaphore(%arg8 : memref<!tpu.dma_semaphore, #tpu.memory_space<semaphore_mem>>)
    %slice3A_994 = vector.extract_strided_slice %get3A_7 {offsets = [10], sizes = [1], strides = [1]} : vector<16xi32> to vector<1xi32>
    %squeeze3A_995 = vector.extract %slice3A_994[0] : i32 from vector<1xi32>
    %add3A_996 = arith.constant 26 : i32
    %add3A_997 = arith.addi %mul3A_2, %add3A_996 : i32
    %dma_start3A_998 = arith.constant 2 : i32
    %dma_start3A_999 = arith.constant 0 : i32
    %dma_start3A_1000 = arith.constant 0 : i32
    %dma_start3A_1001 = tpu.memref_slice %arg7[%dma_start3A_998, %dma_start3A_999, %dma_start3A_1000] : memref<8x50x64xf32, #tpu.memory_space<vmem>> -> memref<1x50x64xf32, #tpu.memory_space<vmem>>
    %dma_start3A_1002 = tpu.memref_squeeze %dma_start3A_1001 : memref<1x50x64xf32, #tpu.memory_space<vmem>> -> memref<50x64xf32, #tpu.memory_space<vmem>>
    %dma_start3A_1003 = arith.constant 0 : i32
    %dma_start3A_1004 = arith.constant 0 : i32
    %dma_start3A_1005 = tpu.memref_slice %arg2[%add3A_997, %dma_start3A_1003, %squeeze3A_995, %dma_start3A_1004] : memref<1024x50x26x64xf32, #tpu.memory_space<hbm>> -> memref<1x50x1x64xf32, #tpu.memory_space<hbm>>
    %dma_start3A_1006 = tpu.memref_squeeze %dma_start3A_1005 : memref<1x50x1x64xf32, #tpu.memory_space<hbm>> -> memref<50x64xf32, #tpu.memory_space<hbm>>
    %dma_start3A_1007 = arith.constant 0 : i32
    %dma_start3A_1008 = arith.constant 0 : i32
    %dma_start3A_1009 = tpu.memref_slice %arg7[%dma_start3A_998, %dma_start3A_1007, %dma_start3A_1008] : memref<8x50x64xf32, #tpu.memory_space<vmem>> -> memref<1x50x64xf32, #tpu.memory_space<vmem>>
    %dma_start3A_1010 = tpu.memref_squeeze %dma_start3A_1009 : memref<1x50x64xf32, #tpu.memory_space<vmem>> -> memref<50x64xf32, #tpu.memory_space<vmem>>
    %dma_start3A_1011 = arith.constant 0 : i32
    %dma_start3A_1012 = arith.constant 0 : i32
    %dma_start3A_1013 = tpu.memref_slice %arg2[%add3A_997, %dma_start3A_1011, %squeeze3A_995, %dma_start3A_1012] : memref<1024x50x26x64xf32, #tpu.memory_space<hbm>> -> memref<1x50x1x64xf32, #tpu.memory_space<hbm>>
    %dma_start3A_1014 = tpu.memref_squeeze %dma_start3A_1013 : memref<1x50x1x64xf32, #tpu.memory_space<hbm>> -> memref<50x64xf32, #tpu.memory_space<hbm>>
    tpu.enqueue_dma source(%dma_start3A_1014 : memref<50x64xf32, #tpu.memory_space<hbm>>) target(%dma_start3A_1010 : memref<50x64xf32, #tpu.memory_space<vmem>>) target_semaphore(%arg8 : memref<!tpu.dma_semaphore, #tpu.memory_space<semaphore_mem>>)
    %slice3A_1015 = vector.extract_strided_slice %get3A_7 {offsets = [11], sizes = [1], strides = [1]} : vector<16xi32> to vector<1xi32>
    %squeeze3A_1016 = vector.extract %slice3A_1015[0] : i32 from vector<1xi32>
    %add3A_1017 = arith.constant 27 : i32
    %add3A_1018 = arith.addi %mul3A_2, %add3A_1017 : i32
    %dma_start3A_1019 = arith.constant 3 : i32
    %dma_start3A_1020 = arith.constant 0 : i32
    %dma_start3A_1021 = arith.constant 0 : i32
    %dma_start3A_1022 = tpu.memref_slice %arg7[%dma_start3A_1019, %dma_start3A_1020, %dma_start3A_1021] : memref<8x50x64xf32, #tpu.memory_space<vmem>> -> memref<1x50x64xf32, #tpu.memory_space<vmem>>
    %dma_start3A_1023 = tpu.memref_squeeze %dma_start3A_1022 : memref<1x50x64xf32, #tpu.memory_space<vmem>> -> memref<50x64xf32, #tpu.memory_space<vmem>>
    %dma_start3A_1024 = arith.constant 0 : i32
    %dma_start3A_1025 = arith.constant 0 : i32
    %dma_start3A_1026 = tpu.memref_slice %arg2[%add3A_1018, %dma_start3A_1024, %squeeze3A_1016, %dma_start3A_1025] : memref<1024x50x26x64xf32, #tpu.memory_space<hbm>> -> memref<1x50x1x64xf32, #tpu.memory_space<hbm>>
    %dma_start3A_1027 = tpu.memref_squeeze %dma_start3A_1026 : memref<1x50x1x64xf32, #tpu.memory_space<hbm>> -> memref<50x64xf32, #tpu.memory_space<hbm>>
    %dma_start3A_1028 = arith.constant 0 : i32
    %dma_start3A_1029 = arith.constant 0 : i32
    %dma_start3A_1030 = tpu.memref_slice %arg7[%dma_start3A_1019, %dma_start3A_1028, %dma_start3A_1029] : memref<8x50x64xf32, #tpu.memory_space<vmem>> -> memref<1x50x64xf32, #tpu.memory_space<vmem>>
    %dma_start3A_1031 = tpu.memref_squeeze %dma_start3A_1030 : memref<1x50x64xf32, #tpu.memory_space<vmem>> -> memref<50x64xf32, #tpu.memory_space<vmem>>
    %dma_start3A_1032 = arith.constant 0 : i32
    %dma_start3A_1033 = arith.constant 0 : i32
    %dma_start3A_1034 = tpu.memref_slice %arg2[%add3A_1018, %dma_start3A_1032, %squeeze3A_1016, %dma_start3A_1033] : memref<1024x50x26x64xf32, #tpu.memory_space<hbm>> -> memref<1x50x1x64xf32, #tpu.memory_space<hbm>>
    %dma_start3A_1035 = tpu.memref_squeeze %dma_start3A_1034 : memref<1x50x1x64xf32, #tpu.memory_space<hbm>> -> memref<50x64xf32, #tpu.memory_space<hbm>>
    tpu.enqueue_dma source(%dma_start3A_1035 : memref<50x64xf32, #tpu.memory_space<hbm>>) target(%dma_start3A_1031 : memref<50x64xf32, #tpu.memory_space<vmem>>) target_semaphore(%arg8 : memref<!tpu.dma_semaphore, #tpu.memory_space<semaphore_mem>>)
    %slice3A_1036 = vector.extract_strided_slice %get3A_7 {offsets = [12], sizes = [1], strides = [1]} : vector<16xi32> to vector<1xi32>
    %squeeze3A_1037 = vector.extract %slice3A_1036[0] : i32 from vector<1xi32>
    %add3A_1038 = arith.constant 28 : i32
    %add3A_1039 = arith.addi %mul3A_2, %add3A_1038 : i32
    %dma_start3A_1040 = arith.constant 4 : i32
    %dma_start3A_1041 = arith.constant 0 : i32
    %dma_start3A_1042 = arith.constant 0 : i32
    %dma_start3A_1043 = tpu.memref_slice %arg7[%dma_start3A_1040, %dma_start3A_1041, %dma_start3A_1042] : memref<8x50x64xf32, #tpu.memory_space<vmem>> -> memref<1x50x64xf32, #tpu.memory_space<vmem>>
    %dma_start3A_1044 = tpu.memref_squeeze %dma_start3A_1043 : memref<1x50x64xf32, #tpu.memory_space<vmem>> -> memref<50x64xf32, #tpu.memory_space<vmem>>
    %dma_start3A_1045 = arith.constant 0 : i32
    %dma_start3A_1046 = arith.constant 0 : i32
    %dma_start3A_1047 = tpu.memref_slice %arg2[%add3A_1039, %dma_start3A_1045, %squeeze3A_1037, %dma_start3A_1046] : memref<1024x50x26x64xf32, #tpu.memory_space<hbm>> -> memref<1x50x1x64xf32, #tpu.memory_space<hbm>>
    %dma_start3A_1048 = tpu.memref_squeeze %dma_start3A_1047 : memref<1x50x1x64xf32, #tpu.memory_space<hbm>> -> memref<50x64xf32, #tpu.memory_space<hbm>>
    %dma_start3A_1049 = arith.constant 0 : i32
    %dma_start3A_1050 = arith.constant 0 : i32
    %dma_start3A_1051 = tpu.memref_slice %arg7[%dma_start3A_1040, %dma_start3A_1049, %dma_start3A_1050] : memref<8x50x64xf32, #tpu.memory_space<vmem>> -> memref<1x50x64xf32, #tpu.memory_space<vmem>>
    %dma_start3A_1052 = tpu.memref_squeeze %dma_start3A_1051 : memref<1x50x64xf32, #tpu.memory_space<vmem>> -> memref<50x64xf32, #tpu.memory_space<vmem>>
    %dma_start3A_1053 = arith.constant 0 : i32
    %dma_start3A_1054 = arith.constant 0 : i32
    %dma_start3A_1055 = tpu.memref_slice %arg2[%add3A_1039, %dma_start3A_1053, %squeeze3A_1037, %dma_start3A_1054] : memref<1024x50x26x64xf32, #tpu.memory_space<hbm>> -> memref<1x50x1x64xf32, #tpu.memory_space<hbm>>
    %dma_start3A_1056 = tpu.memref_squeeze %dma_start3A_1055 : memref<1x50x1x64xf32, #tpu.memory_space<hbm>> -> memref<50x64xf32, #tpu.memory_space<hbm>>
    tpu.enqueue_dma source(%dma_start3A_1056 : memref<50x64xf32, #tpu.memory_space<hbm>>) target(%dma_start3A_1052 : memref<50x64xf32, #tpu.memory_space<vmem>>) target_semaphore(%arg8 : memref<!tpu.dma_semaphore, #tpu.memory_space<semaphore_mem>>)
    %slice3A_1057 = vector.extract_strided_slice %get3A_7 {offsets = [13], sizes = [1], strides = [1]} : vector<16xi32> to vector<1xi32>
    %squeeze3A_1058 = vector.extract %slice3A_1057[0] : i32 from vector<1xi32>
    %add3A_1059 = arith.constant 29 : i32
    %add3A_1060 = arith.addi %mul3A_2, %add3A_1059 : i32
    %dma_start3A_1061 = arith.constant 5 : i32
    %dma_start3A_1062 = arith.constant 0 : i32
    %dma_start3A_1063 = arith.constant 0 : i32
    %dma_start3A_1064 = tpu.memref_slice %arg7[%dma_start3A_1061, %dma_start3A_1062, %dma_start3A_1063] : memref<8x50x64xf32, #tpu.memory_space<vmem>> -> memref<1x50x64xf32, #tpu.memory_space<vmem>>
    %dma_start3A_1065 = tpu.memref_squeeze %dma_start3A_1064 : memref<1x50x64xf32, #tpu.memory_space<vmem>> -> memref<50x64xf32, #tpu.memory_space<vmem>>
    %dma_start3A_1066 = arith.constant 0 : i32
    %dma_start3A_1067 = arith.constant 0 : i32
    %dma_start3A_1068 = tpu.memref_slice %arg2[%add3A_1060, %dma_start3A_1066, %squeeze3A_1058, %dma_start3A_1067] : memref<1024x50x26x64xf32, #tpu.memory_space<hbm>> -> memref<1x50x1x64xf32, #tpu.memory_space<hbm>>
    %dma_start3A_1069 = tpu.memref_squeeze %dma_start3A_1068 : memref<1x50x1x64xf32, #tpu.memory_space<hbm>> -> memref<50x64xf32, #tpu.memory_space<hbm>>
    %dma_start3A_1070 = arith.constant 0 : i32
    %dma_start3A_1071 = arith.constant 0 : i32
    %dma_start3A_1072 = tpu.memref_slice %arg7[%dma_start3A_1061, %dma_start3A_1070, %dma_start3A_1071] : memref<8x50x64xf32, #tpu.memory_space<vmem>> -> memref<1x50x64xf32, #tpu.memory_space<vmem>>
    %dma_start3A_1073 = tpu.memref_squeeze %dma_start3A_1072 : memref<1x50x64xf32, #tpu.memory_space<vmem>> -> memref<50x64xf32, #tpu.memory_space<vmem>>
    %dma_start3A_1074 = arith.constant 0 : i32
    %dma_start3A_1075 = arith.constant 0 : i32
    %dma_start3A_1076 = tpu.memref_slice %arg2[%add3A_1060, %dma_start3A_1074, %squeeze3A_1058, %dma_start3A_1075] : memref<1024x50x26x64xf32, #tpu.memory_space<hbm>> -> memref<1x50x1x64xf32, #tpu.memory_space<hbm>>
    %dma_start3A_1077 = tpu.memref_squeeze %dma_start3A_1076 : memref<1x50x1x64xf32, #tpu.memory_space<hbm>> -> memref<50x64xf32, #tpu.memory_space<hbm>>
    tpu.enqueue_dma source(%dma_start3A_1077 : memref<50x64xf32, #tpu.memory_space<hbm>>) target(%dma_start3A_1073 : memref<50x64xf32, #tpu.memory_space<vmem>>) target_semaphore(%arg8 : memref<!tpu.dma_semaphore, #tpu.memory_space<semaphore_mem>>)
    %slice3A_1078 = vector.extract_strided_slice %get3A_7 {offsets = [14], sizes = [1], strides = [1]} : vector<16xi32> to vector<1xi32>
    %squeeze3A_1079 = vector.extract %slice3A_1078[0] : i32 from vector<1xi32>
    %add3A_1080 = arith.constant 30 : i32
    %add3A_1081 = arith.addi %mul3A_2, %add3A_1080 : i32
    %dma_start3A_1082 = arith.constant 6 : i32
    %dma_start3A_1083 = arith.constant 0 : i32
    %dma_start3A_1084 = arith.constant 0 : i32
    %dma_start3A_1085 = tpu.memref_slice %arg7[%dma_start3A_1082, %dma_start3A_1083, %dma_start3A_1084] : memref<8x50x64xf32, #tpu.memory_space<vmem>> -> memref<1x50x64xf32, #tpu.memory_space<vmem>>
    %dma_start3A_1086 = tpu.memref_squeeze %dma_start3A_1085 : memref<1x50x64xf32, #tpu.memory_space<vmem>> -> memref<50x64xf32, #tpu.memory_space<vmem>>
    %dma_start3A_1087 = arith.constant 0 : i32
    %dma_start3A_1088 = arith.constant 0 : i32
    %dma_start3A_1089 = tpu.memref_slice %arg2[%add3A_1081, %dma_start3A_1087, %squeeze3A_1079, %dma_start3A_1088] : memref<1024x50x26x64xf32, #tpu.memory_space<hbm>> -> memref<1x50x1x64xf32, #tpu.memory_space<hbm>>
    %dma_start3A_1090 = tpu.memref_squeeze %dma_start3A_1089 : memref<1x50x1x64xf32, #tpu.memory_space<hbm>> -> memref<50x64xf32, #tpu.memory_space<hbm>>
    %dma_start3A_1091 = arith.constant 0 : i32
    %dma_start3A_1092 = arith.constant 0 : i32
    %dma_start3A_1093 = tpu.memref_slice %arg7[%dma_start3A_1082, %dma_start3A_1091, %dma_start3A_1092] : memref<8x50x64xf32, #tpu.memory_space<vmem>> -> memref<1x50x64xf32, #tpu.memory_space<vmem>>
    %dma_start3A_1094 = tpu.memref_squeeze %dma_start3A_1093 : memref<1x50x64xf32, #tpu.memory_space<vmem>> -> memref<50x64xf32, #tpu.memory_space<vmem>>
    %dma_start3A_1095 = arith.constant 0 : i32
    %dma_start3A_1096 = arith.constant 0 : i32
    %dma_start3A_1097 = tpu.memref_slice %arg2[%add3A_1081, %dma_start3A_1095, %squeeze3A_1079, %dma_start3A_1096] : memref<1024x50x26x64xf32, #tpu.memory_space<hbm>> -> memref<1x50x1x64xf32, #tpu.memory_space<hbm>>
    %dma_start3A_1098 = tpu.memref_squeeze %dma_start3A_1097 : memref<1x50x1x64xf32, #tpu.memory_space<hbm>> -> memref<50x64xf32, #tpu.memory_space<hbm>>
    tpu.enqueue_dma source(%dma_start3A_1098 : memref<50x64xf32, #tpu.memory_space<hbm>>) target(%dma_start3A_1094 : memref<50x64xf32, #tpu.memory_space<vmem>>) target_semaphore(%arg8 : memref<!tpu.dma_semaphore, #tpu.memory_space<semaphore_mem>>)
    %slice3A_1099 = vector.extract_strided_slice %get3A_7 {offsets = [15], sizes = [1], strides = [1]} : vector<16xi32> to vector<1xi32>
    %squeeze3A_1100 = vector.extract %slice3A_1099[0] : i32 from vector<1xi32>
    %add3A_1101 = arith.constant 31 : i32
    %add3A_1102 = arith.addi %mul3A_2, %add3A_1101 : i32
    %dma_start3A_1103 = arith.constant 7 : i32
    %dma_start3A_1104 = arith.constant 0 : i32
    %dma_start3A_1105 = arith.constant 0 : i32
    %dma_start3A_1106 = tpu.memref_slice %arg7[%dma_start3A_1103, %dma_start3A_1104, %dma_start3A_1105] : memref<8x50x64xf32, #tpu.memory_space<vmem>> -> memref<1x50x64xf32, #tpu.memory_space<vmem>>
    %dma_start3A_1107 = tpu.memref_squeeze %dma_start3A_1106 : memref<1x50x64xf32, #tpu.memory_space<vmem>> -> memref<50x64xf32, #tpu.memory_space<vmem>>
    %dma_start3A_1108 = arith.constant 0 : i32
    %dma_start3A_1109 = arith.constant 0 : i32
    %dma_start3A_1110 = tpu.memref_slice %arg2[%add3A_1102, %dma_start3A_1108, %squeeze3A_1100, %dma_start3A_1109] : memref<1024x50x26x64xf32, #tpu.memory_space<hbm>> -> memref<1x50x1x64xf32, #tpu.memory_space<hbm>>
    %dma_start3A_1111 = tpu.memref_squeeze %dma_start3A_1110 : memref<1x50x1x64xf32, #tpu.memory_space<hbm>> -> memref<50x64xf32, #tpu.memory_space<hbm>>
    %dma_start3A_1112 = arith.constant 0 : i32
    %dma_start3A_1113 = arith.constant 0 : i32
    %dma_start3A_1114 = tpu.memref_slice %arg7[%dma_start3A_1103, %dma_start3A_1112, %dma_start3A_1113] : memref<8x50x64xf32, #tpu.memory_space<vmem>> -> memref<1x50x64xf32, #tpu.memory_space<vmem>>
    %dma_start3A_1115 = tpu.memref_squeeze %dma_start3A_1114 : memref<1x50x64xf32, #tpu.memory_space<vmem>> -> memref<50x64xf32, #tpu.memory_space<vmem>>
    %dma_start3A_1116 = arith.constant 0 : i32
    %dma_start3A_1117 = arith.constant 0 : i32
    %dma_start3A_1118 = tpu.memref_slice %arg2[%add3A_1102, %dma_start3A_1116, %squeeze3A_1100, %dma_start3A_1117] : memref<1024x50x26x64xf32, #tpu.memory_space<hbm>> -> memref<1x50x1x64xf32, #tpu.memory_space<hbm>>
    %dma_start3A_1119 = tpu.memref_squeeze %dma_start3A_1118 : memref<1x50x1x64xf32, #tpu.memory_space<hbm>> -> memref<50x64xf32, #tpu.memory_space<hbm>>
    tpu.enqueue_dma source(%dma_start3A_1119 : memref<50x64xf32, #tpu.memory_space<hbm>>) target(%dma_start3A_1115 : memref<50x64xf32, #tpu.memory_space<vmem>>) target_semaphore(%arg8 : memref<!tpu.dma_semaphore, #tpu.memory_space<semaphore_mem>>)
    %dma_wait3A_1120 = arith.constant 0 : i32
    %dma_wait3A_1121 = arith.constant 0 : i32
    %dma_wait3A_1122 = arith.constant 0 : i32
    %dma_wait3A_1123 = tpu.memref_slice %arg7[%dma_wait3A_1120, %dma_wait3A_1121, %dma_wait3A_1122] : memref<8x50x64xf32, #tpu.memory_space<vmem>> -> memref<1x50x64xf32, #tpu.memory_space<vmem>>
    %dma_wait3A_1124 = tpu.memref_squeeze %dma_wait3A_1123 : memref<1x50x64xf32, #tpu.memory_space<vmem>> -> memref<50x64xf32, #tpu.memory_space<vmem>>
    %dma_wait3A_1125 = arith.constant 0 : i32
    %dma_wait3A_1126 = arith.constant 0 : i32
    %dma_wait3A_1127 = tpu.memref_slice %arg2[%add3A_955, %dma_wait3A_1125, %squeeze3A_953, %dma_wait3A_1126] : memref<1024x50x26x64xf32, #tpu.memory_space<hbm>> -> memref<1x50x1x64xf32, #tpu.memory_space<hbm>>
    %dma_wait3A_1128 = tpu.memref_squeeze %dma_wait3A_1127 : memref<1x50x1x64xf32, #tpu.memory_space<hbm>> -> memref<50x64xf32, #tpu.memory_space<hbm>>
    %dma_wait3A_1129 = arith.constant 0 : i32
    %dma_wait3A_1130 = arith.constant 0 : i32
    %dma_wait3A_1131 = tpu.memref_slice %arg7[%dma_wait3A_1120, %dma_wait3A_1129, %dma_wait3A_1130] : memref<8x50x64xf32, #tpu.memory_space<vmem>> -> memref<1x50x64xf32, #tpu.memory_space<vmem>>
    %dma_wait3A_1132 = tpu.memref_squeeze %dma_wait3A_1131 : memref<1x50x64xf32, #tpu.memory_space<vmem>> -> memref<50x64xf32, #tpu.memory_space<vmem>>
    %dma_wait3A_1133 = arith.constant 0 : i32
    %dma_wait3A_1134 = arith.constant 0 : i32
    %dma_wait3A_1135 = tpu.memref_slice %arg2[%add3A_955, %dma_wait3A_1133, %squeeze3A_953, %dma_wait3A_1134] : memref<1024x50x26x64xf32, #tpu.memory_space<hbm>> -> memref<1x50x1x64xf32, #tpu.memory_space<hbm>>
    %dma_wait3A_1136 = tpu.memref_squeeze %dma_wait3A_1135 : memref<1x50x1x64xf32, #tpu.memory_space<hbm>> -> memref<50x64xf32, #tpu.memory_space<hbm>>
    tpu.wait_dma2 semaphore(%arg8 : memref<!tpu.dma_semaphore, #tpu.memory_space<semaphore_mem>>) src(%dma_wait3A_1136 : memref<50x64xf32, #tpu.memory_space<hbm>>) dst(%dma_wait3A_1132 : memref<50x64xf32, #tpu.memory_space<vmem>>)
    %dma_wait3A_1137 = arith.constant 1 : i32
    %dma_wait3A_1138 = arith.constant 0 : i32
    %dma_wait3A_1139 = arith.constant 0 : i32
    %dma_wait3A_1140 = tpu.memref_slice %arg7[%dma_wait3A_1137, %dma_wait3A_1138, %dma_wait3A_1139] : memref<8x50x64xf32, #tpu.memory_space<vmem>> -> memref<1x50x64xf32, #tpu.memory_space<vmem>>
    %dma_wait3A_1141 = tpu.memref_squeeze %dma_wait3A_1140 : memref<1x50x64xf32, #tpu.memory_space<vmem>> -> memref<50x64xf32, #tpu.memory_space<vmem>>
    %dma_wait3A_1142 = arith.constant 0 : i32
    %dma_wait3A_1143 = arith.constant 0 : i32
    %dma_wait3A_1144 = tpu.memref_slice %arg2[%add3A_976, %dma_wait3A_1142, %squeeze3A_974, %dma_wait3A_1143] : memref<1024x50x26x64xf32, #tpu.memory_space<hbm>> -> memref<1x50x1x64xf32, #tpu.memory_space<hbm>>
    %dma_wait3A_1145 = tpu.memref_squeeze %dma_wait3A_1144 : memref<1x50x1x64xf32, #tpu.memory_space<hbm>> -> memref<50x64xf32, #tpu.memory_space<hbm>>
    %dma_wait3A_1146 = arith.constant 0 : i32
    %dma_wait3A_1147 = arith.constant 0 : i32
    %dma_wait3A_1148 = tpu.memref_slice %arg7[%dma_wait3A_1137, %dma_wait3A_1146, %dma_wait3A_1147] : memref<8x50x64xf32, #tpu.memory_space<vmem>> -> memref<1x50x64xf32, #tpu.memory_space<vmem>>
    %dma_wait3A_1149 = tpu.memref_squeeze %dma_wait3A_1148 : memref<1x50x64xf32, #tpu.memory_space<vmem>> -> memref<50x64xf32, #tpu.memory_space<vmem>>
    %dma_wait3A_1150 = arith.constant 0 : i32
    %dma_wait3A_1151 = arith.constant 0 : i32
    %dma_wait3A_1152 = tpu.memref_slice %arg2[%add3A_976, %dma_wait3A_1150, %squeeze3A_974, %dma_wait3A_1151] : memref<1024x50x26x64xf32, #tpu.memory_space<hbm>> -> memref<1x50x1x64xf32, #tpu.memory_space<hbm>>
    %dma_wait3A_1153 = tpu.memref_squeeze %dma_wait3A_1152 : memref<1x50x1x64xf32, #tpu.memory_space<hbm>> -> memref<50x64xf32, #tpu.memory_space<hbm>>
    tpu.wait_dma2 semaphore(%arg8 : memref<!tpu.dma_semaphore, #tpu.memory_space<semaphore_mem>>) src(%dma_wait3A_1153 : memref<50x64xf32, #tpu.memory_space<hbm>>) dst(%dma_wait3A_1149 : memref<50x64xf32, #tpu.memory_space<vmem>>)
    %dma_wait3A_1154 = arith.constant 2 : i32
    %dma_wait3A_1155 = arith.constant 0 : i32
    %dma_wait3A_1156 = arith.constant 0 : i32
    %dma_wait3A_1157 = tpu.memref_slice %arg7[%dma_wait3A_1154, %dma_wait3A_1155, %dma_wait3A_1156] : memref<8x50x64xf32, #tpu.memory_space<vmem>> -> memref<1x50x64xf32, #tpu.memory_space<vmem>>
    %dma_wait3A_1158 = tpu.memref_squeeze %dma_wait3A_1157 : memref<1x50x64xf32, #tpu.memory_space<vmem>> -> memref<50x64xf32, #tpu.memory_space<vmem>>
    %dma_wait3A_1159 = arith.constant 0 : i32
    %dma_wait3A_1160 = arith.constant 0 : i32
    %dma_wait3A_1161 = tpu.memref_slice %arg2[%add3A_997, %dma_wait3A_1159, %squeeze3A_995, %dma_wait3A_1160] : memref<1024x50x26x64xf32, #tpu.memory_space<hbm>> -> memref<1x50x1x64xf32, #tpu.memory_space<hbm>>
    %dma_wait3A_1162 = tpu.memref_squeeze %dma_wait3A_1161 : memref<1x50x1x64xf32, #tpu.memory_space<hbm>> -> memref<50x64xf32, #tpu.memory_space<hbm>>
    %dma_wait3A_1163 = arith.constant 0 : i32
    %dma_wait3A_1164 = arith.constant 0 : i32
    %dma_wait3A_1165 = tpu.memref_slice %arg7[%dma_wait3A_1154, %dma_wait3A_1163, %dma_wait3A_1164] : memref<8x50x64xf32, #tpu.memory_space<vmem>> -> memref<1x50x64xf32, #tpu.memory_space<vmem>>
    %dma_wait3A_1166 = tpu.memref_squeeze %dma_wait3A_1165 : memref<1x50x64xf32, #tpu.memory_space<vmem>> -> memref<50x64xf32, #tpu.memory_space<vmem>>
    %dma_wait3A_1167 = arith.constant 0 : i32
    %dma_wait3A_1168 = arith.constant 0 : i32
    %dma_wait3A_1169 = tpu.memref_slice %arg2[%add3A_997, %dma_wait3A_1167, %squeeze3A_995, %dma_wait3A_1168] : memref<1024x50x26x64xf32, #tpu.memory_space<hbm>> -> memref<1x50x1x64xf32, #tpu.memory_space<hbm>>
    %dma_wait3A_1170 = tpu.memref_squeeze %dma_wait3A_1169 : memref<1x50x1x64xf32, #tpu.memory_space<hbm>> -> memref<50x64xf32, #tpu.memory_space<hbm>>
    tpu.wait_dma2 semaphore(%arg8 : memref<!tpu.dma_semaphore, #tpu.memory_space<semaphore_mem>>) src(%dma_wait3A_1170 : memref<50x64xf32, #tpu.memory_space<hbm>>) dst(%dma_wait3A_1166 : memref<50x64xf32, #tpu.memory_space<vmem>>)
    %dma_wait3A_1171 = arith.constant 3 : i32
    %dma_wait3A_1172 = arith.constant 0 : i32
    %dma_wait3A_1173 = arith.constant 0 : i32
    %dma_wait3A_1174 = tpu.memref_slice %arg7[%dma_wait3A_1171, %dma_wait3A_1172, %dma_wait3A_1173] : memref<8x50x64xf32, #tpu.memory_space<vmem>> -> memref<1x50x64xf32, #tpu.memory_space<vmem>>
    %dma_wait3A_1175 = tpu.memref_squeeze %dma_wait3A_1174 : memref<1x50x64xf32, #tpu.memory_space<vmem>> -> memref<50x64xf32, #tpu.memory_space<vmem>>
    %dma_wait3A_1176 = arith.constant 0 : i32
    %dma_wait3A_1177 = arith.constant 0 : i32
    %dma_wait3A_1178 = tpu.memref_slice %arg2[%add3A_1018, %dma_wait3A_1176, %squeeze3A_1016, %dma_wait3A_1177] : memref<1024x50x26x64xf32, #tpu.memory_space<hbm>> -> memref<1x50x1x64xf32, #tpu.memory_space<hbm>>
    %dma_wait3A_1179 = tpu.memref_squeeze %dma_wait3A_1178 : memref<1x50x1x64xf32, #tpu.memory_space<hbm>> -> memref<50x64xf32, #tpu.memory_space<hbm>>
    %dma_wait3A_1180 = arith.constant 0 : i32
    %dma_wait3A_1181 = arith.constant 0 : i32
    %dma_wait3A_1182 = tpu.memref_slice %arg7[%dma_wait3A_1171, %dma_wait3A_1180, %dma_wait3A_1181] : memref<8x50x64xf32, #tpu.memory_space<vmem>> -> memref<1x50x64xf32, #tpu.memory_space<vmem>>
    %dma_wait3A_1183 = tpu.memref_squeeze %dma_wait3A_1182 : memref<1x50x64xf32, #tpu.memory_space<vmem>> -> memref<50x64xf32, #tpu.memory_space<vmem>>
    %dma_wait3A_1184 = arith.constant 0 : i32
    %dma_wait3A_1185 = arith.constant 0 : i32
    %dma_wait3A_1186 = tpu.memref_slice %arg2[%add3A_1018, %dma_wait3A_1184, %squeeze3A_1016, %dma_wait3A_1185] : memref<1024x50x26x64xf32, #tpu.memory_space<hbm>> -> memref<1x50x1x64xf32, #tpu.memory_space<hbm>>
    %dma_wait3A_1187 = tpu.memref_squeeze %dma_wait3A_1186 : memref<1x50x1x64xf32, #tpu.memory_space<hbm>> -> memref<50x64xf32, #tpu.memory_space<hbm>>
    tpu.wait_dma2 semaphore(%arg8 : memref<!tpu.dma_semaphore, #tpu.memory_space<semaphore_mem>>) src(%dma_wait3A_1187 : memref<50x64xf32, #tpu.memory_space<hbm>>) dst(%dma_wait3A_1183 : memref<50x64xf32, #tpu.memory_space<vmem>>)
    %dma_wait3A_1188 = arith.constant 4 : i32
    %dma_wait3A_1189 = arith.constant 0 : i32
    %dma_wait3A_1190 = arith.constant 0 : i32
    %dma_wait3A_1191 = tpu.memref_slice %arg7[%dma_wait3A_1188, %dma_wait3A_1189, %dma_wait3A_1190] : memref<8x50x64xf32, #tpu.memory_space<vmem>> -> memref<1x50x64xf32, #tpu.memory_space<vmem>>
    %dma_wait3A_1192 = tpu.memref_squeeze %dma_wait3A_1191 : memref<1x50x64xf32, #tpu.memory_space<vmem>> -> memref<50x64xf32, #tpu.memory_space<vmem>>
    %dma_wait3A_1193 = arith.constant 0 : i32
    %dma_wait3A_1194 = arith.constant 0 : i32
    %dma_wait3A_1195 = tpu.memref_slice %arg2[%add3A_1039, %dma_wait3A_1193, %squeeze3A_1037, %dma_wait3A_1194] : memref<1024x50x26x64xf32, #tpu.memory_space<hbm>> -> memref<1x50x1x64xf32, #tpu.memory_space<hbm>>
    %dma_wait3A_1196 = tpu.memref_squeeze %dma_wait3A_1195 : memref<1x50x1x64xf32, #tpu.memory_space<hbm>> -> memref<50x64xf32, #tpu.memory_space<hbm>>
    %dma_wait3A_1197 = arith.constant 0 : i32
    %dma_wait3A_1198 = arith.constant 0 : i32
    %dma_wait3A_1199 = tpu.memref_slice %arg7[%dma_wait3A_1188, %dma_wait3A_1197, %dma_wait3A_1198] : memref<8x50x64xf32, #tpu.memory_space<vmem>> -> memref<1x50x64xf32, #tpu.memory_space<vmem>>
    %dma_wait3A_1200 = tpu.memref_squeeze %dma_wait3A_1199 : memref<1x50x64xf32, #tpu.memory_space<vmem>> -> memref<50x64xf32, #tpu.memory_space<vmem>>
    %dma_wait3A_1201 = arith.constant 0 : i32
    %dma_wait3A_1202 = arith.constant 0 : i32
    %dma_wait3A_1203 = tpu.memref_slice %arg2[%add3A_1039, %dma_wait3A_1201, %squeeze3A_1037, %dma_wait3A_1202] : memref<1024x50x26x64xf32, #tpu.memory_space<hbm>> -> memref<1x50x1x64xf32, #tpu.memory_space<hbm>>
    %dma_wait3A_1204 = tpu.memref_squeeze %dma_wait3A_1203 : memref<1x50x1x64xf32, #tpu.memory_space<hbm>> -> memref<50x64xf32, #tpu.memory_space<hbm>>
    tpu.wait_dma2 semaphore(%arg8 : memref<!tpu.dma_semaphore, #tpu.memory_space<semaphore_mem>>) src(%dma_wait3A_1204 : memref<50x64xf32, #tpu.memory_space<hbm>>) dst(%dma_wait3A_1200 : memref<50x64xf32, #tpu.memory_space<vmem>>)
    %dma_wait3A_1205 = arith.constant 5 : i32
    %dma_wait3A_1206 = arith.constant 0 : i32
    %dma_wait3A_1207 = arith.constant 0 : i32
    %dma_wait3A_1208 = tpu.memref_slice %arg7[%dma_wait3A_1205, %dma_wait3A_1206, %dma_wait3A_1207] : memref<8x50x64xf32, #tpu.memory_space<vmem>> -> memref<1x50x64xf32, #tpu.memory_space<vmem>>
    %dma_wait3A_1209 = tpu.memref_squeeze %dma_wait3A_1208 : memref<1x50x64xf32, #tpu.memory_space<vmem>> -> memref<50x64xf32, #tpu.memory_space<vmem>>
    %dma_wait3A_1210 = arith.constant 0 : i32
    %dma_wait3A_1211 = arith.constant 0 : i32
    %dma_wait3A_1212 = tpu.memref_slice %arg2[%add3A_1060, %dma_wait3A_1210, %squeeze3A_1058, %dma_wait3A_1211] : memref<1024x50x26x64xf32, #tpu.memory_space<hbm>> -> memref<1x50x1x64xf32, #tpu.memory_space<hbm>>
    %dma_wait3A_1213 = tpu.memref_squeeze %dma_wait3A_1212 : memref<1x50x1x64xf32, #tpu.memory_space<hbm>> -> memref<50x64xf32, #tpu.memory_space<hbm>>
    %dma_wait3A_1214 = arith.constant 0 : i32
    %dma_wait3A_1215 = arith.constant 0 : i32
    %dma_wait3A_1216 = tpu.memref_slice %arg7[%dma_wait3A_1205, %dma_wait3A_1214, %dma_wait3A_1215] : memref<8x50x64xf32, #tpu.memory_space<vmem>> -> memref<1x50x64xf32, #tpu.memory_space<vmem>>
    %dma_wait3A_1217 = tpu.memref_squeeze %dma_wait3A_1216 : memref<1x50x64xf32, #tpu.memory_space<vmem>> -> memref<50x64xf32, #tpu.memory_space<vmem>>
    %dma_wait3A_1218 = arith.constant 0 : i32
    %dma_wait3A_1219 = arith.constant 0 : i32
    %dma_wait3A_1220 = tpu.memref_slice %arg2[%add3A_1060, %dma_wait3A_1218, %squeeze3A_1058, %dma_wait3A_1219] : memref<1024x50x26x64xf32, #tpu.memory_space<hbm>> -> memref<1x50x1x64xf32, #tpu.memory_space<hbm>>
    %dma_wait3A_1221 = tpu.memref_squeeze %dma_wait3A_1220 : memref<1x50x1x64xf32, #tpu.memory_space<hbm>> -> memref<50x64xf32, #tpu.memory_space<hbm>>
    tpu.wait_dma2 semaphore(%arg8 : memref<!tpu.dma_semaphore, #tpu.memory_space<semaphore_mem>>) src(%dma_wait3A_1221 : memref<50x64xf32, #tpu.memory_space<hbm>>) dst(%dma_wait3A_1217 : memref<50x64xf32, #tpu.memory_space<vmem>>)
    %dma_wait3A_1222 = arith.constant 6 : i32
    %dma_wait3A_1223 = arith.constant 0 : i32
    %dma_wait3A_1224 = arith.constant 0 : i32
    %dma_wait3A_1225 = tpu.memref_slice %arg7[%dma_wait3A_1222, %dma_wait3A_1223, %dma_wait3A_1224] : memref<8x50x64xf32, #tpu.memory_space<vmem>> -> memref<1x50x64xf32, #tpu.memory_space<vmem>>
    %dma_wait3A_1226 = tpu.memref_squeeze %dma_wait3A_1225 : memref<1x50x64xf32, #tpu.memory_space<vmem>> -> memref<50x64xf32, #tpu.memory_space<vmem>>
    %dma_wait3A_1227 = arith.constant 0 : i32
    %dma_wait3A_1228 = arith.constant 0 : i32
    %dma_wait3A_1229 = tpu.memref_slice %arg2[%add3A_1081, %dma_wait3A_1227, %squeeze3A_1079, %dma_wait3A_1228] : memref<1024x50x26x64xf32, #tpu.memory_space<hbm>> -> memref<1x50x1x64xf32, #tpu.memory_space<hbm>>
    %dma_wait3A_1230 = tpu.memref_squeeze %dma_wait3A_1229 : memref<1x50x1x64xf32, #tpu.memory_space<hbm>> -> memref<50x64xf32, #tpu.memory_space<hbm>>
    %dma_wait3A_1231 = arith.constant 0 : i32
    %dma_wait3A_1232 = arith.constant 0 : i32
    %dma_wait3A_1233 = tpu.memref_slice %arg7[%dma_wait3A_1222, %dma_wait3A_1231, %dma_wait3A_1232] : memref<8x50x64xf32, #tpu.memory_space<vmem>> -> memref<1x50x64xf32, #tpu.memory_space<vmem>>
    %dma_wait3A_1234 = tpu.memref_squeeze %dma_wait3A_1233 : memref<1x50x64xf32, #tpu.memory_space<vmem>> -> memref<50x64xf32, #tpu.memory_space<vmem>>
    %dma_wait3A_1235 = arith.constant 0 : i32
    %dma_wait3A_1236 = arith.constant 0 : i32
    %dma_wait3A_1237 = tpu.memref_slice %arg2[%add3A_1081, %dma_wait3A_1235, %squeeze3A_1079, %dma_wait3A_1236] : memref<1024x50x26x64xf32, #tpu.memory_space<hbm>> -> memref<1x50x1x64xf32, #tpu.memory_space<hbm>>
    %dma_wait3A_1238 = tpu.memref_squeeze %dma_wait3A_1237 : memref<1x50x1x64xf32, #tpu.memory_space<hbm>> -> memref<50x64xf32, #tpu.memory_space<hbm>>
    tpu.wait_dma2 semaphore(%arg8 : memref<!tpu.dma_semaphore, #tpu.memory_space<semaphore_mem>>) src(%dma_wait3A_1238 : memref<50x64xf32, #tpu.memory_space<hbm>>) dst(%dma_wait3A_1234 : memref<50x64xf32, #tpu.memory_space<vmem>>)
    %dma_wait3A_1239 = arith.constant 7 : i32
    %dma_wait3A_1240 = arith.constant 0 : i32
    %dma_wait3A_1241 = arith.constant 0 : i32
    %dma_wait3A_1242 = tpu.memref_slice %arg7[%dma_wait3A_1239, %dma_wait3A_1240, %dma_wait3A_1241] : memref<8x50x64xf32, #tpu.memory_space<vmem>> -> memref<1x50x64xf32, #tpu.memory_space<vmem>>
    %dma_wait3A_1243 = tpu.memref_squeeze %dma_wait3A_1242 : memref<1x50x64xf32, #tpu.memory_space<vmem>> -> memref<50x64xf32, #tpu.memory_space<vmem>>
    %dma_wait3A_1244 = arith.constant 0 : i32
    %dma_wait3A_1245 = arith.constant 0 : i32
    %dma_wait3A_1246 = tpu.memref_slice %arg2[%add3A_1102, %dma_wait3A_1244, %squeeze3A_1100, %dma_wait3A_1245] : memref<1024x50x26x64xf32, #tpu.memory_space<hbm>> -> memref<1x50x1x64xf32, #tpu.memory_space<hbm>>
    %dma_wait3A_1247 = tpu.memref_squeeze %dma_wait3A_1246 : memref<1x50x1x64xf32, #tpu.memory_space<hbm>> -> memref<50x64xf32, #tpu.memory_space<hbm>>
    %dma_wait3A_1248 = arith.constant 0 : i32
    %dma_wait3A_1249 = arith.constant 0 : i32
    %dma_wait3A_1250 = tpu.memref_slice %arg7[%dma_wait3A_1239, %dma_wait3A_1248, %dma_wait3A_1249] : memref<8x50x64xf32, #tpu.memory_space<vmem>> -> memref<1x50x64xf32, #tpu.memory_space<vmem>>
    %dma_wait3A_1251 = tpu.memref_squeeze %dma_wait3A_1250 : memref<1x50x64xf32, #tpu.memory_space<vmem>> -> memref<50x64xf32, #tpu.memory_space<vmem>>
    %dma_wait3A_1252 = arith.constant 0 : i32
    %dma_wait3A_1253 = arith.constant 0 : i32
    %dma_wait3A_1254 = tpu.memref_slice %arg2[%add3A_1102, %dma_wait3A_1252, %squeeze3A_1100, %dma_wait3A_1253] : memref<1024x50x26x64xf32, #tpu.memory_space<hbm>> -> memref<1x50x1x64xf32, #tpu.memory_space<hbm>>
    %dma_wait3A_1255 = tpu.memref_squeeze %dma_wait3A_1254 : memref<1x50x1x64xf32, #tpu.memory_space<hbm>> -> memref<50x64xf32, #tpu.memory_space<hbm>>
    tpu.wait_dma2 semaphore(%arg8 : memref<!tpu.dma_semaphore, #tpu.memory_space<semaphore_mem>>) src(%dma_wait3A_1255 : memref<50x64xf32, #tpu.memory_space<hbm>>) dst(%dma_wait3A_1251 : memref<50x64xf32, #tpu.memory_space<vmem>>)
    %add3A_1256 = arith.constant 24 : i32
    %add3A_1257 = arith.addi %mul3A_2, %add3A_1256 : i32
    %dma_start3A_1258 = arith.constant 0 : i32
    %dma_start3A_1259 = arith.constant 0 : i32
    %dma_start3A_1260 = tpu.memref_slice %arg4[%add3A_1257, %dma_start3A_1258, %dma_start3A_1259] : memref<1024x50x64xf32, #tpu.memory_space<hbm>> -> memref<8x50x64xf32, #tpu.memory_space<hbm>>
    %dma_start3A_1261 = arith.constant 0 : i32
    %dma_start3A_1262 = arith.constant 0 : i32
    %dma_start3A_1263 = tpu.memref_slice %arg4[%add3A_1257, %dma_start3A_1261, %dma_start3A_1262] : memref<1024x50x64xf32, #tpu.memory_space<hbm>> -> memref<8x50x64xf32, #tpu.memory_space<hbm>>
    tpu.enqueue_dma source(%arg7 : memref<8x50x64xf32, #tpu.memory_space<vmem>>) target(%dma_start3A_1263 : memref<8x50x64xf32, #tpu.memory_space<hbm>>) target_semaphore(%arg9 : memref<!tpu.dma_semaphore, #tpu.memory_space<semaphore_mem>>)
    %dma_wait3A_1264 = arith.constant 0 : i32
    %dma_wait3A_1265 = arith.constant 0 : i32
    %dma_wait3A_1266 = tpu.memref_slice %arg4[%add3A_939, %dma_wait3A_1264, %dma_wait3A_1265] : memref<1024x50x64xf32, #tpu.memory_space<hbm>> -> memref<8x50x64xf32, #tpu.memory_space<hbm>>
    %dma_wait3A_1267 = arith.constant 0 : i32
    %dma_wait3A_1268 = arith.constant 0 : i32
    %dma_wait3A_1269 = tpu.memref_slice %arg4[%add3A_939, %dma_wait3A_1267, %dma_wait3A_1268] : memref<1024x50x64xf32, #tpu.memory_space<hbm>> -> memref<8x50x64xf32, #tpu.memory_space<hbm>>
    tpu.wait_dma2 semaphore(%arg9 : memref<!tpu.dma_semaphore, #tpu.memory_space<semaphore_mem>>) src(%arg6 : memref<8x50x64xf32, #tpu.memory_space<vmem>>) dst(%dma_wait3A_1269 : memref<8x50x64xf32, #tpu.memory_space<hbm>>)
    %dma_wait3A_1270 = arith.constant 0 : i32
    %dma_wait3A_1271 = arith.constant 0 : i32
    %dma_wait3A_1272 = tpu.memref_slice %arg4[%add3A_1257, %dma_wait3A_1270, %dma_wait3A_1271] : memref<1024x50x64xf32, #tpu.memory_space<hbm>> -> memref<8x50x64xf32, #tpu.memory_space<hbm>>
    %dma_wait3A_1273 = arith.constant 0 : i32
    %dma_wait3A_1274 = arith.constant 0 : i32
    %dma_wait3A_1275 = tpu.memref_slice %arg4[%add3A_1257, %dma_wait3A_1273, %dma_wait3A_1274] : memref<1024x50x64xf32, #tpu.memory_space<hbm>> -> memref<8x50x64xf32, #tpu.memory_space<hbm>>
    tpu.wait_dma2 semaphore(%arg9 : memref<!tpu.dma_semaphore, #tpu.memory_space<semaphore_mem>>) src(%arg7 : memref<8x50x64xf32, #tpu.memory_space<vmem>>) dst(%dma_wait3A_1275 : memref<8x50x64xf32, #tpu.memory_space<hbm>>)
    return
  }
}

module attributes {stable_mosaic.version = 14 : i64} {
  func.func @_tc_body(%arg0: i32, %arg1: memref<32x50x64xf32, #tpu.memory_space<vmem>>, %arg2: memref<32x1x8xf32, #tpu.memory_space<vmem>>, %arg3: memref<8x64xf32, #tpu.memory_space<vmem>>, %arg4: memref<64x64xf32, #tpu.memory_space<vmem>>, %arg5: memref<1x64xf32, #tpu.memory_space<vmem>>, %arg6: memref<32x50x64xf32, #tpu.memory_space<vmem>>) attributes {dimension_semantics = [#tpu.dimension_semantics<arbitrary>], iteration_bounds = array<i64: 32>, scalar_prefetch = 0 : i64, scratch_operands = 0 : i64, tpu.core_type = #tpu.core_type<tc>, window_params = [{transform_indices = @transform_0, window_bounds = array<i64: 32, 50, 64>}, {transform_indices = @transform_1, window_bounds = array<i64: 32, 1, 8>}, {pipeline_mode = #tpu.pipeline_mode<synchronous>, transform_indices = @transform_2, window_bounds = array<i64: 8, 64>}, {pipeline_mode = #tpu.pipeline_mode<synchronous>, transform_indices = @transform_3, window_bounds = array<i64: 64, 64>}, {pipeline_mode = #tpu.pipeline_mode<synchronous>, transform_indices = @transform_4, window_bounds = array<i64: 1, 64>}, {transform_indices = @transform_5, window_bounds = array<i64: 32, 50, 64>}]} {
    %get3A = arith.constant 0 : index
    %get3A_0 = arith.constant 0 : index
    %get3A_1 = arith.constant 0 : index
    %get3A_2 = vector.load %arg1[%get3A, %get3A_0, %get3A_1] : memref<32x50x64xf32, #tpu.memory_space<vmem>>, vector<32x50x64xf32>
    %get3A_3 = arith.constant 0 : index
    %get3A_4 = arith.constant 0 : index
    %get3A_5 = arith.constant 0 : index
    %get3A_6 = vector.load %arg2[%get3A_3, %get3A_4, %get3A_5] : memref<32x1x8xf32, #tpu.memory_space<vmem>>, vector<32x1x8xf32>
    %squeeze3A = vector.shape_cast %get3A_6 : vector<32x1x8xf32> to vector<32x8xf32>
    %get3A_7 = arith.constant 0 : index
    %get3A_8 = arith.constant 0 : index
    %get3A_9 = vector.load %arg4[%get3A_7, %get3A_8] : memref<64x64xf32, #tpu.memory_space<vmem>>, vector<64x64xf32>
    %dot_general3A = arith.constant dense<0.000000e+00> : vector<32x50x64xf32>
    %dot_general3A_10 = tpu.matmul %get3A_2, %get3A_9, %dot_general3A {dimension_numbers = #tpu.dot_dimension_numbers<[2], [0], [0, 1], [1], [0, 0, 0, 1, 1, 1], [], []>, transpose_lhs_hint = false} : vector<32x50x64xf32>, vector<64x64xf32>, vector<32x50x64xf32> -> vector<32x50x64xf32>
    %get3A_11 = arith.constant 0 : index
    %get3A_12 = arith.constant 0 : index
    %get3A_13 = vector.load %arg3[%get3A_11, %get3A_12] : memref<8x64xf32, #tpu.memory_space<vmem>>, vector<8x64xf32>
    %dot_general3A_14 = arith.constant dense<0.000000e+00> : vector<32x64xf32>
    %dot_general3A_15 = tpu.matmul %squeeze3A, %get3A_13, %dot_general3A_14 {dimension_numbers = #tpu.dot_dimension_numbers<[1], [0], [0], [1], [0, 0, 1, 1], [], []>, transpose_lhs_hint = false} : vector<32x8xf32>, vector<8x64xf32>, vector<32x64xf32> -> vector<32x64xf32>
    %broadcast_in_dim3A = vector.shape_cast %dot_general3A_15 : vector<32x64xf32> to vector<32x1x64xf32>
    %add3A = vector.broadcast %broadcast_in_dim3A : vector<32x1x64xf32> to vector<32x50x64xf32>
    %add3A_16 = arith.addf %dot_general3A_10, %add3A : vector<32x50x64xf32>
    %get3A_17 = arith.constant 0 : index
    %get3A_18 = arith.constant 0 : index
    %get3A_19 = vector.load %arg5[%get3A_17, %get3A_18] : memref<1x64xf32, #tpu.memory_space<vmem>>, vector<1x64xf32>
    %broadcast_in_dim3A_20 = vector.shape_cast %get3A_19 : vector<1x64xf32> to vector<1x1x64xf32>
    %add3A_21 = vector.broadcast %broadcast_in_dim3A_20 : vector<1x1x64xf32> to vector<32x50x64xf32>
    %add3A_22 = arith.addf %add3A_16, %add3A_21 : vector<32x50x64xf32>
    %swap3A = arith.constant 0 : index
    %swap3A_23 = arith.constant 0 : index
    %swap3A_24 = arith.constant 0 : index
    %swap3A_25 = vector.load %arg6[%swap3A, %swap3A_23, %swap3A_24] : memref<32x50x64xf32, #tpu.memory_space<vmem>>, vector<32x50x64xf32>
    tpu.vector_store %arg6[%swap3A, %swap3A_23, %swap3A_24], %add3A_22 {strides = array<i32>} : memref<32x50x64xf32, #tpu.memory_space<vmem>>, vector<32x50x64xf32>,
    return
  }
  func.func @transform_0(%arg0: i32) -> (i32, i32, i32) {
    %c0_i32 = arith.constant 0 : i32
    %c0_i32_0 = arith.constant 0 : i32
    %c0_i32_1 = arith.constant 0 : i32
    return %arg0, %c0_i32, %c0_i32_0 : i32, i32, i32
  }
  func.func @transform_1(%arg0: i32) -> (i32, i32, i32) {
    %c0_i32 = arith.constant 0 : i32
    %c0_i32_0 = arith.constant 0 : i32
    %c0_i32_1 = arith.constant 0 : i32
    return %arg0, %c0_i32, %c0_i32_0 : i32, i32, i32
  }
  func.func @transform_2(%arg0: i32) -> (i32, i32) {
    %c0_i32 = arith.constant 0 : i32
    %c0_i32_0 = arith.constant 0 : i32
    %c0_i32_1 = arith.constant 0 : i32
    return %c0_i32, %c0_i32_0 : i32, i32
  }
  func.func @transform_3(%arg0: i32) -> (i32, i32) {
    %c0_i32 = arith.constant 0 : i32
    %c0_i32_0 = arith.constant 0 : i32
    %c0_i32_1 = arith.constant 0 : i32
    return %c0_i32, %c0_i32_0 : i32, i32
  }
  func.func @transform_4(%arg0: i32) -> (i32, i32) {
    %c0_i32 = arith.constant 0 : i32
    %c0_i32_0 = arith.constant 0 : i32
    %c0_i32_1 = arith.constant 0 : i32
    return %c0_i32, %c0_i32_0 : i32, i32
  }
  func.func @transform_5(%arg0: i32) -> (i32, i32, i32) {
    %c0_i32 = arith.constant 0 : i32
    %c0_i32_0 = arith.constant 0 : i32
    %c0_i32_1 = arith.constant 0 : i32
    return %arg0, %c0_i32, %c0_i32_0 : i32, i32, i32
  }
}

</mosaic_0001>

<sc_bundles>
// kernel: kernel.5.cloned.1.call-start
scs
__scs_entry_jumppad:
0x0: {  	(pc) =	sbr.rel $0x88, $3  }
0x1: {  	(tag) =	ssettag $0x0;
	lr =	simm.s32 $0x1  }
0x2: {  	[smem:$0x3F9B] =	sst lr;
	_ =	strace $0xD0000000  }
0x3: {  	_ = 	snop  }
0x4: {  	_ = 	snop  }
0x5: {  	_ = 	snop  }
0x6: {  	_ = 	snop  }
0x7: {  	_ = 	snop  }
__scs_overlays_trampoline_lowered:
0x8: {  	[smem:$0x3FAA] =	sst s0  }
0x9: {  	[smem:$0x3FAB] =	sst s1  }
0xa: {  	[smem:$0x3FAC] =	sst s2  }
0xb: {  	[smem:$0x3FAD] =	sst s3  }
0xc: {  	[smem:$0x3FAE] =	sst s4  }
0xd: {  	[smem:$0x3FAF] =	sst s5  }
0xe: {  	[smem:$0x3FB0] =	sst s6  }
0xf: {  	[smem:$0x3FB1] =	sst s7  }
0x10: {  	[smem:$0x3FB2] =	sst s8  }
0x11: {  	[smem:$0x3FB3] =	sst s9;
	s0 =	simm.s32 @!p0 $0x0  }
0x12: {  	s1 =	sld [smem:$0x3F99];
	s0 =	simm.s32 @p0 $0x1  }
0x13: {  	[smem:$0x3FB4] =	sst s0;
	s0 =	simm.s32 @!p1 $0x0  }
0x14: {  	s2 =	sld [smem:$0x3F98];
	s0 =	simm.s32 @p1 $0x1  }
0x15: {  	[smem:$0x3FB5] =	sst s0;
	s0 =	simm.s32 @!p2 $0x0  }
0x16: {  	s3 =	sld [smem:$0x3FDB];
	s0 =	simm.s32 @p2 $0x1  }
0x17: {  	s4 =	simm.s32 $0x1BF5;
	[smem:$0x3FB7] =	sst s0  }
0x18: {  	s0 =	sld [smem:$0x3F9A];
	_ =	swait.ge [sflag:s4], $0x0  }
0x19: {  	s7 =	sld [smem:$0x3F9B]  }
0x1a: {  	s8 =	sadd.s32 $0xFFFFE003, lr  }
0x1b: {  	s9 =	sadd.s32 $0xFFFFFEF7, lr;
	s5 =	simm.s32 $0xFFFFFFFF;
	p2 =	slt.u32 s8, $0xFFFFF086  }
0x1c: {  	p1 =	slt.u32 s9, $0xF7A;
	s5 =	simm.s32 @!p2 $0x0  }
0x1d: {  	s5 =	simm.s32 @p1 $0x1;
	p0 =	seq.s32 s7, s2  }
0x1e: {  	s7 =	smul.u32 @!p0 $0xF7A, s2;
	p2 =	seq.s32 @!p0 s5, $0x0  }
0x1f: {  	s9 =	smul.u32 $0xF7A, s1;
	s8 =	simm.s32 @!p0 $0x1BF5;
	p2 =	por !p2, p0  }
0x20: {  	[sflag:s8] =	ssyncset.s32 @!p0 $0xFFFFF086;
	s6 =	sadd.s32 @!p0 s3, s7;
	s7 =	simm.s32 @!p0 $0x108  }
0x21: {  	s3 =	sadd.s32 s3, s9;
	s6 =	sadd.s32 @!p0 $0x88, s6;
	s7 =	simm.s32 @p2 $0x1082  }
0x22: {  	[simem:s7], [sflag:s8] =	dma.local @!p0 [hbm:s6], $0xF7A  }
0x23: {  	s9 =	sor.u32 $0xD0000000, s2;
	s6 =	simm.s32 $0x108;
	_ =	swait.ge @!p0 [sflag:s8], $0x0  }
0x24: {  	s3 =	sadd.s32 $0x88, s3;
	s6 =	simm.s32 @!p1 $0x1082;
	[sflag:s4] =	ssyncset.s32 $0xFFFFF086  }
0x25: {  	[simem:s6], [sflag:s4] =	dma.local [hbm:s3], $0xF7A  }
0x26: {  	[smem:$0x3F9B] =	sst s1;
	(tag) =	ssettag s2;
	_ =	strace s9  }
0x27: {  	s1 =	sld [smem:$0x3FAB]  }
0x28: {  	s2 =	sld [smem:$0x3FAC]  }
0x29: {  	s4 =	sld [smem:$0x3FAE]  }
0x2a: {  	p0 =	seq.s32 s5, $0x0;
	s5 =	sld [smem:$0x3FAF]  }
0x2b: {  	s6 =	sld [smem:$0x3FB0]  }
0x2c: {  	s7 =	sld [smem:$0x3FB1]  }
0x2d: {  	s3 =	simm.s32 $0x108;
	s8 =	sld [smem:$0x3FB2]  }
0x2e: {  	s3 =	simm.s32 @!p0 $0x1082;
	s9 =	sld [smem:$0x3FB3]  }
0x2f: {  	lr =	sadd.s32 s0, s3;
	s0 =	sld [smem:$0x3FAA]  }
0x30: {  	s3 =	sld [smem:$0x3FAD]  }
0x31: {  	[smem:$0x3FB6] =	sst s10  }
0x32: {  	s10 =	sld [smem:$0x3FB4];
	_ =	sdelay $0x3  }
0x33: {  	p0 =	seq.s32 s10, $0x1;
	s10 =	sld [smem:$0x3FB6];
	_ =	sdelay $0x3  }
0x34: {  	[smem:$0x3FB6] =	sst s10  }
0x35: {  	s10 =	sld [smem:$0x3FB5];
	_ =	sdelay $0x3  }
0x36: {  	p1 =	seq.s32 s10, $0x1;
	s10 =	sld [smem:$0x3FB6];
	_ =	sdelay $0x3  }
0x37: {  	[smem:$0x3FB6] =	sst s10  }
0x38: {  	s10 =	sld [smem:$0x3FB7]  }
0x39: {  	_ = 	snop;
	(pc) =	sbr.ind lr, $3  }
0x3a: {  	_ = 	snop  }
0x3b: {  	_ = 	snop  }
0x3c: {  	p2 =	seq.s32 s10, $0x1;
	s10 =	sld [smem:$0x3FB6]  }
0x3d: {  	_ =	shalt  }
0x3e: {  	_ =	shalt  }
0x3f: {  	_ =	shalt  }
0x40: {  	_ =	shalt  }
0x41: {  	_ =	shalt  }
0x42: {  	_ =	shalt  }
0x43: {  	_ =	shalt  }
0x44: {  	_ =	shalt  }
0x45: {  	_ =	shalt  }
0x46: {  	_ =	shalt  }
0x47: {  	_ =	shalt  }
0x48: {  	_ =	shalt  }
0x49: {  	_ =	shalt  }
0x4a: {  	_ =	shalt  }
0x4b: {  	_ =	shalt  }
0x4c: {  	_ =	shalt  }
0x4d: {  	_ =	shalt  }
0x4e: {  	_ =	shalt  }
0x4f: {  	_ =	shalt  }
0x50: {  	_ =	shalt  }
0x51: {  	_ =	shalt  }
0x52: {  	_ =	shalt  }
0x53: {  	_ =	shalt  }
0x54: {  	_ =	shalt  }
0x55: {  	_ =	shalt  }
0x56: {  	_ =	shalt  }
0x57: {  	_ =	shalt  }
0x58: {  	_ =	shalt  }
0x59: {  	_ =	shalt  }
0x5a: {  	_ =	shalt  }
0x5b: {  	_ =	shalt  }
0x5c: {  	_ =	shalt  }
0x5d: {  	_ =	shalt  }
0x5e: {  	_ =	shalt  }
0x5f: {  	_ =	shalt  }
0x60: {  	_ =	shalt  }
0x61: {  	_ =	shalt  }
0x62: {  	_ =	shalt  }
0x63: {  	_ =	shalt  }
0x64: {  	_ =	shalt  }
0x65: {  	_ =	shalt  }
0x66: {  	_ =	shalt  }
0x67: {  	_ =	shalt  }
0x68: {  	_ =	shalt  }
0x69: {  	_ =	shalt  }
0x6a: {  	_ =	shalt  }
0x6b: {  	_ =	shalt  }
0x6c: {  	_ =	shalt  }
0x6d: {  	_ =	shalt  }
0x6e: {  	_ =	shalt  }
0x6f: {  	_ =	shalt  }
0x70: {  	_ =	shalt  }
0x71: {  	_ =	shalt  }
0x72: {  	_ =	shalt  }
0x73: {  	_ =	shalt  }
0x74: {  	_ =	shalt  }
0x75: {  	_ =	shalt  }
0x76: {  	_ =	shalt  }
0x77: {  	_ =	shalt  }
0x78: {  	_ =	shalt  }
0x79: {  	_ =	shalt  }
0x7a: {  	_ =	shalt  }
0x7b: {  	_ =	shalt  }
0x7c: {  	_ =	shalt  }
0x7d: {  	_ =	shalt  }
0x7e: {  	_ =	shalt  }
0x7f: {  	_ =	shalt  }
0x80: {  	_ =	shalt  }
0x81: {  	_ =	shalt  }
0x82: {  	_ =	shalt  }
0x83: {  	_ =	shalt  }
0x84: {  	_ =	shalt  }
0x85: {  	_ =	shalt  }
0x86: {  	_ =	shalt  }
0x87: {  	_ =	shalt  }
.Lfunc_end0:
.L_simem_size_0:
called_computation_lowered:
.L_overlay_start_0:
0x88: {  	s2 =	sld [smem:$0x3FD9]  }
0x89: {  	s3 =	sld [smem:$0x3FFE];
	_ =	sdelay $0x1  }
0x8a: {  	s1 =	srdreg.scid  }
0x8b: {  	s0 =	sand.u32 $0x1, s1  }
0x8c: {  	s17 =	sshll.u32 s0, $0xA;
	s2 =	sadd.s32 s3, s2  }
0x8d: {  	s2 =	sadd.s32 s2, s17  }
0x8e: {  	[smem:$0x3FC2] =	sst s2  }
0x8f: {  	_ = 	snop  }
0x90: {  	(tm) =	ssettm $0x1  }
0x91: {  	s18 =	sld [smem:$0x3FFB];
	_ =	sdelay $0x3  }
0x92: {  	_ =	strace s18  }
0x93: {  	s2 =	sld [smem:$0x3FFC];
	_ =	sdelay $0x3  }
0x94: {  	_ =	strace s2  }
0x95: {  	s2 =	sld [smem:$0x3FFD];
	_ =	sdelay $0x3  }
0x96: {  	_ =	strace s2  }
0x97: {  	_ =	strace $0x8FFFFFFF  }
0x98: {  	s19 =	sld [smem:$0x3FDB];
	_ =	sdelay $0x1  }
0x99: {  	s20 =	simm.s32 $_scs_section_size  }
0x9a: {  	s4 =	simm.s32 $_size__tile_overlayer_lowered;
	s5 =	simm.s32 $_tile_overlayer_lowered  }
0x9b: {  	s6 =	simm.s32 $0x1BFF;
	s21 =	sshll.u32 s5, $0x1;
	s3 =	sadd.s32 s20, s19  }
0x9c: {  	s22 =	simm.s32 $0x0;
	s4 =	sshll.u32 s4, $0x1;
	s5 =	sadd.s32 s21, s3  }
0x9d: {  	[timem:s22], [sflag:s6] =	dma.local [hbm:s5], s4  }
0x9e: {  	_ =	swait.ge [sflag:s6], s4  }
0x9f: {  	s4 =	ssub.s32 $0x0, s4;
	[sflag:s6] =	ssyncset.done $0x0  }
0xa0: {  	[sflag:s6] =	ssyncadd.s32 s4;
	_ =	sdelay $0x1  }
0xa1: {  	s23 =	simm.s32 $0x1B8B  }
0xa2: {  	_ =	swait.ge [sflag:s23], $0x1  }
0xa3: {  	[sflag:s23] =	ssyncset.done $0x0  }
0xa4: {  	[sflag:s23] =	ssyncadd.s32 $0xFFFFFFFF  }
0xa5: {  	s4 =	sld [smem:$0x0]  }
0xa6: {  	s5 =	sand.u32 $0xFFFFFFFE, s1  }
0xa7: {  	p0 =	sne.s32 s1, s5  }
0xa8: {  	s5 =	sshll.u32 @p0 s5, $0xE  }
0xa9: {  	s5 =	sadd.s32 @p0 $0x11B8D, s5;
	s6 =	sshll.u32 @p0 s4, $0x11  }
0xaa: {  	s5 =	sor.u32 @p0 s6, s5  }
0xab: {  	[sflag:s5] =	ssyncadd.remote.s32 @p0 $0x1;
	_ =	sdelay $0x1  }
0xac: {  	s5 =	simm.s32 @p0 $0x1B8D  }
0xad: {  	_ =	swait.eq @p0 [sflag:s5], $0x1  }
0xae: {  	[sflag:s5] =	ssyncadd.s32 @p0 $0xFFFFFFFF  }
0xaf: {  	s6 =	sshll.u32 @!p0 s1, $0xE  }
0xb0: {  	s6 =	sor.u32 @!p0 $0x4000, s6;
	s5 =	simm.s32 @!p0 $0x1B8D  }
0xb1: {  	s4 =	sshll.u32 @!p0 s4, $0x11;
	s6 =	sadd.s32 @!p0 $0x11B8D, s6;
	_ =	swait.eq @!p0 [sflag:s5], $0x1  }
0xb2: {  	s4 =	sor.u32 @!p0 s4, s6;
	[sflag:s5] =	ssyncadd.s32 @!p0 $0xFFFFFFFF  }
0xb3: {  	s25 =	simm.s32 $0x1B8E;
	s24 =	sld [smem:$0x3FFE];
	[sflag:s4] =	ssyncadd.remote.s32 @!p0 $0x1  }
0xb4: {  	s26 =	simm.s32 $execute0_lowered;
	[smem:$0x3FD2] =	sst s25  }
0xb5: {  	s5 =	sshll.u32 s26, $0x1;
	_ =	strace $0x80000049;
	[dreg:$0x1] =	wrdreg $0xFFFFFFFF  }
0xb6: {  	s28 =	simm.s32 $_size_execute0_lowered;
	s3 =	sadd.s32 s3, s5;
	[dreg:$0x0] =	wrdreg $0x0  }
0xb7: {  	s5 =	sshll.u32 s28, $0x1;
	[dreg:$0x2] =	wrdreg s3  }
0xb8: {  	[dreg:$0x3] =	wrdreg s5  }
0xb9: {  	[dreg:$0x4] =	wrdreg $0xC0  }
0xba: {  	_ =	task [dreg:s22], $0x5FFFF  }
0xbb: {  	[dreg:$0x1] =	wrdreg $0xFFFFFFFF  }
0xbc: {  	[dreg:$0x0] =	wrdreg $0x60  }
0xbd: {  	[dreg:$0x2] =	wrdreg s24  }
0xbe: {  	[dreg:$0x3] =	wrdreg $0x9  }
0xbf: {  	_ =	task.clear_ibuf [dreg:s22], $0x4FFFF;
	_ =	strace $0x90000049  }
0xc0: {  	s29 =	simm.s32 $0x9;
	_ =	strace $0x8000004B  }
0xc1: {  	_ =	swait.ge [sflag:s29], $0x1  }
0xc2: {  	[sflag:s29] =	ssyncadd.s32 $0xFFFFFFFF  }
0xc3: {  	_ =	strace $0x9000004B  }
0xc4: {  	_ =	sfence  }
0xc5: {  	s30 =	sld [smem:$0x0];
	_ =	sdelay $0x2  }
0xc6: {  	s31 =	sshll.u32 s1, $0xD;
	s1 =	sshrl.u32 s1, $0x2  }
0xc7: {  	s4 =	sand.u32 $0x4000, s31;
	s1 =	sadd.s32 s1, s30  }
0xc8: {  	s0 =	sor.u32 s4, s0;
	s1 =	sshll.u32 s1, $0x11  }
0xc9: {  	s0 =	sor.u32 s1, s0  }
0xca: {  	s0 =	sadd.s32 $0x8F2B, s0  }
0xcb: {  	[sflag:s0] =	ssyncadd.remote.s32 $0x1  }
0xcc: {  	_ =	sfence.sel $0xFFFF  }
0xcd: {  	[dreg:$0x0] =	wrdreg $0xFFFFFFFF;
	(pc) =	sbr.abs _section_cstart, $3  }
0xce: {  	[dreg:$0x1] =	wrdreg $0xFFFFFFFF  }
0xcf: {  	_ =	task.clear_ibuf [dreg:s22], $0x2FFFF;
	_ =	strace $0x9FFFFFFF  }
0xd0: {  	(tm) =	ssettm $0x7FFFFFFF  }
0xd1: {  	_ =	shalt  }
tec
execute0_lowered:
.L_overlay_start_1:
0x0: {  	(tag) =	ssettag $0x1  }
0x1: {  	s1 =	srdreg.scid;
	s0 =	stileid.u32  }
0x2: {  	s7 =	sand.u32 $0x1, s1;
	s13 =	sshll.u32 s0, $0x1  }
0x3: {  	s5 =	sor.u32 s7, s13  }
0x4: {  	s6 =	rddreg [dreg:$0x0];
	s3 =	sshll.u32 s5, $0x4  }
0x5: {  	s2 =	simm.s32 $0x0;
	s4 =	sadd.s32 s3, s6;
	s3 =	smul.u32 $0x640000, s5  }
0x6: {  	[smem:$0x7FF] =	sst s2;
	s4 =	sadd.s32 $0x1901200, s4  }
0x7: {  	_ =	strace $0x8000004A;
	[dreg:$0x2] =	wrdreg s4;
	s14 =	sor.u32 $0x32000, s3  }
0x8: {  	s15 =	sadd.s32 $0x64000, s3;
	[dreg:$0x3] =	wrdreg s14  }
0x9: {  	s16 =	sadd.s32 $0x96000, s3;
	[dreg:$0x4] =	wrdreg s15  }
0xa: {  	s17 =	sadd.s32 $0xC8000, s3;
	[dreg:$0x5] =	wrdreg s16  }
0xb: {  	s8 =	sshll.u32 s5, $0x5;
	s18 =	sadd.s32 $0xFA000, s3;
	[dreg:$0x6] =	wrdreg s17  }
0xc: {  	s9 =	sor.u32 $0x8, s8;
	s19 =	sadd.s32 $0x12C000, s3;
	[dreg:$0x7] =	wrdreg s18  }
0xd: {  	s10 =	smul.u32 $0x32000, s9;
	s20 =	sadd.s32 $0x15E000, s3;
	[dreg:$0x8] =	wrdreg s19  }
0xe: {  	[dreg:$0x9] =	wrdreg s20  }
0xf: {  	s21 =	sadd.s32 $0x1C2000, s3;
	[dreg:$0xa] =	wrdreg s10  }
0x10: {  	s22 =	sadd.s32 $0x1F4000, s3;
	[dreg:$0xb] =	wrdreg s21  }
0x11: {  	s23 =	sadd.s32 $0x226000, s3;
	[dreg:$0xc] =	wrdreg s22  }
0x12: {  	s24 =	sadd.s32 $0x258000, s3;
	[dreg:$0xd] =	wrdreg s23  }
0x13: {  	s25 =	sadd.s32 $0x28A000, s3;
	[dreg:$0xe] =	wrdreg s24  }
0x14: {  	s31 =	sor.u32 $0x10, s8;
	s26 =	sadd.s32 $0x2BC000, s3;
	[dreg:$0xf] =	wrdreg s25  }
0x15: {  	s11 =	smul.u32 $0x32000, s31;
	s0 =	sadd.s32 $0x2EE000, s3;
	[dreg:$0x10] =	wrdreg s26  }
0x16: {  	[dreg:$0x11] =	wrdreg s0  }
0x17: {  	s28 =	simm.s32 $0x18880;
	s1 =	sadd.s32 $0x352000, s3;
	[dreg:$0x12] =	wrdreg s11  }
0x18: {  	s29 =	simm.s32 $0x1A480;
	s12 =	sadd.s32 $0x3B6000, s3;
	[dreg:$0x13] =	wrdreg s1  }
0x19: {  	s30 =	simm.s32 $0x2;
	s13 =	sadd.s32 $0x3E8000, s3;
	[dreg:$0x15] =	wrdreg s12  }
0x1a: {  	s7 =	ssub.s32 $0x2, s7;
	s11 =	sadd.s32 $0x384000, s3;
	[dreg:$0x16] =	wrdreg s13  }
0x1b: {  	s8 =	sor.u32 $0x18, s8;
	s14 =	sadd.s32 $0x41A000, s3;
	[dreg:$0x14] =	wrdreg s11  }
0x1c: {  	s5 =	smul.u32 $0x7000, s5;
	s15 =	sadd.s32 $0x44C000, s3;
	[dreg:$0x17] =	wrdreg s14  }
0x1d: {  	s4 =	sadd.s32 $0x1200, s6;
	s16 =	sadd.s32 $0x47E000, s3;
	[dreg:$0x18] =	wrdreg s15  }
0x1e: {  	s12 =	smul.u32 $0x32000, s8;
	s18 =	sadd.s32 $0x4E2000, s3;
	[dreg:$0x19] =	wrdreg s16  }
0x1f: {  	s13 =	sadd.s32 $0x1901400, s6;
	s20 =	sadd.s32 $0x514000, s3;
	[dreg:$0x1b] =	wrdreg s18  }
0x20: {  	s17 =	sshrl.u32 s7, $0x1;
	s21 =	sadd.s32 $0x546000, s3;
	[dreg:$0x1c] =	wrdreg s20  }
0x21: {  	s22 =	smul.u32 $0x380, s9;
	s23 =	sadd.s32 $0x578000, s3;
	[dreg:$0x1d] =	wrdreg s21  }
0x22: {  	s24 =	smul.u32 $0x380, s31;
	s25 =	sadd.s32 $0x5AA000, s3;
	[dreg:$0x1e] =	wrdreg s23  }
0x23: {  	s26 =	sadd.s32 $0x5DC000, s3;
	s8 =	smul.u32 $0x380, s8;
	[dreg:$0x1f] =	wrdreg s25  }
0x24: {  	s31 =	sadd.s32 $0x60E000, s3;
	s10 =	simm.s32 $0x3;
	[smem:$0x7FC] =	sst s26  }
0x25: {  	s19 =	ssub.s32 s7, s17;
	s5 =	sadd.s32 s13, s5;
	[smem:$0x7FD] =	sst s31  }
0x26: {  	s11 =	simm.s32 $0x1000;
	s14 =	simm.s32 $0x3880;
	s15 =	simm.s32 $0x5480  }
0x27: {  	s16 =	simm.s32 $0x7080;
	s17 =	simm.s32 $0x8C80;
	s18 =	simm.s32 $0xA880  }
0x28: {  	s20 =	simm.s32 $0x1;
	s21 =	simm.s32 $0xE080;
	s23 =	simm.s32 $0x11880  }
0x29: {  	s25 =	simm.s32 $0x15080;
	s26 =	simm.s32 $0x16C80;
	[dreg:$0x1a] =	wrdreg s12  }
0x2a: {  	s6 =	sadd.s32 s13, s22;
	s7 =	sadd.s32 s13, s24;
	s8 =	sadd.s32 s13, s8  }
0x2b: {  	s9 =	smax.u32 s19, $0x1;
	s12 =	simm.s32 $0x80;
	s13 =	simm.s32 $0x1C80  }
0x2c: {  	s19 =	simm.s32 $0xC480;
	s22 =	simm.s32 $0xFC80;
	s24 =	simm.s32 $0x13480  }
.LBB2_1:
0x2d: {  	s31 =	rddreg [dreg:$0x2]  }
0x2e: {  	[tilespmem:s2], [sflag:$0x3] =	stream.linear.gather [hbm4b:s31+s2], $0x80, $0x38;
	[tilespmem:$0x1C080] =	vst v63  }
0x2f: {  	_ =	swait.ge [sflag:s10], $0x80  }
0x30: {  	[sflag:s10] =	ssyncset.done $0x0  }
0x31: {  	[sflag:s10] =	ssyncadd.s32 $0xFFFFFF80  }
0x32: {  	v0 =	vld [tilespmem:$0x0];
	_ =	sdelay $0x4  }
0x33: {  	v1 =	vshll.u32 v0, $0x7  }
0x34: {  	(v2sf) =	vpush v1, $0x0;
	_ =	sdelay $0x9  }
0x35: {  	(v2sf) =	vpush v1, $0x1;
	_ =	sdelay $0x4  }
0x36: {  	s0 =	spop (v2sf);
	(v2sf) =	vpush v1, $0x2;
	_ =	sdelay $0x4  }
0x37: {  	(v2sf) =	vpush v1, $0x3  }
0x38: {  	s1 =	sand.u32 $0xFFFFFC00, s0  }
0x39: {  	s31 =	sand.u32 $0x380, s0;
	s1 =	sadd.s32 s3, s1  }
0x3a: {  	s1 =	sor.u32 s31, s1  }
0x3b: {  	s1 =	sshrl.u32 s1, $0x3  }
0x3c: {  	s31 =	spop (v2sf);
	s1 =	sadd.s32 s4, s1  }
0x3d: {  	v63 =	vld [tilespmem:$0x10];
	[tilespmem:s12], [sflag:$0x1] =	stream.strided.gather [hbm4b:s1+s12], $0x1900, s11, s12, $0x38  }
0x3e: {  	s0 =	sand.u32 $0xFFFFFC00, s31;
	s1 =	rddreg [dreg:$0x3]  }
0x3f: {  	s31 =	sand.u32 $0x380, s31;
	s0 =	sadd.s32 s0, s1  }
0x40: {  	s0 =	sor.u32 s31, s0  }
0x41: {  	s0 =	sshrl.u32 s0, $0x3;
	s1 =	spop (v2sf);
	(v2sf) =	vpush v1, $0x4  }
0x42: {  	s0 =	sadd.s32 s4, s0  }
0x43: {  	[tilespmem:s13], [sflag:$0x1] =	stream.strided.gather [hbm4b:s0+s12], $0x1900, s11, s12, $0x38;
	[tilespmem:$0x1C080] =	vst v63  }
0x44: {  	s0 =	rddreg [dreg:$0x4];
	s31 =	sand.u32 $0xFFFFFC00, s1  }
0x45: {  	s1 =	sand.u32 $0x380, s1;
	s0 =	sadd.s32 s31, s0  }
0x46: {  	s0 =	sor.u32 s1, s0;
	s1 =	spop (v2sf);
	(v2sf) =	vpush v1, $0x5;
	_ =	sdelay $0x3  }
0x47: {  	s0 =	sshrl.u32 s0, $0x3  }
0x48: {  	s0 =	sadd.s32 s4, s0  }
0x49: {  	[tilespmem:s14], [sflag:$0x1] =	stream.strided.gather [hbm4b:s0+s12], $0x1900, s11, s12, $0x38;
	[tilespmem:$0x1C080] =	vst v63  }
0x4a: {  	s31 =	sand.u32 $0xFFFFFC00, s1;
	s0 =	rddreg [dreg:$0x5]  }
0x4b: {  	s1 =	sand.u32 $0x380, s1;
	s0 =	sadd.s32 s31, s0  }
0x4c: {  	s0 =	sor.u32 s1, s0  }
0x4d: {  	s0 =	sshrl.u32 s0, $0x3;
	s1 =	spop (v2sf);
	(v2sf) =	vpush v1, $0x6  }
0x4e: {  	s0 =	sadd.s32 s4, s0  }
0x4f: {  	[tilespmem:s15], [sflag:$0x1] =	stream.strided.gather [hbm4b:s0+s12], $0x1900, s11, s12, $0x38;
	[tilespmem:$0x1C080] =	vst v63  }
0x50: {  	s0 =	rddreg [dreg:$0x6];
	s31 =	sand.u32 $0xFFFFFC00, s1  }
0x51: {  	s1 =	sand.u32 $0x380, s1;
	s0 =	sadd.s32 s31, s0  }
0x52: {  	s0 =	sor.u32 s1, s0;
	s1 =	spop (v2sf);
	(v2sf) =	vpush v1, $0x7  }
0x53: {  	s0 =	sshrl.u32 s0, $0x3  }
0x54: {  	s0 =	sadd.s32 s4, s0  }
0x55: {  	[tilespmem:s16], [sflag:$0x1] =	stream.strided.gather [hbm4b:s0+s12], $0x1900, s11, s12, $0x38;
	[tilespmem:$0x1C080] =	vst v63  }
0x56: {  	s31 =	sand.u32 $0xFFFFFC00, s1;
	s0 =	rddreg [dreg:$0x7]  }
0x57: {  	s1 =	sand.u32 $0x380, s1;
	s0 =	sadd.s32 s31, s0  }
0x58: {  	s0 =	sor.u32 s1, s0  }
0x59: {  	s0 =	sshrl.u32 s0, $0x3  }
0x5a: {  	s0 =	sadd.s32 s4, s0  }
0x5b: {  	[tilespmem:s17], [sflag:$0x1] =	stream.strided.gather [hbm4b:s0+s12], $0x1900, s11, s12, $0x38;
	[tilespmem:$0x1C080] =	vst v63  }
0x5c: {  	s1 =	spop (v2sf)  }
0x5d: {  	s0 =	rddreg [dreg:$0x8];
	s31 =	sand.u32 $0xFFFFFC00, s1  }
0x5e: {  	s1 =	sand.u32 $0x380, s1;
	s0 =	sadd.s32 s31, s0  }
0x5f: {  	s0 =	sor.u32 s1, s0  }
0x60: {  	s0 =	sshrl.u32 s0, $0x3  }
0x61: {  	s1 =	spop (v2sf);
	s0 =	sadd.s32 s4, s0  }
0x62: {  	[tilespmem:s18], [sflag:$0x1] =	stream.strided.gather [hbm4b:s0+s12], $0x1900, s11, s12, $0x38;
	[tilespmem:$0x1C080] =	vst v63  }
0x63: {  	s31 =	sand.u32 $0xFFFFFC00, s1;
	s0 =	rddreg [dreg:$0x9]  }
0x64: {  	s1 =	sand.u32 $0x380, s1;
	s0 =	sadd.s32 s31, s0  }
0x65: {  	s0 =	sor.u32 s1, s0  }
0x66: {  	s0 =	sshrl.u32 s0, $0x3  }
0x67: {  	s0 =	sadd.s32 s4, s0  }
0x68: {  	[tilespmem:s19], [sflag:$0x1] =	stream.strided.gather [hbm4b:s0+s12], $0x1900, s11, s12, $0x38;
	[tilespmem:$0x1C080] =	vst v63  }
0x69: {  	_ =	swait.ge [sflag:s20], $0x1900  }
0x6a: {  	[sflag:s20] =	ssyncset.done $0x0  }
0x6b: {  	[sflag:s20] =	ssyncadd.s32 $0xFFFFE700  }
0x6c: {  	_ =	swait.ge [sflag:s20], $0x1900  }
0x6d: {  	[sflag:s20] =	ssyncset.done $0x0  }
0x6e: {  	[sflag:s20] =	ssyncadd.s32 $0xFFFFE700  }
0x6f: {  	_ =	swait.ge [sflag:s20], $0x1900  }
0x70: {  	[sflag:s20] =	ssyncset.done $0x0  }
0x71: {  	[sflag:s20] =	ssyncadd.s32 $0xFFFFE700  }
0x72: {  	_ =	swait.ge [sflag:s20], $0x1900  }
0x73: {  	[sflag:s20] =	ssyncset.done $0x0  }
0x74: {  	[sflag:s20] =	ssyncadd.s32 $0xFFFFE700  }
0x75: {  	_ =	swait.ge [sflag:s20], $0x1900  }
0x76: {  	[sflag:s20] =	ssyncset.done $0x0  }
0x77: {  	[sflag:s20] =	ssyncadd.s32 $0xFFFFE700  }
0x78: {  	_ =	swait.ge [sflag:s20], $0x1900  }
0x79: {  	[sflag:s20] =	ssyncset.done $0x0  }
0x7a: {  	[sflag:s20] =	ssyncadd.s32 $0xFFFFE700  }
0x7b: {  	_ =	swait.ge [sflag:s20], $0x1900  }
0x7c: {  	[sflag:s20] =	ssyncset.done $0x0  }
0x7d: {  	[sflag:s20] =	ssyncadd.s32 $0xFFFFE700  }
0x7e: {  	_ =	swait.ge [sflag:s20], $0x1900  }
0x7f: {  	[sflag:s20] =	ssyncset.done $0x0  }
0x80: {  	[sflag:s20] =	ssyncadd.s32 $0xFFFFE700  }
0x81: {  	(v2sf) =	vpush v1, $0x8;
	[hbm4b:s5+s2] =	stream.linear.scatter [tilespmem:s12], [sflag:$0x2], $0x1900, $0x38;
	[tilespmem:$0x1C080] =	vst v63  }
0x82: {  	s1 =	sadd.s32 $0x380, s5  }
0x83: {  	[hbm4b:s1+s2] =	stream.linear.scatter [tilespmem:s13], [sflag:$0x2], $0x1900, $0x38;
	[tilespmem:$0x1C080] =	vst v63  }
0x84: {  	s31 =	sadd.s32 $0x700, s5;
	(v2sf) =	vpush v1, $0x9  }
0x85: {  	[hbm4b:s31+s2] =	stream.linear.scatter [tilespmem:s14], [sflag:$0x2], $0x1900, $0x38;
	[tilespmem:$0x1C080] =	vst v63  }
0x86: {  	s1 =	sadd.s32 $0xA80, s5  }
0x87: {  	[hbm4b:s1+s2] =	stream.linear.scatter [tilespmem:s15], [sflag:$0x2], $0x1900, $0x38;
	[tilespmem:$0x1C080] =	vst v63  }
0x88: {  	s31 =	sadd.s32 $0xE00, s5  }
0x89: {  	[hbm4b:s31+s2] =	stream.linear.scatter [tilespmem:s16], [sflag:$0x2], $0x1900, $0x38;
	[tilespmem:$0x1C080] =	vst v63  }
0x8a: {  	s1 =	sadd.s32 $0x1180, s5  }
0x8b: {  	(v2sf) =	vpush v1, $0xA;
	[hbm4b:s1+s2] =	stream.linear.scatter [tilespmem:s17], [sflag:$0x2], $0x1900, $0x38;
	[tilespmem:$0x1C080] =	vst v63  }
0x8c: {  	s31 =	sadd.s32 $0x1500, s5  }
0x8d: {  	[hbm4b:s31+s2] =	stream.linear.scatter [tilespmem:s18], [sflag:$0x2], $0x1900, $0x38;
	[tilespmem:$0x1C080] =	vst v63  }
0x8e: {  	s1 =	sadd.s32 $0x1880, s5  }
0x8f: {  	[hbm4b:s1+s2] =	stream.linear.scatter [tilespmem:s19], [sflag:$0x2], $0x1900, $0x38;
	[tilespmem:$0x1C080] =	vst v63  }
0x90: {  	s1 =	spop (v2sf)  }
0x91: {  	s0 =	rddreg [dreg:$0xa];
	s31 =	sand.u32 $0xFFFFFC00, s1  }
0x92: {  	s1 =	sand.u32 $0x380, s1;
	s0 =	sadd.s32 s0, s31  }
0x93: {  	s0 =	sor.u32 s1, s0;
	s1 =	spop (v2sf);
	(v2sf) =	vpush v1, $0xB;
	_ =	sdelay $0x1  }
0x94: {  	s0 =	sshrl.u32 s0, $0x3  }
0x95: {  	s0 =	sadd.s32 s4, s0  }
0x96: {  	[tilespmem:s21], [sflag:$0x1] =	stream.strided.gather [hbm4b:s0+s12], $0x1900, s11, s12, $0x38;
	[tilespmem:$0x1C080] =	vst v63  }
0x97: {  	s31 =	sand.u32 $0xFFFFFC00, s1;
	s0 =	rddreg [dreg:$0xb]  }
0x98: {  	s1 =	sand.u32 $0x380, s1;
	s0 =	sadd.s32 s31, s0  }
0x99: {  	s0 =	sor.u32 s1, s0;
	s1 =	spop (v2sf);
	(v2sf) =	vpush v1, $0xC;
	_ =	sdelay $0x2  }
0x9a: {  	s0 =	sshrl.u32 s0, $0x3  }
0x9b: {  	s0 =	sadd.s32 s4, s0  }
0x9c: {  	[tilespmem:s22], [sflag:$0x1] =	stream.strided.gather [hbm4b:s0+s12], $0x1900, s11, s12, $0x38;
	[tilespmem:$0x1C080] =	vst v63  }
0x9d: {  	s31 =	sand.u32 $0xFFFFFC00, s1;
	s0 =	rddreg [dreg:$0xc]  }
0x9e: {  	s1 =	sand.u32 $0x380, s1;
	s0 =	sadd.s32 s31, s0  }
0x9f: {  	s0 =	sor.u32 s1, s0;
	s1 =	spop (v2sf);
	(v2sf) =	vpush v1, $0xD;
	_ =	sdelay $0x1  }
0xa0: {  	s0 =	sshrl.u32 s0, $0x3  }
0xa1: {  	s0 =	sadd.s32 s4, s0  }
0xa2: {  	[tilespmem:s23], [sflag:$0x1] =	stream.strided.gather [hbm4b:s0+s12], $0x1900, s11, s12, $0x38;
	[tilespmem:$0x1C080] =	vst v63  }
0xa3: {  	s0 =	rddreg [dreg:$0xd];
	s31 =	sand.u32 $0xFFFFFC00, s1  }
0xa4: {  	s1 =	sand.u32 $0x380, s1;
	s0 =	sadd.s32 s31, s0  }
0xa5: {  	s0 =	sor.u32 s1, s0;
	s1 =	spop (v2sf);
	(v2sf) =	vpush v1, $0xE;
	_ =	sdelay $0x1  }
0xa6: {  	s0 =	sshrl.u32 s0, $0x3  }
0xa7: {  	s0 =	sadd.s32 s4, s0  }
0xa8: {  	[tilespmem:s24], [sflag:$0x1] =	stream.strided.gather [hbm4b:s0+s12], $0x1900, s11, s12, $0x38;
	[tilespmem:$0x1C080] =	vst v63  }
0xa9: {  	s0 =	rddreg [dreg:$0xe];
	s31 =	sand.u32 $0xFFFFFC00, s1  }
0xaa: {  	s1 =	sand.u32 $0x380, s1;
	s0 =	sadd.s32 s31, s0  }
0xab: {  	s0 =	sor.u32 s1, s0  }
0xac: {  	s0 =	sshrl.u32 s0, $0x3;
	s1 =	spop (v2sf);
	(v2sf) =	vpush v1, $0xF  }
0xad: {  	s0 =	sadd.s32 s4, s0  }
0xae: {  	[tilespmem:s25], [sflag:$0x1] =	stream.strided.gather [hbm4b:s0+s12], $0x1900, s11, s12, $0x38;
	[tilespmem:$0x1C080] =	vst v63  }
0xaf: {  	s0 =	rddreg [dreg:$0xf];
	s31 =	sand.u32 $0xFFFFFC00, s1  }
0xb0: {  	s1 =	sand.u32 $0x380, s1;
	s0 =	sadd.s32 s31, s0  }
0xb1: {  	s0 =	sor.u32 s1, s0  }
0xb2: {  	s0 =	sshrl.u32 s0, $0x3  }
0xb3: {  	s0 =	sadd.s32 s4, s0;
	s1 =	spop (v2sf)  }
0xb4: {  	[tilespmem:s26], [sflag:$0x1] =	stream.strided.gather [hbm4b:s0+s12], $0x1900, s11, s12, $0x38;
	[tilespmem:$0x1C080] =	vst v63  }
0xb5: {  	s0 =	rddreg [dreg:$0x10];
	s31 =	sand.u32 $0xFFFFFC00, s1  }
0xb6: {  	s1 =	sand.u32 $0x380, s1;
	s0 =	sadd.s32 s31, s0  }
0xb7: {  	s0 =	sor.u32 s1, s0  }
0xb8: {  	s0 =	sshrl.u32 s0, $0x3  }
0xb9: {  	s0 =	sadd.s32 s4, s0  }
0xba: {  	[tilespmem:s28], [sflag:$0x1] =	stream.strided.gather [hbm4b:s0+s12], $0x1900, s11, s12, $0x38;
	[tilespmem:$0x1C080] =	vst v63  }
0xbb: {  	s1 =	spop (v2sf)  }
0xbc: {  	s0 =	rddreg [dreg:$0x11];
	s31 =	sand.u32 $0xFFFFFC00, s1  }
0xbd: {  	s1 =	sand.u32 $0x380, s1;
	s0 =	sadd.s32 s31, s0  }
0xbe: {  	s0 =	sor.u32 s1, s0  }
0xbf: {  	s0 =	sshrl.u32 s0, $0x3  }
0xc0: {  	s0 =	sadd.s32 s4, s0  }
0xc1: {  	[tilespmem:s29], [sflag:$0x1] =	stream.strided.gather [hbm4b:s0+s12], $0x1900, s11, s12, $0x38;
	[tilespmem:$0x1C080] =	vst v63  }
0xc2: {  	_ =	swait.ge [sflag:s20], $0x1900  }
0xc3: {  	[sflag:s20] =	ssyncset.done $0x0  }
0xc4: {  	[sflag:s20] =	ssyncadd.s32 $0xFFFFE700  }
0xc5: {  	_ =	swait.ge [sflag:s20], $0x1900  }
0xc6: {  	[sflag:s20] =	ssyncset.done $0x0  }
0xc7: {  	[sflag:s20] =	ssyncadd.s32 $0xFFFFE700  }
0xc8: {  	_ =	swait.ge [sflag:s20], $0x1900  }
0xc9: {  	[sflag:s20] =	ssyncset.done $0x0  }
0xca: {  	[sflag:s20] =	ssyncadd.s32 $0xFFFFE700  }
0xcb: {  	_ =	swait.ge [sflag:s20], $0x1900  }
0xcc: {  	[sflag:s20] =	ssyncset.done $0x0  }
0xcd: {  	[sflag:s20] =	ssyncadd.s32 $0xFFFFE700  }
0xce: {  	_ =	swait.ge [sflag:s20], $0x1900  }
0xcf: {  	[sflag:s20] =	ssyncset.done $0x0  }
0xd0: {  	[sflag:s20] =	ssyncadd.s32 $0xFFFFE700  }
0xd1: {  	_ =	swait.ge [sflag:s20], $0x1900  }
0xd2: {  	[sflag:s20] =	ssyncset.done $0x0  }
0xd3: {  	[sflag:s20] =	ssyncadd.s32 $0xFFFFE700  }
0xd4: {  	_ =	swait.ge [sflag:s20], $0x1900  }
0xd5: {  	[sflag:s20] =	ssyncset.done $0x0  }
0xd6: {  	[sflag:s20] =	ssyncadd.s32 $0xFFFFE700  }
0xd7: {  	_ =	swait.ge [sflag:s20], $0x1900  }
0xd8: {  	[sflag:s20] =	ssyncset.done $0x0  }
0xd9: {  	[sflag:s20] =	ssyncadd.s32 $0xFFFFE700  }
0xda: {  	[hbm4b:s6+s2] =	stream.linear.scatter [tilespmem:s21], [sflag:$0x2], $0x1900, $0x38;
	[tilespmem:$0x1C080] =	vst v63  }
0xdb: {  	s31 =	sadd.s32 $0x380, s6  }
0xdc: {  	[hbm4b:s31+s2] =	stream.linear.scatter [tilespmem:s22], [sflag:$0x2], $0x1900, $0x38;
	[tilespmem:$0x1C080] =	vst v63  }
0xdd: {  	s1 =	sadd.s32 $0x700, s6  }
0xde: {  	[hbm4b:s1+s2] =	stream.linear.scatter [tilespmem:s23], [sflag:$0x2], $0x1900, $0x38;
	[tilespmem:$0x1C080] =	vst v63  }
0xdf: {  	s31 =	sadd.s32 $0xA80, s6  }
0xe0: {  	[hbm4b:s31+s2] =	stream.linear.scatter [tilespmem:s24], [sflag:$0x2], $0x1900, $0x38;
	[tilespmem:$0x1C080] =	vst v63  }
0xe1: {  	s1 =	sadd.s32 $0xE00, s6  }
0xe2: {  	[hbm4b:s1+s2] =	stream.linear.scatter [tilespmem:s25], [sflag:$0x2], $0x1900, $0x38;
	[tilespmem:$0x1C080] =	vst v63  }
0xe3: {  	s31 =	sadd.s32 $0x1180, s6  }
0xe4: {  	[hbm4b:s31+s2] =	stream.linear.scatter [tilespmem:s26], [sflag:$0x2], $0x1900, $0x38;
	[tilespmem:$0x1C080] =	vst v63  }
0xe5: {  	s1 =	sadd.s32 $0x1500, s6  }
0xe6: {  	[hbm4b:s1+s2] =	stream.linear.scatter [tilespmem:s28], [sflag:$0x2], $0x1900, $0x38;
	[tilespmem:$0x1C080] =	vst v63  }
0xe7: {  	s31 =	sadd.s32 $0x1880, s6  }
0xe8: {  	[hbm4b:s31+s2] =	stream.linear.scatter [tilespmem:s29], [sflag:$0x2], $0x1900, $0x38;
	[tilespmem:$0x1C080] =	vst v63  }
0xe9: {  	v0 =	vshll.u32 v63, $0x7;
	_ =	swait.ge [sflag:s30], $0xC800  }
0xea: {  	(v2sf) =	vpush v0, $0x0;
	_ =	sdelay $0x2  }
0xeb: {  	(v2sf) =	vpush v0, $0x1;
	_ =	sdelay $0x6  }
0xec: {  	(v2sf) =	vpush v0, $0x2;
	_ =	sdelay $0x4  }
0xed: {  	s1 =	spop (v2sf)  }
0xee: {  	s0 =	rddreg [dreg:$0x12];
	s31 =	sand.u32 $0xFFFFFC00, s1  }
0xef: {  	s1 =	sand.u32 $0x380, s1;
	s0 =	sadd.s32 s0, s31  }
0xf0: {  	s0 =	sor.u32 s1, s0;
	s1 =	spop (v2sf);
	(v2sf) =	vpush v0, $0x3;
	_ =	sdelay $0x1  }
0xf1: {  	[sflag:s30] =	ssyncset.done $0x0;
	s0 =	sshrl.u32 s0, $0x3  }
0xf2: {  	[sflag:s30] =	ssyncadd.s32 $0xFFFF3800;
	s0 =	sadd.s32 s4, s0  }
0xf3: {  	[tilespmem:s12], [sflag:$0x1] =	stream.strided.gather [hbm4b:s0+s12], $0x1900, s11, s12, $0x38;
	[tilespmem:$0x1C080] =	vst v63  }
0xf4: {  	s31 =	sand.u32 $0xFFFFFC00, s1;
	s0 =	rddreg [dreg:$0x13]  }
0xf5: {  	s1 =	sand.u32 $0x380, s1;
	s0 =	sadd.s32 s31, s0  }
0xf6: {  	s0 =	sor.u32 s1, s0;
	s1 =	spop (v2sf);
	(v2sf) =	vpush v0, $0x4;
	_ =	sdelay $0x2  }
0xf7: {  	s0 =	sshrl.u32 s0, $0x3  }
0xf8: {  	s0 =	sadd.s32 s4, s0  }
0xf9: {  	[tilespmem:s13], [sflag:$0x1] =	stream.strided.gather [hbm4b:s0+s12], $0x1900, s11, s12, $0x38;
	[tilespmem:$0x1C080] =	vst v63  }
0xfa: {  	s31 =	sand.u32 $0xFFFFFC00, s1;
	s0 =	rddreg [dreg:$0x14]  }
0xfb: {  	s1 =	sand.u32 $0x380, s1;
	s0 =	sadd.s32 s31, s0  }
0xfc: {  	s0 =	sor.u32 s1, s0;
	s1 =	spop (v2sf);
	(v2sf) =	vpush v0, $0x5;
	_ =	sdelay $0x1  }
0xfd: {  	s0 =	sshrl.u32 s0, $0x3  }
0xfe: {  	s0 =	sadd.s32 s4, s0  }
0xff: {  	[tilespmem:s14], [sflag:$0x1] =	stream.strided.gather [hbm4b:s0+s12], $0x1900, s11, s12, $0x38;
	[tilespmem:$0x1C080] =	vst v63  }
0x100: {  	s0 =	rddreg [dreg:$0x15];
	s31 =	sand.u32 $0xFFFFFC00, s1  }
0x101: {  	s1 =	sand.u32 $0x380, s1;
	s0 =	sadd.s32 s31, s0  }
0x102: {  	s0 =	sor.u32 s1, s0;
	s1 =	spop (v2sf);
	(v2sf) =	vpush v0, $0x6;
	_ =	sdelay $0x1  }
0x103: {  	s0 =	sshrl.u32 s0, $0x3  }
0x104: {  	s0 =	sadd.s32 s4, s0  }
0x105: {  	[tilespmem:s15], [sflag:$0x1] =	stream.strided.gather [hbm4b:s0+s12], $0x1900, s11, s12, $0x38;
	[tilespmem:$0x1C080] =	vst v63  }
0x106: {  	s0 =	rddreg [dreg:$0x16];
	s31 =	sand.u32 $0xFFFFFC00, s1  }
0x107: {  	s1 =	sand.u32 $0x380, s1;
	s0 =	sadd.s32 s31, s0  }
0x108: {  	s0 =	sor.u32 s1, s0  }
0x109: {  	s0 =	sshrl.u32 s0, $0x3;
	s1 =	spop (v2sf);
	(v2sf) =	vpush v0, $0x7  }
0x10a: {  	s0 =	sadd.s32 s4, s0  }
0x10b: {  	[tilespmem:s16], [sflag:$0x1] =	stream.strided.gather [hbm4b:s0+s12], $0x1900, s11, s12, $0x38;
	[tilespmem:$0x1C080] =	vst v63  }
0x10c: {  	s0 =	rddreg [dreg:$0x17];
	s31 =	sand.u32 $0xFFFFFC00, s1  }
0x10d: {  	s1 =	sand.u32 $0x380, s1;
	s0 =	sadd.s32 s31, s0  }
0x10e: {  	s0 =	sor.u32 s1, s0  }
0x10f: {  	s0 =	sshrl.u32 s0, $0x3  }
0x110: {  	s0 =	sadd.s32 s4, s0;
	s1 =	spop (v2sf)  }
0x111: {  	[tilespmem:s17], [sflag:$0x1] =	stream.strided.gather [hbm4b:s0+s12], $0x1900, s11, s12, $0x38;
	[tilespmem:$0x1C080] =	vst v63  }
0x112: {  	s0 =	rddreg [dreg:$0x18];
	s31 =	sand.u32 $0xFFFFFC00, s1  }
0x113: {  	s1 =	sand.u32 $0x380, s1;
	s0 =	sadd.s32 s31, s0  }
0x114: {  	s0 =	sor.u32 s1, s0  }
0x115: {  	s0 =	sshrl.u32 s0, $0x3  }
0x116: {  	s0 =	sadd.s32 s4, s0  }
0x117: {  	[tilespmem:s18], [sflag:$0x1] =	stream.strided.gather [hbm4b:s0+s12], $0x1900, s11, s12, $0x38;
	[tilespmem:$0x1C080] =	vst v63  }
0x118: {  	s1 =	spop (v2sf)  }
0x119: {  	s0 =	rddreg [dreg:$0x19];
	s31 =	sand.u32 $0xFFFFFC00, s1  }
0x11a: {  	s1 =	sand.u32 $0x380, s1;
	s0 =	sadd.s32 s31, s0  }
0x11b: {  	s0 =	sor.u32 s1, s0  }
0x11c: {  	s0 =	sshrl.u32 s0, $0x3  }
0x11d: {  	s0 =	sadd.s32 s4, s0  }
0x11e: {  	[tilespmem:s19], [sflag:$0x1] =	stream.strided.gather [hbm4b:s0+s12], $0x1900, s11, s12, $0x38;
	[tilespmem:$0x1C080] =	vst v63  }
0x11f: {  	_ =	swait.ge [sflag:s20], $0x1900  }
0x120: {  	[sflag:s20] =	ssyncset.done $0x0  }
0x121: {  	[sflag:s20] =	ssyncadd.s32 $0xFFFFE700  }
0x122: {  	_ =	swait.ge [sflag:s20], $0x1900  }
0x123: {  	[sflag:s20] =	ssyncset.done $0x0  }
0x124: {  	[sflag:s20] =	ssyncadd.s32 $0xFFFFE700  }
0x125: {  	_ =	swait.ge [sflag:s20], $0x1900  }
0x126: {  	[sflag:s20] =	ssyncset.done $0x0  }
0x127: {  	[sflag:s20] =	ssyncadd.s32 $0xFFFFE700  }
0x128: {  	_ =	swait.ge [sflag:s20], $0x1900  }
0x129: {  	[sflag:s20] =	ssyncset.done $0x0  }
0x12a: {  	[sflag:s20] =	ssyncadd.s32 $0xFFFFE700  }
0x12b: {  	_ =	swait.ge [sflag:s20], $0x1900  }
0x12c: {  	[sflag:s20] =	ssyncset.done $0x0  }
0x12d: {  	[sflag:s20] =	ssyncadd.s32 $0xFFFFE700  }
0x12e: {  	_ =	swait.ge [sflag:s20], $0x1900  }
0x12f: {  	[sflag:s20] =	ssyncset.done $0x0  }
0x130: {  	[sflag:s20] =	ssyncadd.s32 $0xFFFFE700  }
0x131: {  	_ =	swait.ge [sflag:s20], $0x1900  }
0x132: {  	[sflag:s20] =	ssyncset.done $0x0  }
0x133: {  	[sflag:s20] =	ssyncadd.s32 $0xFFFFE700  }
0x134: {  	_ =	swait.ge [sflag:s20], $0x1900  }
0x135: {  	[sflag:s20] =	ssyncset.done $0x0  }
0x136: {  	[sflag:s20] =	ssyncadd.s32 $0xFFFFE700  }
0x137: {  	[hbm4b:s7+s2] =	stream.linear.scatter [tilespmem:s12], [sflag:$0x2], $0x1900, $0x38;
	[tilespmem:$0x1C080] =	vst v63  }
0x138: {  	s1 =	sadd.s32 $0x380, s7  }
0x139: {  	[hbm4b:s1+s2] =	stream.linear.scatter [tilespmem:s13], [sflag:$0x2], $0x1900, $0x38;
	[tilespmem:$0x1C080] =	vst v63  }
0x13a: {  	s31 =	sadd.s32 $0x700, s7  }
0x13b: {  	[hbm4b:s31+s2] =	stream.linear.scatter [tilespmem:s14], [sflag:$0x2], $0x1900, $0x38;
	[tilespmem:$0x1C080] =	vst v63  }
0x13c: {  	s1 =	sadd.s32 $0xA80, s7  }
0x13d: {  	[hbm4b:s1+s2] =	stream.linear.scatter [tilespmem:s15], [sflag:$0x2], $0x1900, $0x38;
	[tilespmem:$0x1C080] =	vst v63  }
0x13e: {  	s31 =	sadd.s32 $0xE00, s7  }
0x13f: {  	[hbm4b:s31+s2] =	stream.linear.scatter [tilespmem:s16], [sflag:$0x2], $0x1900, $0x38;
	[tilespmem:$0x1C080] =	vst v63  }
0x140: {  	s1 =	sadd.s32 $0x1180, s7  }
0x141: {  	[hbm4b:s1+s2] =	stream.linear.scatter [tilespmem:s17], [sflag:$0x2], $0x1900, $0x38;
	[tilespmem:$0x1C080] =	vst v63  }
0x142: {  	s31 =	sadd.s32 $0x1500, s7  }
0x143: {  	[hbm4b:s31+s2] =	stream.linear.scatter [tilespmem:s18], [sflag:$0x2], $0x1900, $0x38;
	[tilespmem:$0x1C080] =	vst v63  }
0x144: {  	s1 =	sadd.s32 $0x1880, s7  }
0x145: {  	[hbm4b:s1+s2] =	stream.linear.scatter [tilespmem:s19], [sflag:$0x2], $0x1900, $0x38;
	[tilespmem:$0x1C080] =	vst v63  }
0x146: {  	_ =	swait.ge [sflag:s30], $0xC800  }
0x147: {  	(v2sf) =	vpush v0, $0x8;
	_ =	sdelay $0x4  }
0x148: {  	(v2sf) =	vpush v0, $0x9;
	_ =	sdelay $0x5  }
0x149: {  	(v2sf) =	vpush v0, $0xA;
	_ =	sdelay $0x3  }
0x14a: {  	s1 =	spop (v2sf)  }
0x14b: {  	s0 =	rddreg [dreg:$0x1a];
	s31 =	sand.u32 $0xFFFFFC00, s1  }
0x14c: {  	(v2sf) =	vpush v0, $0xB;
	s1 =	sand.u32 $0x380, s1;
	s0 =	sadd.s32 s0, s31  }
0x14d: {  	s0 =	sor.u32 s1, s0  }
0x14e: {  	[sflag:s30] =	ssyncset.done $0x0;
	s0 =	sshrl.u32 s0, $0x3  }
0x14f: {  	[sflag:s30] =	ssyncadd.s32 $0xFFFF3800;
	s1 =	spop (v2sf);
	s0 =	sadd.s32 s4, s0  }
0x150: {  	[tilespmem:s21], [sflag:$0x1] =	stream.strided.gather [hbm4b:s0+s12], $0x1900, s11, s12, $0x38;
	[tilespmem:$0x1C080] =	vst v63  }
0x151: {  	s31 =	sand.u32 $0xFFFFFC00, s1;
	s0 =	rddreg [dreg:$0x1b]  }
0x152: {  	(v2sf) =	vpush v0, $0xC;
	s1 =	sand.u32 $0x380, s1;
	s0 =	sadd.s32 s31, s0  }
0x153: {  	s0 =	sor.u32 s1, s0  }
0x154: {  	s0 =	sshrl.u32 s0, $0x3  }
0x155: {  	s1 =	spop (v2sf);
	s0 =	sadd.s32 s4, s0  }
0x156: {  	[tilespmem:s22], [sflag:$0x1] =	stream.strided.gather [hbm4b:s0+s12], $0x1900, s11, s12, $0x38;
	[tilespmem:$0x1C080] =	vst v63  }
0x157: {  	s31 =	sand.u32 $0xFFFFFC00, s1;
	s0 =	rddreg [dreg:$0x1c]  }
0x158: {  	(v2sf) =	vpush v0, $0xD;
	s1 =	sand.u32 $0x380, s1;
	s0 =	sadd.s32 s31, s0  }
0x159: {  	s0 =	sor.u32 s1, s0  }
0x15a: {  	s0 =	sshrl.u32 s0, $0x3  }
0x15b: {  	s0 =	sadd.s32 s4, s0;
	s1 =	spop (v2sf)  }
0x15c: {  	[tilespmem:s23], [sflag:$0x1] =	stream.strided.gather [hbm4b:s0+s12], $0x1900, s11, s12, $0x38;
	[tilespmem:$0x1C080] =	vst v63  }
0x15d: {  	s0 =	rddreg [dreg:$0x1d];
	s31 =	sand.u32 $0xFFFFFC00, s1  }
0x15e: {  	(v2sf) =	vpush v0, $0xE;
	s1 =	sand.u32 $0x380, s1;
	s0 =	sadd.s32 s31, s0  }
0x15f: {  	s0 =	sor.u32 s1, s0  }
0x160: {  	s0 =	sshrl.u32 s0, $0x3  }
0x161: {  	s1 =	spop (v2sf);
	s0 =	sadd.s32 s4, s0  }
0x162: {  	[tilespmem:s24], [sflag:$0x1] =	stream.strided.gather [hbm4b:s0+s12], $0x1900, s11, s12, $0x38;
	[tilespmem:$0x1C080] =	vst v63  }
0x163: {  	s31 =	rddreg [dreg:$0x1e];
	s0 =	sand.u32 $0xFFFFFC00, s1  }
0x164: {  	s1 =	sand.u32 $0x380, s1;
	s0 =	sadd.s32 s0, s31  }
0x165: {  	s0 =	sor.u32 s1, s0  }
0x166: {  	s0 =	sshrl.u32 s0, $0x3  }
0x167: {  	s1 =	spop (v2sf);
	(v2sf) =	vpush v0, $0xF;
	s0 =	sadd.s32 s4, s0  }
0x168: {  	[tilespmem:s25], [sflag:$0x1] =	stream.strided.gather [hbm4b:s0+s12], $0x1900, s11, s12, $0x38;
	[tilespmem:$0x1C080] =	vst v63  }
0x169: {  	s31 =	rddreg [dreg:$0x1f];
	s0 =	sand.u32 $0xFFFFFC00, s1  }
0x16a: {  	s1 =	sand.u32 $0x380, s1;
	s0 =	sadd.s32 s0, s31  }
0x16b: {  	s0 =	sor.u32 s1, s0  }
0x16c: {  	s0 =	sshrl.u32 s0, $0x3  }
0x16d: {  	s31 =	sld [smem:$0x7FC];
	s1 =	spop (v2sf);
	s0 =	sadd.s32 s4, s0  }
0x16e: {  	[tilespmem:s26], [sflag:$0x1] =	stream.strided.gather [hbm4b:s0+s12], $0x1900, s11, s12, $0x38;
	[tilespmem:$0x1C080] =	vst v63  }
0x16f: {  	s0 =	sand.u32 $0xFFFFFC00, s1  }
0x170: {  	s1 =	sand.u32 $0x380, s1;
	s0 =	sadd.s32 s0, s31  }
0x171: {  	s0 =	sor.u32 s1, s0  }
0x172: {  	s0 =	sshrl.u32 s0, $0x3  }
0x173: {  	s0 =	sadd.s32 s4, s0  }
0x174: {  	[tilespmem:s28], [sflag:$0x1] =	stream.strided.gather [hbm4b:s0+s12], $0x1900, s11, s12, $0x38;
	[tilespmem:$0x1C080] =	vst v63  }
0x175: {  	s0 =	sld [smem:$0x7FD]  }
0x176: {  	s1 =	spop (v2sf)  }
0x177: {  	s31 =	sand.u32 $0xFFFFFC00, s1  }
0x178: {  	s1 =	sand.u32 $0x380, s1;
	s0 =	sadd.s32 s31, s0  }
0x179: {  	s0 =	sor.u32 s1, s0  }
0x17a: {  	s0 =	sshrl.u32 s0, $0x3  }
0x17b: {  	s0 =	sadd.s32 s4, s0  }
0x17c: {  	[tilespmem:s29], [sflag:$0x1] =	stream.strided.gather [hbm4b:s0+s12], $0x1900, s11, s12, $0x38;
	[tilespmem:$0x1C080] =	vst v63  }
0x17d: {  	_ =	swait.ge [sflag:s20], $0x1900  }
0x17e: {  	[sflag:s20] =	ssyncset.done $0x0  }
0x17f: {  	[sflag:s20] =	ssyncadd.s32 $0xFFFFE700  }
0x180: {  	_ =	swait.ge [sflag:s20], $0x1900  }
0x181: {  	[sflag:s20] =	ssyncset.done $0x0  }
0x182: {  	[sflag:s20] =	ssyncadd.s32 $0xFFFFE700  }
0x183: {  	_ =	swait.ge [sflag:s20], $0x1900  }
0x184: {  	[sflag:s20] =	ssyncset.done $0x0  }
0x185: {  	[sflag:s20] =	ssyncadd.s32 $0xFFFFE700  }
0x186: {  	_ =	swait.ge [sflag:s20], $0x1900  }
0x187: {  	[sflag:s20] =	ssyncset.done $0x0  }
0x188: {  	[sflag:s20] =	ssyncadd.s32 $0xFFFFE700  }
0x189: {  	_ =	swait.ge [sflag:s20], $0x1900  }
0x18a: {  	[sflag:s20] =	ssyncset.done $0x0  }
0x18b: {  	[sflag:s20] =	ssyncadd.s32 $0xFFFFE700  }
0x18c: {  	_ =	swait.ge [sflag:s20], $0x1900  }
0x18d: {  	[sflag:s20] =	ssyncset.done $0x0  }
0x18e: {  	[sflag:s20] =	ssyncadd.s32 $0xFFFFE700  }
0x18f: {  	_ =	swait.ge [sflag:s20], $0x1900  }
0x190: {  	[sflag:s20] =	ssyncset.done $0x0  }
0x191: {  	[sflag:s20] =	ssyncadd.s32 $0xFFFFE700  }
0x192: {  	_ =	swait.ge [sflag:s20], $0x1900  }
0x193: {  	[sflag:s20] =	ssyncset.done $0x0  }
0x194: {  	[sflag:s20] =	ssyncadd.s32 $0xFFFFE700  }
0x195: {  	[hbm4b:s8+s2] =	stream.linear.scatter [tilespmem:s21], [sflag:$0x2], $0x1900, $0x38;
	[tilespmem:$0x1C080] =	vst v63  }
0x196: {  	s31 =	sadd.s32 $0x380, s8  }
0x197: {  	[hbm4b:s31+s2] =	stream.linear.scatter [tilespmem:s22], [sflag:$0x2], $0x1900, $0x38;
	[tilespmem:$0x1C080] =	vst v63  }
0x198: {  	s1 =	sadd.s32 $0x700, s8  }
0x199: {  	[hbm4b:s1+s2] =	stream.linear.scatter [tilespmem:s23], [sflag:$0x2], $0x1900, $0x38;
	[tilespmem:$0x1C080] =	vst v63  }
0x19a: {  	s31 =	sadd.s32 $0xA80, s8  }
0x19b: {  	[hbm4b:s31+s2] =	stream.linear.scatter [tilespmem:s24], [sflag:$0x2], $0x1900, $0x38;
	[tilespmem:$0x1C080] =	vst v63  }
0x19c: {  	s1 =	sadd.s32 $0xE00, s8  }
0x19d: {  	[hbm4b:s1+s2] =	stream.linear.scatter [tilespmem:s25], [sflag:$0x2], $0x1900, $0x38;
	[tilespmem:$0x1C080] =	vst v63  }
0x19e: {  	s31 =	sadd.s32 $0x1180, s8  }
0x19f: {  	[hbm4b:s31+s2] =	stream.linear.scatter [tilespmem:s26], [sflag:$0x2], $0x1900, $0x38;
	[tilespmem:$0x1C080] =	vst v63  }
0x1a0: {  	s1 =	sadd.s32 $0x1500, s8  }
0x1a1: {  	[hbm4b:s1+s2] =	stream.linear.scatter [tilespmem:s28], [sflag:$0x2], $0x1900, $0x38;
	[tilespmem:$0x1C080] =	vst v63  }
0x1a2: {  	s31 =	sadd.s32 $0x1880, s8  }
0x1a3: {  	[hbm4b:s31+s2] =	stream.linear.scatter [tilespmem:s29], [sflag:$0x2], $0x1900, $0x38;
	[tilespmem:$0x1C080] =	vst v63  }
0x1a4: {  	p0 =	sne.s32 s9, $0x1;
	_ =	swait.ge [sflag:s30], $0xC800  }
.Ltmp0:
0x1a5: {  	[sflag:s30] =	ssyncset.done $0x0;
	(pc) =	sbr.rel @p0 .LBB2_1-.Ltmp0, $4  }
0x1a6: {  	[sflag:s30] =	ssyncadd.s32 $0xFFFF3800  }
0x1a7: {  	_ =	swait.ge [sflag:s30], $0xC800  }
0x1a8: {  	[sflag:s30] =	ssyncset.done $0x0  }
0x1a9: {  	s9 =	sadd.s32 $0xFFFFFFFF, s9;
	[sflag:s30] =	ssyncadd.s32 $0xFFFF3800  }
0x1aa: {  	_ =	sfence.sel $0x180000  }
0x1ab: {  	[bflag:$0x0] =	sbarrier.arrive $0xFFFF  }
0x1ac: {  	_ =	strace $0x9000004A  }
0x1ad: {  	s0 =	stileid.u32;
	[bflag:$0x2] =	sbarrier.arrive $0xFFFF  }
0x1ae: {  	p0 =	sne.s32 s0, $0x0;
	s0 =	rddreg [dreg:$0x1]  }
0x1af: {  	s0 =	sadd.s32 @!p0 $0x100000, s0  }
0x1b0: {  	[sflag:s0] =	ssyncadd.tile.s32 @!p0 $0x1;
	_ =	shalt  }
.Lfunc_end2:
_tile_overlayer_lowered:
.L_overlay_start_2:
0x1b1: {  	(tag) =	ssettag $0x2  }
0x1b2: {  	s0 =	rddreg [dreg:$0x0];
	s2 =	stileid.u32  }
0x1b3: {  	s1 =	rddreg [dreg:$0x1];
	p0 =	sne.s32 s2, $0x0  }
0x1b4: {  	s3 =	rddreg [dreg:$0x2];
	[bflag:$0x3] =	sbarrier.arrive $0xFFFF;
	s2 =	simm.s32 @!p0 $0x1C03  }
0x1b5: {  	[timem:s3], [sflag:s2] =	dma.local @!p0 [hbm:s0], s1  }
0x1b6: {  	s0 =	simm.s32 @!p0 $0x3  }
0x1b7: {  	_ =	swait.ge @!p0 [sflag:s0], s1  }
0x1b8: {  	s1 =	ssub.s32 @!p0 $0x0, s1;
	[sflag:s0] =	ssyncset.done @!p0 $0x0  }
0x1b9: {  	[sflag:s0] =	ssyncadd.s32 @!p0 s1  }
0x1ba: {  	[bflag:$0x3] =	sbarrier.arrive $0xFFFF  }
0x1bb: {  	_ =	shalt  }

// kernel: kernel.8.cloned.1.call-start
scs
__scs_entry_jumppad:
0x0: {  	(pc) =	sbr.rel $0x88, $3  }
0x1: {  	(tag) =	ssettag $0x0;
	lr =	simm.s32 $0x1  }
0x2: {  	[smem:$0x3F9B] =	sst lr;
	_ =	strace $0xD0000000  }
0x3: {  	_ = 	snop  }
0x4: {  	_ = 	snop  }
0x5: {  	_ = 	snop  }
0x6: {  	_ = 	snop  }
0x7: {  	_ = 	snop  }
__scs_overlays_trampoline_lowered:
0x8: {  	[smem:$0x3FAA] =	sst s0  }
0x9: {  	[smem:$0x3FAB] =	sst s1  }
0xa: {  	[smem:$0x3FAC] =	sst s2  }
0xb: {  	[smem:$0x3FAD] =	sst s3  }
0xc: {  	[smem:$0x3FAE] =	sst s4  }
0xd: {  	[smem:$0x3FAF] =	sst s5  }
0xe: {  	[smem:$0x3FB0] =	sst s6  }
0xf: {  	[smem:$0x3FB1] =	sst s7  }
0x10: {  	[smem:$0x3FB2] =	sst s8  }
0x11: {  	[smem:$0x3FB3] =	sst s9;
	s0 =	simm.s32 @!p0 $0x0  }
0x12: {  	s1 =	sld [smem:$0x3F99];
	s0 =	simm.s32 @p0 $0x1  }
0x13: {  	[smem:$0x3FB4] =	sst s0;
	s0 =	simm.s32 @!p1 $0x0  }
0x14: {  	s2 =	sld [smem:$0x3F98];
	s0 =	simm.s32 @p1 $0x1  }
0x15: {  	[smem:$0x3FB5] =	sst s0;
	s0 =	simm.s32 @!p2 $0x0  }
0x16: {  	s3 =	sld [smem:$0x3FDB];
	s0 =	simm.s32 @p2 $0x1  }
0x17: {  	s4 =	simm.s32 $0x1BF5;
	[smem:$0x3FB7] =	sst s0  }
0x18: {  	s0 =	sld [smem:$0x3F9A];
	_ =	swait.ge [sflag:s4], $0x0  }
0x19: {  	s7 =	sld [smem:$0x3F9B]  }
0x1a: {  	s8 =	sadd.s32 $0xFFFFE003, lr  }
0x1b: {  	s9 =	sadd.s32 $0xFFFFFEF7, lr;
	s5 =	simm.s32 $0xFFFFFFFF;
	p2 =	slt.u32 s8, $0xFFFFF086  }
0x1c: {  	p1 =	slt.u32 s9, $0xF7A;
	s5 =	simm.s32 @!p2 $0x0  }
0x1d: {  	s5 =	simm.s32 @p1 $0x1;
	p0 =	seq.s32 s7, s2  }
0x1e: {  	s7 =	smul.u32 @!p0 $0xF7A, s2;
	p2 =	seq.s32 @!p0 s5, $0x0  }
0x1f: {  	s9 =	smul.u32 $0xF7A, s1;
	s8 =	simm.s32 @!p0 $0x1BF5;
	p2 =	por !p2, p0  }
0x20: {  	[sflag:s8] =	ssyncset.s32 @!p0 $0xFFFFF086;
	s6 =	sadd.s32 @!p0 s3, s7;
	s7 =	simm.s32 @!p0 $0x108  }
0x21: {  	s3 =	sadd.s32 s3, s9;
	s6 =	sadd.s32 @!p0 $0x88, s6;
	s7 =	simm.s32 @p2 $0x1082  }
0x22: {  	[simem:s7], [sflag:s8] =	dma.local @!p0 [hbm:s6], $0xF7A  }
0x23: {  	s9 =	sor.u32 $0xD0000000, s2;
	s6 =	simm.s32 $0x108;
	_ =	swait.ge @!p0 [sflag:s8], $0x0  }
0x24: {  	s3 =	sadd.s32 $0x88, s3;
	s6 =	simm.s32 @!p1 $0x1082;
	[sflag:s4] =	ssyncset.s32 $0xFFFFF086  }
0x25: {  	[simem:s6], [sflag:s4] =	dma.local [hbm:s3], $0xF7A  }
0x26: {  	[smem:$0x3F9B] =	sst s1;
	(tag) =	ssettag s2;
	_ =	strace s9  }
0x27: {  	s1 =	sld [smem:$0x3FAB]  }
0x28: {  	s2 =	sld [smem:$0x3FAC]  }
0x29: {  	s4 =	sld [smem:$0x3FAE]  }
0x2a: {  	p0 =	seq.s32 s5, $0x0;
	s5 =	sld [smem:$0x3FAF]  }
0x2b: {  	s6 =	sld [smem:$0x3FB0]  }
0x2c: {  	s7 =	sld [smem:$0x3FB1]  }
0x2d: {  	s3 =	simm.s32 $0x108;
	s8 =	sld [smem:$0x3FB2]  }
0x2e: {  	s3 =	simm.s32 @!p0 $0x1082;
	s9 =	sld [smem:$0x3FB3]  }
0x2f: {  	lr =	sadd.s32 s0, s3;
	s0 =	sld [smem:$0x3FAA]  }
0x30: {  	s3 =	sld [smem:$0x3FAD]  }
0x31: {  	[smem:$0x3FB6] =	sst s10  }
0x32: {  	s10 =	sld [smem:$0x3FB4];
	_ =	sdelay $0x3  }
0x33: {  	p0 =	seq.s32 s10, $0x1;
	s10 =	sld [smem:$0x3FB6];
	_ =	sdelay $0x3  }
0x34: {  	[smem:$0x3FB6] =	sst s10  }
0x35: {  	s10 =	sld [smem:$0x3FB5];
	_ =	sdelay $0x3  }
0x36: {  	p1 =	seq.s32 s10, $0x1;
	s10 =	sld [smem:$0x3FB6];
	_ =	sdelay $0x3  }
0x37: {  	[smem:$0x3FB6] =	sst s10  }
0x38: {  	s10 =	sld [smem:$0x3FB7]  }
0x39: {  	_ = 	snop;
	(pc) =	sbr.ind lr, $3  }
0x3a: {  	_ = 	snop  }
0x3b: {  	_ = 	snop  }
0x3c: {  	p2 =	seq.s32 s10, $0x1;
	s10 =	sld [smem:$0x3FB6]  }
0x3d: {  	_ =	shalt  }
0x3e: {  	_ =	shalt  }
0x3f: {  	_ =	shalt  }
0x40: {  	_ =	shalt  }
0x41: {  	_ =	shalt  }
0x42: {  	_ =	shalt  }
0x43: {  	_ =	shalt  }
0x44: {  	_ =	shalt  }
0x45: {  	_ =	shalt  }
0x46: {  	_ =	shalt  }
0x47: {  	_ =	shalt  }
0x48: {  	_ =	shalt  }
0x49: {  	_ =	shalt  }
0x4a: {  	_ =	shalt  }
0x4b: {  	_ =	shalt  }
0x4c: {  	_ =	shalt  }
0x4d: {  	_ =	shalt  }
0x4e: {  	_ =	shalt  }
0x4f: {  	_ =	shalt  }
0x50: {  	_ =	shalt  }
0x51: {  	_ =	shalt  }
0x52: {  	_ =	shalt  }
0x53: {  	_ =	shalt  }
0x54: {  	_ =	shalt  }
0x55: {  	_ =	shalt  }
0x56: {  	_ =	shalt  }
0x57: {  	_ =	shalt  }
0x58: {  	_ =	shalt  }
0x59: {  	_ =	shalt  }
0x5a: {  	_ =	shalt  }
0x5b: {  	_ =	shalt  }
0x5c: {  	_ =	shalt  }
0x5d: {  	_ =	shalt  }
0x5e: {  	_ =	shalt  }
0x5f: {  	_ =	shalt  }
0x60: {  	_ =	shalt  }
0x61: {  	_ =	shalt  }
0x62: {  	_ =	shalt  }
0x63: {  	_ =	shalt  }
0x64: {  	_ =	shalt  }
0x65: {  	_ =	shalt  }
0x66: {  	_ =	shalt  }
0x67: {  	_ =	shalt  }
0x68: {  	_ =	shalt  }
0x69: {  	_ =	shalt  }
0x6a: {  	_ =	shalt  }
0x6b: {  	_ =	shalt  }
0x6c: {  	_ =	shalt  }
0x6d: {  	_ =	shalt  }
0x6e: {  	_ =	shalt  }
0x6f: {  	_ =	shalt  }
0x70: {  	_ =	shalt  }
0x71: {  	_ =	shalt  }
0x72: {  	_ =	shalt  }
0x73: {  	_ =	shalt  }
0x74: {  	_ =	shalt  }
0x75: {  	_ =	shalt  }
0x76: {  	_ =	shalt  }
0x77: {  	_ =	shalt  }
0x78: {  	_ =	shalt  }
0x79: {  	_ =	shalt  }
0x7a: {  	_ =	shalt  }
0x7b: {  	_ =	shalt  }
0x7c: {  	_ =	shalt  }
0x7d: {  	_ =	shalt  }
0x7e: {  	_ =	shalt  }
0x7f: {  	_ =	shalt  }
0x80: {  	_ =	shalt  }
0x81: {  	_ =	shalt  }
0x82: {  	_ =	shalt  }
0x83: {  	_ =	shalt  }
0x84: {  	_ =	shalt  }
0x85: {  	_ =	shalt  }
0x86: {  	_ =	shalt  }
0x87: {  	_ =	shalt  }
.Lfunc_end0:
.L_simem_size_0:
called_computation.1_lowered:
.L_overlay_start_0:
0x88: {  	s2 =	sld [smem:$0x3FD9]  }
0x89: {  	s3 =	sld [smem:$0x3FFE];
	_ =	sdelay $0x1  }
0x8a: {  	s1 =	srdreg.scid  }
0x8b: {  	s0 =	sand.u32 $0x1, s1  }
0x8c: {  	s17 =	sshll.u32 s0, $0xA;
	s2 =	sadd.s32 s3, s2  }
0x8d: {  	s2 =	sadd.s32 s2, s17  }
0x8e: {  	[smem:$0x3FC2] =	sst s2  }
0x8f: {  	_ = 	snop  }
0x90: {  	s2 =	sld [smem:$0x3FC9]  }
0x91: {  	s18 =	sld [smem:$0x3FD0];
	(tm) =	ssettm $0x1  }
0x92: {  	s4 =	sld [smem:$0x3FFB];
	_ =	sdelay $0x3  }
0x93: {  	_ =	strace s4  }
0x94: {  	s4 =	sld [smem:$0x3FFC];
	_ =	sdelay $0x3  }
0x95: {  	_ =	strace s4  }
0x96: {  	s4 =	sld [smem:$0x3FFD];
	_ =	sdelay $0x3  }
0x97: {  	_ =	strace s4  }
0x98: {  	_ =	strace $0x8FFFFFFF  }
0x99: {  	s19 =	sld [smem:$0x3FDB];
	_ =	sdelay $0x1  }
0x9a: {  	s5 =	simm.s32 $_scs_section_size  }
0x9b: {  	s6 =	simm.s32 $_size__tile_overlayer_lowered;
	s7 =	simm.s32 $_tile_overlayer_lowered  }
0x9c: {  	s22 =	simm.s32 $0x1BFF;
	s21 =	sshll.u32 s7, $0x1;
	s4 =	sadd.s32 s5, s19  }
0x9d: {  	s8 =	simm.s32 $0x0;
	s20 =	sshll.u32 s6, $0x1;
	s6 =	sadd.s32 s21, s4  }
0x9e: {  	[timem:s8], [sflag:s22] =	dma.local [hbm:s6], s20  }
0x9f: {  	_ =	swait.ge [sflag:s22], s20  }
0xa0: {  	s5 =	ssub.s32 $0x0, s20;
	[sflag:s22] =	ssyncset.done $0x0  }
0xa1: {  	[sflag:s22] =	ssyncadd.s32 s5;
	_ =	sdelay $0x1  }
0xa2: {  	s23 =	simm.s32 $0x1B8B  }
0xa3: {  	_ =	swait.ge [sflag:s23], $0x1  }
0xa4: {  	[sflag:s23] =	ssyncset.done $0x0  }
0xa5: {  	s25 =	simm.s32 $0x1B8E;
	s24 =	sld [smem:$0x3FFE];
	[sflag:s23] =	ssyncadd.s32 $0xFFFFFFFF  }
0xa6: {  	s26 =	simm.s32 $execute0_lowered;
	[smem:$0x3FD2] =	sst s25  }
0xa7: {  	s6 =	sshll.u32 s26, $0x1;
	_ =	strace $0x80000046;
	[dreg:$0x1] =	wrdreg $0xFFFFFFFF  }
0xa8: {  	s28 =	simm.s32 $_size_execute0_lowered;
	s4 =	sadd.s32 s4, s6;
	[dreg:$0x0] =	wrdreg $0x0  }
0xa9: {  	s6 =	sshll.u32 s28, $0x1;
	[dreg:$0x2] =	wrdreg s4  }
0xaa: {  	[dreg:$0x3] =	wrdreg s6  }
0xab: {  	[dreg:$0x4] =	wrdreg $0xC0  }
0xac: {  	_ =	task [dreg:s8], $0x5FFFF  }
0xad: {  	[dreg:$0x1] =	wrdreg $0xFFFFFFFF  }
0xae: {  	[dreg:$0x0] =	wrdreg $0x60  }
0xaf: {  	[dreg:$0x2] =	wrdreg s18  }
0xb0: {  	[dreg:$0x3] =	wrdreg s2  }
0xb1: {  	[dreg:$0x4] =	wrdreg s24  }
0xb2: {  	[dreg:$0x5] =	wrdreg $0xA  }
0xb3: {  	_ =	task.clear_ibuf [dreg:s8], $0x6FFFF;
	_ =	strace $0x90000046  }
0xb4: {  	s29 =	simm.s32 $0xA;
	_ =	strace $0x80000048  }
0xb5: {  	_ =	swait.ge [sflag:s29], $0x1  }
0xb6: {  	[sflag:s29] =	ssyncadd.s32 $0xFFFFFFFF  }
0xb7: {  	_ =	strace $0x90000048  }
0xb8: {  	_ =	sfence  }
0xb9: {  	s30 =	sld [smem:$0x0];
	_ =	sdelay $0x2  }
0xba: {  	s31 =	sshll.u32 s1, $0xD;
	s1 =	sshrl.u32 s1, $0x2  }
0xbb: {  	s3 =	sand.u32 $0x4000, s31;
	s1 =	sadd.s32 s1, s30  }
0xbc: {  	s0 =	sor.u32 s3, s0;
	s1 =	sshll.u32 s1, $0x11  }
0xbd: {  	s0 =	sor.u32 s1, s0  }
0xbe: {  	s0 =	sadd.s32 $0x8F2B, s0  }
0xbf: {  	[sflag:s0] =	ssyncadd.remote.s32 $0x1  }
0xc0: {  	_ =	sfence.sel $0xFFFF  }
0xc1: {  	[dreg:$0x0] =	wrdreg $0xFFFFFFFF;
	(pc) =	sbr.abs _section_cstart, $3  }
0xc2: {  	[dreg:$0x1] =	wrdreg $0xFFFFFFFF  }
0xc3: {  	_ =	task.clear_ibuf [dreg:s8], $0x2FFFF;
	_ =	strace $0x9FFFFFFF  }
0xc4: {  	(tm) =	ssettm $0x7FFFFFFF  }
0xc5: {  	_ =	shalt  }
tec
execute0_lowered:
.L_overlay_start_1:
0x0: {  	(tag) =	ssettag $0x1  }
0x1: {  	s2 =	rddreg [dreg:$0x0]  }
0x2: {  	s4 =	rddreg [dreg:$0x1];
	s1 =	srdreg.scid  }
0x3: {  	s0 =	stileid.u32;
	s8 =	rddreg [dreg:$0x2]  }
0x4: {  	s3 =	simm.s32 $0x0;
	s6 =	sand.u32 $0x1, s1;
	s5 =	sshll.u32 s0, $0x1  }
0x5: {  	s7 =	simm.s32 $0x1;
	[smem:$0x7FF] =	sst s3;
	s9 =	sor.u32 s6, s5  }
0x6: {  	s1 =	rddreg [dreg:$0x3];
	_ =	strace $0x80000047;
	s5 =	sshll.u32 s9, $0x2  }
0x7: {  	s10 =	ssub.s32 $0x2, s6;
	s5 =	sadd.s32 s4, s5;
	s4 =	simm.s32 $0x2  }
0x8: {  	[tilespmem:s3], [sflag:$0x2] =	stream.linear.gather [hbm4b:s5+s3], $0x20, $0x38;
	[tilespmem:$0x120] =	vst v63  }
0x9: {  	s6 =	simm.s32 $0x20;
	s11 =	sshrl.u32 s10, $0x1;
	_ =	swait.ge [sflag:s4], $0x20  }
0xa: {  	s9 =	sshll.u32 s9, $0x5;
	s31 =	ssub.s32 s10, s11;
	[sflag:s4] =	ssyncset.done $0x0  }
0xb: {  	s8 =	sadd.s32 s9, s8;
	s9 =	smax.u32 s31, $0x1;
	[sflag:s4] =	ssyncadd.s32 $0xFFFFFFE0  }
0xc: {  	[tilespmem:s6], [sflag:$0x1] =	stream.indirect.gather [hbm4b:s2+s6], $0x8, s3, s6, $0xb8;
	[tilespmem:$0x120] =	vst v63  }
0xd: {  	p0 =	sne.s32 s9, $0x1;
	_ =	swait.ge [sflag:s7], $0x100  }
.Ltmp0:
0xe: {  	[sflag:s7] =	ssyncset.done $0x0;
	(pc) =	sbr.rel @!p0 .LBB2_2-.Ltmp0, $4  }
0xf: {  	s8 =	sadd.s32 $0xE00, s8;
	[sflag:s7] =	ssyncadd.s32 $0xFFFFFF00  }
0x10: {  	[hbm4b:s8+s3] =	stream.linear.scatter [tilespmem:s6], [sflag:$0x2], $0x100, $0x38;
	[tilespmem:$0x120] =	vst v63  }
0x11: {  	_ =	swait.ge [sflag:s4], $0x100  }
0x12: {  	s9 =	sadd.s32 $0xFFFFFFFF, s9;
	[sflag:s4] =	ssyncset.done $0x0  }
.LBB2_1:
0x13: {  	p0 =	sne.s32 s9, $0x1;
	s9 =	sadd.s32 $0xFFFFFFFF, s9;
	[sflag:s4] =	ssyncadd.s32 $0xFFFFFF00  }
0x14: {  	[tilespmem:s3], [sflag:$0x2] =	stream.linear.gather [hbm4b:s5+s3], $0x20, $0x38;
	[tilespmem:$0x120] =	vst v63  }
0x15: {  	_ =	swait.ge [sflag:s4], $0x20  }
0x16: {  	[sflag:s4] =	ssyncset.done $0x0  }
0x17: {  	[sflag:s4] =	ssyncadd.s32 $0xFFFFFFE0  }
0x18: {  	[tilespmem:s6], [sflag:$0x1] =	stream.indirect.gather [hbm4b:s2+s6], $0x8, s3, s6, $0xb8;
	[tilespmem:$0x120] =	vst v63  }
0x19: {  	_ =	swait.ge [sflag:s7], $0x100  }
.Ltmp1:
0x1a: {  	[sflag:s7] =	ssyncset.done $0x0;
	(pc) =	sbr.rel @p0 .LBB2_1-.Ltmp1, $4  }
0x1b: {  	[sflag:s7] =	ssyncadd.s32 $0xFFFFFF00  }
0x1c: {  	[hbm4b:s8+s3] =	stream.linear.scatter [tilespmem:s6], [sflag:$0x2], $0x100, $0x38;
	[tilespmem:$0x120] =	vst v63  }
0x1d: {  	_ =	swait.ge [sflag:s4], $0x100  }
0x1e: {  	[sflag:s4] =	ssyncset.done $0x0  }
.LBB2_2:
0x1f: {  	[sflag:s4] =	ssyncadd.s32 $0xFFFFFF00  }
0x20: {  	_ =	sfence.sel $0x180000  }
0x21: {  	[bflag:$0x0] =	sbarrier.arrive $0xFFFF  }
0x22: {  	p0 =	sne.s32 s0, $0x0;
	_ =	strace $0x90000047  }
0x23: {  	s0 =	sadd.s32 @!p0 $0x100000, s1;
	[bflag:$0x2] =	sbarrier.arrive $0xFFFF  }
0x24: {  	[sflag:s0] =	ssyncadd.tile.s32 @!p0 $0x1;
	_ =	shalt  }
.Lfunc_end2:
_tile_overlayer_lowered:
.L_overlay_start_2:
0x25: {  	(tag) =	ssettag $0x2  }
0x26: {  	s0 =	rddreg [dreg:$0x0];
	s2 =	stileid.u32  }
0x27: {  	s1 =	rddreg [dreg:$0x1];
	p0 =	sne.s32 s2, $0x0  }
0x28: {  	s3 =	rddreg [dreg:$0x2];
	[bflag:$0x3] =	sbarrier.arrive $0xFFFF;
	s2 =	simm.s32 @!p0 $0x1C02  }
0x29: {  	[timem:s3], [sflag:s2] =	dma.local @!p0 [hbm:s0], s1  }
0x2a: {  	s0 =	simm.s32 @!p0 $0x2  }
0x2b: {  	_ =	swait.ge @!p0 [sflag:s0], s1  }
0x2c: {  	s1 =	ssub.s32 @!p0 $0x0, s1;
	[sflag:s0] =	ssyncset.done @!p0 $0x0  }
0x2d: {  	[sflag:s0] =	ssyncadd.s32 @!p0 s1  }
0x2e: {  	[bflag:$0x3] =	sbarrier.arrive $0xFFFF  }
0x2f: {  	_ =	shalt  }

</sc_bundles>
